<compile_context>
chip_gen: v7x
topology: tpu7x:2x2x1
jax: 0.10.2.dev20260603
libtpu: 0.0.44.dev20260713+nightly
codegen_flags: <defaults>
</compile_context>

<pallas_src>
import functools

import jax
import jax.numpy as jnp
from jax import lax
from jax.experimental import pallas as pl
from jax.experimental.pallas import tpu as pltpu
from jax.experimental.pallas import tpu_sc as plsc

B = 16384
D = 32
NC = 2
NS = 16
NW = NC * NS
BPW = B // NW
L = 16
TILE_WORDS = 1024


def _sc_stage(inp_t, uemb_t, user_bias_flat, bemb_t, book_bias_flat):
    mesh = plsc.VectorSubcoreMesh(core_axis_name="c", subcore_axis_name="s")

    @functools.partial(
        pl.kernel,
        out_type=(
            jax.ShapeDtypeStruct((NW * L,), jnp.float32),
            jax.ShapeDtypeStruct((B,), jnp.float32),
        ),
        mesh=mesh,
        compiler_params=pltpu.CompilerParams(
            needs_layout_passes=False, disable_bounds_checks=True),
        scratch_types=[
            pltpu.VMEM((BPW,), jnp.int32),
            pltpu.VMEM((BPW,), jnp.int32),
            pltpu.VMEM((BPW,), jnp.int32),
            pltpu.VMEM((BPW,), jnp.int32),
            [pltpu.VMEM((BPW,), jnp.float32) for _ in range(D)],
            [pltpu.VMEM((BPW,), jnp.float32) for _ in range(D)],
            pltpu.VMEM((BPW,), jnp.float32),
            pltpu.VMEM((BPW,), jnp.float32),
            pltpu.VMEM((BPW,), jnp.float32),
            pltpu.VMEM((L,), jnp.float32),
            pltpu.SemaphoreType.DMA,
            pltpu.SemaphoreType.DMA,
            pltpu.SemaphoreType.DMA,
            pltpu.SemaphoreType.DMA,
        ],
    )
    def k(inp_hbm, uemb_hbm, ubias_hbm, bemb_hbm, bbias_hbm,
          part_hbm, t_hbm,
          uidx_v, bidx_v, ubase_v, bbase_v, uvals, bvals,
          ub_v, bb_v, t_v, acc_v,
          sem_u, sem_b, sem_ub, sem_bb):
        wid = lax.axis_index("s") * NC + lax.axis_index("c")
        base = wid * BPW
        ci = pltpu.async_copy(inp_hbm.at[0, pl.ds(base, BPW)], uidx_v, sem_ub)
        cj = pltpu.async_copy(inp_hbm.at[1, pl.ds(base, BPW)], bidx_v, sem_bb)
        ci.wait()
        cj.wait()

        lane_mask = jnp.full((L,), 127, jnp.int32)

        def obody(j, carry):
            sl = pl.ds(j * L, L)
            ui = uidx_v[sl]
            bi = bidx_v[sl]
            ubase_v[sl] = lax.shift_left(
                lax.shift_right_logical(ui, 7), 10) + (ui & lane_mask)
            bbase_v[sl] = lax.shift_left(
                lax.shift_right_logical(bi, 7), 10) + (bi & lane_mask)
            return carry

        lax.fori_loop(0, BPW // L, obody, 0)

        cus, cbs = [], []
        for f in range(D):
            cus.append(pltpu.async_copy(
                uemb_hbm.at[f, pl.ds(0, 128)].at[ubase_v],
                uvals[f], sem_u))
            cbs.append(pltpu.async_copy(
                bemb_hbm.at[f, pl.ds(0, 128)].at[bbase_v],
                bvals[f], sem_b))
        cub = pltpu.async_copy(ubias_hbm.at[0].at[uidx_v], ub_v, sem_ub)
        cbb = pltpu.async_copy(bbias_hbm.at[0].at[bidx_v], bb_v, sem_bb)

        cub.wait()
        cbb.wait()

        def tbody(j, carry):
            sl = pl.ds(j * L, L)
            t_v[sl] = ub_v[sl] + bb_v[sl]
            return carry

        lax.fori_loop(0, BPW // L, tbody, 0)
        pltpu.sync_copy(t_v, t_hbm.at[pl.ds(base, BPW)])

        for c in cus:
            c.wait()
        for c in cbs:
            c.wait()

        def jbody(j, acc):
            sl = pl.ds(j * L, L)
            for f in range(D):
                acc = acc + uvals[f][sl] * bvals[f][sl]
            return acc

        acc = lax.fori_loop(0, BPW // L, jbody, jnp.zeros((L,), jnp.float32))
        acc_v[...] = acc
        pltpu.sync_copy(acc_v, part_hbm.at[pl.ds(wid * L, L)])

    return k(inp_t, uemb_t, user_bias_flat, bemb_t, book_bias_flat)


def _tc_finish(partials, t):
    def body(p_ref, t_ref, o_ref):
        s = jnp.sum(p_ref[...])
        o_ref[...] = jax.nn.sigmoid(t_ref[...] + s)

    out = pl.pallas_call(
        body,
        out_shape=jax.ShapeDtypeStruct((128, 128), jnp.float32),
    )(partials.reshape(4, 128), t.reshape(128, 128))
    return out.reshape(B, 1)


def kernel(inputs, user_embedding, user_bias, book_embedding, book_bias):
    partials, t = _sc_stage(
        inputs.T.astype(jnp.int32),
        user_embedding.T, user_bias.T,
        book_embedding.T, book_bias.T,
    )
    return _tc_finish(partials, t)

# --- scband reference (transcript-rebuilt; emitter-appended) ---
"""Pipeline reference for scband-recommender-net-28810640621590 (READ-ONLY COPY).

The authoritative reference and input builder live on the scoring server;
editing this copy changes nothing except your own understanding.
"""

import jax, jax.numpy as jnp
import numpy as np

NUM_USERS = 1000000
NUM_BOOKS = 1000000
EMBED_DIM = 32
BATCH = 16384


def setup_inputs(seed: int = 0) -> dict:
    key = jax.random.key(seed)
    k1, k2, k3, k4, k5 = jax.random.split(key, 5)
    inputs = jax.random.randint(k1, (BATCH, 2), 0, NUM_USERS, dtype=jnp.int64) if jax.config.jax_enable_x64 else jax.random.randint(k1, (BATCH, 2), 0, NUM_USERS, dtype=jnp.int32)
    # he_normal stddev = sqrt(2 / fan_in); Keras Embedding fan_in = embedding_size
    he_std = float(np.sqrt(2.0 / EMBED_DIM))
    user_embedding = jax.random.normal(k2, (NUM_USERS, EMBED_DIM), dtype=jnp.float32) * he_std
    book_embedding = jax.random.normal(k3, (NUM_BOOKS, EMBED_DIM), dtype=jnp.float32) * he_std
    # bias embeddings use keras default 'uniform' init in [-0.05, 0.05]
    user_bias = jax.random.uniform(k4, (NUM_USERS, 1), dtype=jnp.float32, minval=-0.05, maxval=0.05)
    book_bias = jax.random.uniform(k5, (NUM_BOOKS, 1), dtype=jnp.float32, minval=-0.05, maxval=0.05)
    return {
        "inputs": inputs,
        "user_embedding": user_embedding,
        "user_bias": user_bias,
        "book_embedding": book_embedding,
        "book_bias": book_bias,
    }


def reference(inputs, user_embedding, user_bias, book_embedding, book_bias):
    user_idx = inputs[:, 0]
    book_idx = inputs[:, 1]
    user_vector = jnp.take(user_embedding, user_idx, axis=0)   # [B, D]
    # dropout is inactive at inference (training=False), identity
    ub = jnp.take(user_bias, user_idx, axis=0)                 # [B, 1]
    book_vector = jnp.take(book_embedding, book_idx, axis=0)   # [B, D]
    bb = jnp.take(book_bias, book_idx, axis=0)                 # [B, 1]
    # tf.tensordot(a, b, 2) contracts over ALL axes of both [B, D] tensors -> scalar
    dot_user_book = jnp.tensordot(user_vector, book_vector, axes=2)  # scalar
    x = dot_user_book + ub + bb                                # [B, 1] via broadcast
    return jax.nn.sigmoid(x)

if __name__ == "__main__":
    import jax
    _d = setup_inputs()
    print(jax.jit(kernel)(*tuple(_d.values())))

</pallas_src>

<mosaic_0001>
#map = affine_map<(d0, d1) -> (0, 0)>
#map1 = affine_map<(d0, d1) -> (0)>
module attributes {stable_mosaic.version = 14 : i64} {
  func.func @k(%arg0: i32, %arg1: i32, %arg2: memref<2x16384xi32, #tpu.memory_space<hbm>>, %arg3: memref<32x1000000xf32, #tpu.memory_space<hbm>>, %arg4: memref<1x1000000xf32, #tpu.memory_space<hbm>>, %arg5: memref<32x1000000xf32, #tpu.memory_space<hbm>>, %arg6: memref<1x1000000xf32, #tpu.memory_space<hbm>>, %arg7: memref<512xf32, #tpu.memory_space<hbm>>, %arg8: memref<16384xf32, #tpu.memory_space<hbm>>, %arg9: memref<512xi32, #tpu.memory_space<vmem>>, %arg10: memref<512xi32, #tpu.memory_space<vmem>>, %arg11: memref<512xi32, #tpu.memory_space<vmem>>, %arg12: memref<512xi32, #tpu.memory_space<vmem>>, %arg13: memref<512xf32, #tpu.memory_space<vmem>>, %arg14: memref<512xf32, #tpu.memory_space<vmem>>, %arg15: memref<512xf32, #tpu.memory_space<vmem>>, %arg16: memref<512xf32, #tpu.memory_space<vmem>>, %arg17: memref<512xf32, #tpu.memory_space<vmem>>, %arg18: memref<512xf32, #tpu.memory_space<vmem>>, %arg19: memref<512xf32, #tpu.memory_space<vmem>>, %arg20: memref<512xf32, #tpu.memory_space<vmem>>, %arg21: memref<512xf32, #tpu.memory_space<vmem>>, %arg22: memref<512xf32, #tpu.memory_space<vmem>>, %arg23: memref<512xf32, #tpu.memory_space<vmem>>, %arg24: memref<512xf32, #tpu.memory_space<vmem>>, %arg25: memref<512xf32, #tpu.memory_space<vmem>>, %arg26: memref<512xf32, #tpu.memory_space<vmem>>, %arg27: memref<512xf32, #tpu.memory_space<vmem>>, %arg28: memref<512xf32, #tpu.memory_space<vmem>>, %arg29: memref<512xf32, #tpu.memory_space<vmem>>, %arg30: memref<512xf32, #tpu.memory_space<vmem>>, %arg31: memref<512xf32, #tpu.memory_space<vmem>>, %arg32: memref<512xf32, #tpu.memory_space<vmem>>, %arg33: memref<512xf32, #tpu.memory_space<vmem>>, %arg34: memref<512xf32, #tpu.memory_space<vmem>>, %arg35: memref<512xf32, #tpu.memory_space<vmem>>, %arg36: memref<512xf32, #tpu.memory_space<vmem>>, %arg37: memref<512xf32, #tpu.memory_space<vmem>>, %arg38: memref<512xf32, #tpu.memory_space<vmem>>, %arg39: memref<512xf32, #tpu.memory_space<vmem>>, %arg40: memref<512xf32, #tpu.memory_space<vmem>>, %arg41: memref<512xf32, #tpu.memory_space<vmem>>, %arg42: memref<512xf32, #tpu.memory_space<vmem>>, %arg43: memref<512xf32, #tpu.memory_space<vmem>>, %arg44: memref<512xf32, #tpu.memory_space<vmem>>, %arg45: memref<512xf32, #tpu.memory_space<vmem>>, %arg46: memref<512xf32, #tpu.memory_space<vmem>>, %arg47: memref<512xf32, #tpu.memory_space<vmem>>, %arg48: memref<512xf32, #tpu.memory_space<vmem>>, %arg49: memref<512xf32, #tpu.memory_space<vmem>>, %arg50: memref<512xf32, #tpu.memory_space<vmem>>, %arg51: memref<512xf32, #tpu.memory_space<vmem>>, %arg52: memref<512xf32, #tpu.memory_space<vmem>>, %arg53: memref<512xf32, #tpu.memory_space<vmem>>, %arg54: memref<512xf32, #tpu.memory_space<vmem>>, %arg55: memref<512xf32, #tpu.memory_space<vmem>>, %arg56: memref<512xf32, #tpu.memory_space<vmem>>, %arg57: memref<512xf32, #tpu.memory_space<vmem>>, %arg58: memref<512xf32, #tpu.memory_space<vmem>>, %arg59: memref<512xf32, #tpu.memory_space<vmem>>, %arg60: memref<512xf32, #tpu.memory_space<vmem>>, %arg61: memref<512xf32, #tpu.memory_space<vmem>>, %arg62: memref<512xf32, #tpu.memory_space<vmem>>, %arg63: memref<512xf32, #tpu.memory_space<vmem>>, %arg64: memref<512xf32, #tpu.memory_space<vmem>>, %arg65: memref<512xf32, #tpu.memory_space<vmem>>, %arg66: memref<512xf32, #tpu.memory_space<vmem>>, %arg67: memref<512xf32, #tpu.memory_space<vmem>>, %arg68: memref<512xf32, #tpu.memory_space<vmem>>, %arg69: memref<512xf32, #tpu.memory_space<vmem>>, %arg70: memref<512xf32, #tpu.memory_space<vmem>>, %arg71: memref<512xf32, #tpu.memory_space<vmem>>, %arg72: memref<512xf32, #tpu.memory_space<vmem>>, %arg73: memref<512xf32, #tpu.memory_space<vmem>>, %arg74: memref<512xf32, #tpu.memory_space<vmem>>, %arg75: memref<512xf32, #tpu.memory_space<vmem>>, %arg76: memref<512xf32, #tpu.memory_space<vmem>>, %arg77: memref<512xf32, #tpu.memory_space<vmem>>, %arg78: memref<512xf32, #tpu.memory_space<vmem>>, %arg79: memref<512xf32, #tpu.memory_space<vmem>>, %arg80: memref<16xf32, #tpu.memory_space<vmem>>, %arg81: memref<!tpu.dma_semaphore, #tpu.memory_space<semaphore_mem>>, %arg82: memref<!tpu.dma_semaphore, #tpu.memory_space<semaphore_mem>>, %arg83: memref<!tpu.dma_semaphore, #tpu.memory_space<semaphore_mem>>, %arg84: memref<!tpu.dma_semaphore, #tpu.memory_space<semaphore_mem>>) attributes {dimension_semantics = [#tpu.dimension_semantics<core_parallel>, #tpu.dimension_semantics<subcore_parallel>], iteration_bounds = array<i64: 2, 16>, scalar_prefetch = 0 : i64, scratch_operands = 76 : i64, tpu.core_type = #tpu.core_type<sc_vector_subcore>, window_params = [{transform_indices = #map}, {transform_indices = #map}, {transform_indices = #map}, {transform_indices = #map}, {transform_indices = #map}, {transform_indices = #map1}, {transform_indices = #map1}]} {
    %mul3A = arith.constant 2 : i32
    %mul3A_0 = arith.muli %arg1, %mul3A : i32
    %add3A = arith.addi %mul3A_0, %arg0 : i32
    %mul3A_1 = arith.constant 512 : i32
    %mul3A_2 = arith.muli %add3A, %mul3A_1 : i32
    %dma_start3A = arith.constant 0 : i32
    %dma_start3A_3 = tpu.memref_slice %arg2[%dma_start3A, %mul3A_2] : memref<2x16384xi32, #tpu.memory_space<hbm>> -> memref<1x512xi32, #tpu.memory_space<hbm>>
    %dma_start3A_4 = tpu.memref_squeeze %dma_start3A_3 : memref<1x512xi32, #tpu.memory_space<hbm>> -> memref<512xi32, #tpu.memory_space<hbm>>
    %dma_start3A_5 = tpu.memref_slice %arg2[%dma_start3A, %mul3A_2] : memref<2x16384xi32, #tpu.memory_space<hbm>> -> memref<1x512xi32, #tpu.memory_space<hbm>>
    %dma_start3A_6 = tpu.memref_squeeze %dma_start3A_5 : memref<1x512xi32, #tpu.memory_space<hbm>> -> memref<512xi32, #tpu.memory_space<hbm>>
    tpu.enqueue_dma source(%dma_start3A_6 : memref<512xi32, #tpu.memory_space<hbm>>) target(%arg9 : memref<512xi32, #tpu.memory_space<vmem>>) target_semaphore(%arg83 : memref<!tpu.dma_semaphore, #tpu.memory_space<semaphore_mem>>)
    %dma_start3A_7 = arith.constant 1 : i32
    %dma_start3A_8 = tpu.memref_slice %arg2[%dma_start3A_7, %mul3A_2] : memref<2x16384xi32, #tpu.memory_space<hbm>> -> memref<1x512xi32, #tpu.memory_space<hbm>>
    %dma_start3A_9 = tpu.memref_squeeze %dma_start3A_8 : memref<1x512xi32, #tpu.memory_space<hbm>> -> memref<512xi32, #tpu.memory_space<hbm>>
    %dma_start3A_10 = tpu.memref_slice %arg2[%dma_start3A_7, %mul3A_2] : memref<2x16384xi32, #tpu.memory_space<hbm>> -> memref<1x512xi32, #tpu.memory_space<hbm>>
    %dma_start3A_11 = tpu.memref_squeeze %dma_start3A_10 : memref<1x512xi32, #tpu.memory_space<hbm>> -> memref<512xi32, #tpu.memory_space<hbm>>
    tpu.enqueue_dma source(%dma_start3A_11 : memref<512xi32, #tpu.memory_space<hbm>>) target(%arg10 : memref<512xi32, #tpu.memory_space<vmem>>) target_semaphore(%arg84 : memref<!tpu.dma_semaphore, #tpu.memory_space<semaphore_mem>>)
    %dma_wait3A = arith.constant 0 : i32
    %dma_wait3A_12 = tpu.memref_slice %arg2[%dma_wait3A, %mul3A_2] : memref<2x16384xi32, #tpu.memory_space<hbm>> -> memref<1x512xi32, #tpu.memory_space<hbm>>
    %dma_wait3A_13 = tpu.memref_squeeze %dma_wait3A_12 : memref<1x512xi32, #tpu.memory_space<hbm>> -> memref<512xi32, #tpu.memory_space<hbm>>
    %dma_wait3A_14 = tpu.memref_slice %arg2[%dma_wait3A, %mul3A_2] : memref<2x16384xi32, #tpu.memory_space<hbm>> -> memref<1x512xi32, #tpu.memory_space<hbm>>
    %dma_wait3A_15 = tpu.memref_squeeze %dma_wait3A_14 : memref<1x512xi32, #tpu.memory_space<hbm>> -> memref<512xi32, #tpu.memory_space<hbm>>
    tpu.wait_dma2 semaphore(%arg83 : memref<!tpu.dma_semaphore, #tpu.memory_space<semaphore_mem>>) src(%dma_wait3A_15 : memref<512xi32, #tpu.memory_space<hbm>>) dst(%arg9 : memref<512xi32, #tpu.memory_space<vmem>>)
    %dma_wait3A_16 = arith.constant 1 : i32
    %dma_wait3A_17 = tpu.memref_slice %arg2[%dma_wait3A_16, %mul3A_2] : memref<2x16384xi32, #tpu.memory_space<hbm>> -> memref<1x512xi32, #tpu.memory_space<hbm>>
    %dma_wait3A_18 = tpu.memref_squeeze %dma_wait3A_17 : memref<1x512xi32, #tpu.memory_space<hbm>> -> memref<512xi32, #tpu.memory_space<hbm>>
    %dma_wait3A_19 = tpu.memref_slice %arg2[%dma_wait3A_16, %mul3A_2] : memref<2x16384xi32, #tpu.memory_space<hbm>> -> memref<1x512xi32, #tpu.memory_space<hbm>>
    %dma_wait3A_20 = tpu.memref_squeeze %dma_wait3A_19 : memref<1x512xi32, #tpu.memory_space<hbm>> -> memref<512xi32, #tpu.memory_space<hbm>>
    tpu.wait_dma2 semaphore(%arg84 : memref<!tpu.dma_semaphore, #tpu.memory_space<semaphore_mem>>) src(%dma_wait3A_20 : memref<512xi32, #tpu.memory_space<hbm>>) dst(%arg10 : memref<512xi32, #tpu.memory_space<vmem>>)
    %broadcast_in_dim3A = arith.constant 127 : i32
    %broadcast_in_dim3A_21 = vector.broadcast %broadcast_in_dim3A : i32 to vector<16xi32>
    %scan3A = arith.constant 0 : i32
    %scan3A_22 = arith.constant 0 : i32
    %scan3A_23 = arith.constant 32 : i32
    %scan3A_24 = arith.addi %scan3A_22, %scan3A_23 : i32
    %scan3A_25 = arith.constant 1 : i32
    scf.for %scan3A_836 = %scan3A_22 to %scan3A_24 step %scan3A_25  : i32 {
      %mul3A_837 = arith.constant 16 : i32
      %mul3A_838 = arith.muli %scan3A_836, %mul3A_837 : i32
      %get3A = arith.index_cast %mul3A_838 : i32 to index
      %get3A_839 = tpu.vector_load %arg9[%get3A] {strides = array<i32>} : memref<512xi32, #tpu.memory_space<vmem>>, vector<16xi32>,
      %get3A_840 = arith.index_cast %mul3A_838 : i32 to index
      %get3A_841 = tpu.vector_load %arg10[%get3A_840] {strides = array<i32>} : memref<512xi32, #tpu.memory_space<vmem>>, vector<16xi32>,
      %shift_right_logical3A = arith.constant 7 : i32
      %shift_right_logical3A_842 = vector.broadcast %shift_right_logical3A : i32 to vector<16xi32>
      %shift_right_logical3A_843 = arith.shrui %get3A_839, %shift_right_logical3A_842 : vector<16xi32>
      %shift_left3A = arith.constant 10 : i32
      %shift_left3A_844 = vector.broadcast %shift_left3A : i32 to vector<16xi32>
      %shift_left3A_845 = arith.shli %shift_right_logical3A_843, %shift_left3A_844 : vector<16xi32>
      %and3A = arith.andi %get3A_839, %broadcast_in_dim3A_21 : vector<16xi32>
      %add3A_846 = arith.addi %shift_left3A_845, %and3A : vector<16xi32>
      %swap3A_847 = arith.index_cast %mul3A_838 : i32 to index
      %swap3A_848 = tpu.vector_load %arg11[%swap3A_847] {strides = array<i32>} : memref<512xi32, #tpu.memory_space<vmem>>, vector<16xi32>,
      tpu.vector_store %arg11[%swap3A_847], %add3A_846 {strides = array<i32>} : memref<512xi32, #tpu.memory_space<vmem>>, vector<16xi32>,
      %shift_right_logical3A_849 = arith.constant 7 : i32
      %shift_right_logical3A_850 = vector.broadcast %shift_right_logical3A_849 : i32 to vector<16xi32>
      %shift_right_logical3A_851 = arith.shrui %get3A_841, %shift_right_logical3A_850 : vector<16xi32>
      %shift_left3A_852 = arith.constant 10 : i32
      %shift_left3A_853 = vector.broadcast %shift_left3A_852 : i32 to vector<16xi32>
      %shift_left3A_854 = arith.shli %shift_right_logical3A_851, %shift_left3A_853 : vector<16xi32>
      %and3A_855 = arith.andi %get3A_841, %broadcast_in_dim3A_21 : vector<16xi32>
      %add3A_856 = arith.addi %shift_left3A_854, %and3A_855 : vector<16xi32>
      %swap3A_857 = arith.index_cast %mul3A_838 : i32 to index
      %swap3A_858 = tpu.vector_load %arg12[%swap3A_857] {strides = array<i32>} : memref<512xi32, #tpu.memory_space<vmem>>, vector<16xi32>,
      tpu.vector_store %arg12[%swap3A_857], %add3A_856 {strides = array<i32>} : memref<512xi32, #tpu.memory_space<vmem>>, vector<16xi32>,
    }
    %scan3A_26 = arith.constant 32 : i32
    %dma_start3A_27 = arith.constant 0 : i32
    %dma_start3A_28 = arith.constant 0 : i32
    %dma_start3A_29 = tpu.memref_slice %arg3[%dma_start3A_27, %dma_start3A_28] : memref<32x1000000xf32, #tpu.memory_space<hbm>> -> memref<1x128xf32, #tpu.memory_space<hbm>>
    %dma_start3A_30 = tpu.memref_squeeze %dma_start3A_29 : memref<1x128xf32, #tpu.memory_space<hbm>> -> memref<128xf32, #tpu.memory_space<hbm>>
    %dma_start3A_31 = arith.constant 0 : i32
    %dma_start3A_32 = tpu.memref_slice %dma_start3A_30[%dma_start3A_31] : memref<128xf32, #tpu.memory_space<hbm>> -> memref<128xf32, #tpu.memory_space<hbm>>
    tpu.enqueue_indirect_dma source(%dma_start3A_32 : memref<128xf32, #tpu.memory_space<hbm>>) target(%arg13 : memref<512xf32, #tpu.memory_space<vmem>>) offsets(%arg11 : memref<512xi32, #tpu.memory_space<vmem>>) semaphore(%arg81 : memref<!tpu.dma_semaphore, #tpu.memory_space<semaphore_mem>>)
    %dma_start3A_33 = arith.constant 0 : i32
    %dma_start3A_34 = arith.constant 0 : i32
    %dma_start3A_35 = tpu.memref_slice %arg5[%dma_start3A_33, %dma_start3A_34] : memref<32x1000000xf32, #tpu.memory_space<hbm>> -> memref<1x128xf32, #tpu.memory_space<hbm>>
    %dma_start3A_36 = tpu.memref_squeeze %dma_start3A_35 : memref<1x128xf32, #tpu.memory_space<hbm>> -> memref<128xf32, #tpu.memory_space<hbm>>
    %dma_start3A_37 = arith.constant 0 : i32
    %dma_start3A_38 = tpu.memref_slice %dma_start3A_36[%dma_start3A_37] : memref<128xf32, #tpu.memory_space<hbm>> -> memref<128xf32, #tpu.memory_space<hbm>>
    tpu.enqueue_indirect_dma source(%dma_start3A_38 : memref<128xf32, #tpu.memory_space<hbm>>) target(%arg45 : memref<512xf32, #tpu.memory_space<vmem>>) offsets(%arg12 : memref<512xi32, #tpu.memory_space<vmem>>) semaphore(%arg82 : memref<!tpu.dma_semaphore, #tpu.memory_space<semaphore_mem>>)
    %dma_start3A_39 = arith.constant 1 : i32
    %dma_start3A_40 = arith.constant 0 : i32
    %dma_start3A_41 = tpu.memref_slice %arg3[%dma_start3A_39, %dma_start3A_40] : memref<32x1000000xf32, #tpu.memory_space<hbm>> -> memref<1x128xf32, #tpu.memory_space<hbm>>
    %dma_start3A_42 = tpu.memref_squeeze %dma_start3A_41 : memref<1x128xf32, #tpu.memory_space<hbm>> -> memref<128xf32, #tpu.memory_space<hbm>>
    %dma_start3A_43 = arith.constant 0 : i32
    %dma_start3A_44 = tpu.memref_slice %dma_start3A_42[%dma_start3A_43] : memref<128xf32, #tpu.memory_space<hbm>> -> memref<128xf32, #tpu.memory_space<hbm>>
    tpu.enqueue_indirect_dma source(%dma_start3A_44 : memref<128xf32, #tpu.memory_space<hbm>>) target(%arg14 : memref<512xf32, #tpu.memory_space<vmem>>) offsets(%arg11 : memref<512xi32, #tpu.memory_space<vmem>>) semaphore(%arg81 : memref<!tpu.dma_semaphore, #tpu.memory_space<semaphore_mem>>)
    %dma_start3A_45 = arith.constant 1 : i32
    %dma_start3A_46 = arith.constant 0 : i32
    %dma_start3A_47 = tpu.memref_slice %arg5[%dma_start3A_45, %dma_start3A_46] : memref<32x1000000xf32, #tpu.memory_space<hbm>> -> memref<1x128xf32, #tpu.memory_space<hbm>>
    %dma_start3A_48 = tpu.memref_squeeze %dma_start3A_47 : memref<1x128xf32, #tpu.memory_space<hbm>> -> memref<128xf32, #tpu.memory_space<hbm>>
    %dma_start3A_49 = arith.constant 0 : i32
    %dma_start3A_50 = tpu.memref_slice %dma_start3A_48[%dma_start3A_49] : memref<128xf32, #tpu.memory_space<hbm>> -> memref<128xf32, #tpu.memory_space<hbm>>
    tpu.enqueue_indirect_dma source(%dma_start3A_50 : memref<128xf32, #tpu.memory_space<hbm>>) target(%arg46 : memref<512xf32, #tpu.memory_space<vmem>>) offsets(%arg12 : memref<512xi32, #tpu.memory_space<vmem>>) semaphore(%arg82 : memref<!tpu.dma_semaphore, #tpu.memory_space<semaphore_mem>>)
    %dma_start3A_51 = arith.constant 2 : i32
    %dma_start3A_52 = arith.constant 0 : i32
    %dma_start3A_53 = tpu.memref_slice %arg3[%dma_start3A_51, %dma_start3A_52] : memref<32x1000000xf32, #tpu.memory_space<hbm>> -> memref<1x128xf32, #tpu.memory_space<hbm>>
    %dma_start3A_54 = tpu.memref_squeeze %dma_start3A_53 : memref<1x128xf32, #tpu.memory_space<hbm>> -> memref<128xf32, #tpu.memory_space<hbm>>
    %dma_start3A_55 = arith.constant 0 : i32
    %dma_start3A_56 = tpu.memref_slice %dma_start3A_54[%dma_start3A_55] : memref<128xf32, #tpu.memory_space<hbm>> -> memref<128xf32, #tpu.memory_space<hbm>>
    tpu.enqueue_indirect_dma source(%dma_start3A_56 : memref<128xf32, #tpu.memory_space<hbm>>) target(%arg15 : memref<512xf32, #tpu.memory_space<vmem>>) offsets(%arg11 : memref<512xi32, #tpu.memory_space<vmem>>) semaphore(%arg81 : memref<!tpu.dma_semaphore, #tpu.memory_space<semaphore_mem>>)
    %dma_start3A_57 = arith.constant 2 : i32
    %dma_start3A_58 = arith.constant 0 : i32
    %dma_start3A_59 = tpu.memref_slice %arg5[%dma_start3A_57, %dma_start3A_58] : memref<32x1000000xf32, #tpu.memory_space<hbm>> -> memref<1x128xf32, #tpu.memory_space<hbm>>
    %dma_start3A_60 = tpu.memref_squeeze %dma_start3A_59 : memref<1x128xf32, #tpu.memory_space<hbm>> -> memref<128xf32, #tpu.memory_space<hbm>>
    %dma_start3A_61 = arith.constant 0 : i32
    %dma_start3A_62 = tpu.memref_slice %dma_start3A_60[%dma_start3A_61] : memref<128xf32, #tpu.memory_space<hbm>> -> memref<128xf32, #tpu.memory_space<hbm>>
    tpu.enqueue_indirect_dma source(%dma_start3A_62 : memref<128xf32, #tpu.memory_space<hbm>>) target(%arg47 : memref<512xf32, #tpu.memory_space<vmem>>) offsets(%arg12 : memref<512xi32, #tpu.memory_space<vmem>>) semaphore(%arg82 : memref<!tpu.dma_semaphore, #tpu.memory_space<semaphore_mem>>)
    %dma_start3A_63 = arith.constant 3 : i32
    %dma_start3A_64 = arith.constant 0 : i32
    %dma_start3A_65 = tpu.memref_slice %arg3[%dma_start3A_63, %dma_start3A_64] : memref<32x1000000xf32, #tpu.memory_space<hbm>> -> memref<1x128xf32, #tpu.memory_space<hbm>>
    %dma_start3A_66 = tpu.memref_squeeze %dma_start3A_65 : memref<1x128xf32, #tpu.memory_space<hbm>> -> memref<128xf32, #tpu.memory_space<hbm>>
    %dma_start3A_67 = arith.constant 0 : i32
    %dma_start3A_68 = tpu.memref_slice %dma_start3A_66[%dma_start3A_67] : memref<128xf32, #tpu.memory_space<hbm>> -> memref<128xf32, #tpu.memory_space<hbm>>
    tpu.enqueue_indirect_dma source(%dma_start3A_68 : memref<128xf32, #tpu.memory_space<hbm>>) target(%arg16 : memref<512xf32, #tpu.memory_space<vmem>>) offsets(%arg11 : memref<512xi32, #tpu.memory_space<vmem>>) semaphore(%arg81 : memref<!tpu.dma_semaphore, #tpu.memory_space<semaphore_mem>>)
    %dma_start3A_69 = arith.constant 3 : i32
    %dma_start3A_70 = arith.constant 0 : i32
    %dma_start3A_71 = tpu.memref_slice %arg5[%dma_start3A_69, %dma_start3A_70] : memref<32x1000000xf32, #tpu.memory_space<hbm>> -> memref<1x128xf32, #tpu.memory_space<hbm>>
    %dma_start3A_72 = tpu.memref_squeeze %dma_start3A_71 : memref<1x128xf32, #tpu.memory_space<hbm>> -> memref<128xf32, #tpu.memory_space<hbm>>
    %dma_start3A_73 = arith.constant 0 : i32
    %dma_start3A_74 = tpu.memref_slice %dma_start3A_72[%dma_start3A_73] : memref<128xf32, #tpu.memory_space<hbm>> -> memref<128xf32, #tpu.memory_space<hbm>>
    tpu.enqueue_indirect_dma source(%dma_start3A_74 : memref<128xf32, #tpu.memory_space<hbm>>) target(%arg48 : memref<512xf32, #tpu.memory_space<vmem>>) offsets(%arg12 : memref<512xi32, #tpu.memory_space<vmem>>) semaphore(%arg82 : memref<!tpu.dma_semaphore, #tpu.memory_space<semaphore_mem>>)
    %dma_start3A_75 = arith.constant 4 : i32
    %dma_start3A_76 = arith.constant 0 : i32
    %dma_start3A_77 = tpu.memref_slice %arg3[%dma_start3A_75, %dma_start3A_76] : memref<32x1000000xf32, #tpu.memory_space<hbm>> -> memref<1x128xf32, #tpu.memory_space<hbm>>
    %dma_start3A_78 = tpu.memref_squeeze %dma_start3A_77 : memref<1x128xf32, #tpu.memory_space<hbm>> -> memref<128xf32, #tpu.memory_space<hbm>>
    %dma_start3A_79 = arith.constant 0 : i32
    %dma_start3A_80 = tpu.memref_slice %dma_start3A_78[%dma_start3A_79] : memref<128xf32, #tpu.memory_space<hbm>> -> memref<128xf32, #tpu.memory_space<hbm>>
    tpu.enqueue_indirect_dma source(%dma_start3A_80 : memref<128xf32, #tpu.memory_space<hbm>>) target(%arg17 : memref<512xf32, #tpu.memory_space<vmem>>) offsets(%arg11 : memref<512xi32, #tpu.memory_space<vmem>>) semaphore(%arg81 : memref<!tpu.dma_semaphore, #tpu.memory_space<semaphore_mem>>)
    %dma_start3A_81 = arith.constant 4 : i32
    %dma_start3A_82 = arith.constant 0 : i32
    %dma_start3A_83 = tpu.memref_slice %arg5[%dma_start3A_81, %dma_start3A_82] : memref<32x1000000xf32, #tpu.memory_space<hbm>> -> memref<1x128xf32, #tpu.memory_space<hbm>>
    %dma_start3A_84 = tpu.memref_squeeze %dma_start3A_83 : memref<1x128xf32, #tpu.memory_space<hbm>> -> memref<128xf32, #tpu.memory_space<hbm>>
    %dma_start3A_85 = arith.constant 0 : i32
    %dma_start3A_86 = tpu.memref_slice %dma_start3A_84[%dma_start3A_85] : memref<128xf32, #tpu.memory_space<hbm>> -> memref<128xf32, #tpu.memory_space<hbm>>
    tpu.enqueue_indirect_dma source(%dma_start3A_86 : memref<128xf32, #tpu.memory_space<hbm>>) target(%arg49 : memref<512xf32, #tpu.memory_space<vmem>>) offsets(%arg12 : memref<512xi32, #tpu.memory_space<vmem>>) semaphore(%arg82 : memref<!tpu.dma_semaphore, #tpu.memory_space<semaphore_mem>>)
    %dma_start3A_87 = arith.constant 5 : i32
    %dma_start3A_88 = arith.constant 0 : i32
    %dma_start3A_89 = tpu.memref_slice %arg3[%dma_start3A_87, %dma_start3A_88] : memref<32x1000000xf32, #tpu.memory_space<hbm>> -> memref<1x128xf32, #tpu.memory_space<hbm>>
    %dma_start3A_90 = tpu.memref_squeeze %dma_start3A_89 : memref<1x128xf32, #tpu.memory_space<hbm>> -> memref<128xf32, #tpu.memory_space<hbm>>
    %dma_start3A_91 = arith.constant 0 : i32
    %dma_start3A_92 = tpu.memref_slice %dma_start3A_90[%dma_start3A_91] : memref<128xf32, #tpu.memory_space<hbm>> -> memref<128xf32, #tpu.memory_space<hbm>>
    tpu.enqueue_indirect_dma source(%dma_start3A_92 : memref<128xf32, #tpu.memory_space<hbm>>) target(%arg18 : memref<512xf32, #tpu.memory_space<vmem>>) offsets(%arg11 : memref<512xi32, #tpu.memory_space<vmem>>) semaphore(%arg81 : memref<!tpu.dma_semaphore, #tpu.memory_space<semaphore_mem>>)
    %dma_start3A_93 = arith.constant 5 : i32
    %dma_start3A_94 = arith.constant 0 : i32
    %dma_start3A_95 = tpu.memref_slice %arg5[%dma_start3A_93, %dma_start3A_94] : memref<32x1000000xf32, #tpu.memory_space<hbm>> -> memref<1x128xf32, #tpu.memory_space<hbm>>
    %dma_start3A_96 = tpu.memref_squeeze %dma_start3A_95 : memref<1x128xf32, #tpu.memory_space<hbm>> -> memref<128xf32, #tpu.memory_space<hbm>>
    %dma_start3A_97 = arith.constant 0 : i32
    %dma_start3A_98 = tpu.memref_slice %dma_start3A_96[%dma_start3A_97] : memref<128xf32, #tpu.memory_space<hbm>> -> memref<128xf32, #tpu.memory_space<hbm>>
    tpu.enqueue_indirect_dma source(%dma_start3A_98 : memref<128xf32, #tpu.memory_space<hbm>>) target(%arg50 : memref<512xf32, #tpu.memory_space<vmem>>) offsets(%arg12 : memref<512xi32, #tpu.memory_space<vmem>>) semaphore(%arg82 : memref<!tpu.dma_semaphore, #tpu.memory_space<semaphore_mem>>)
    %dma_start3A_99 = arith.constant 6 : i32
    %dma_start3A_100 = arith.constant 0 : i32
    %dma_start3A_101 = tpu.memref_slice %arg3[%dma_start3A_99, %dma_start3A_100] : memref<32x1000000xf32, #tpu.memory_space<hbm>> -> memref<1x128xf32, #tpu.memory_space<hbm>>
    %dma_start3A_102 = tpu.memref_squeeze %dma_start3A_101 : memref<1x128xf32, #tpu.memory_space<hbm>> -> memref<128xf32, #tpu.memory_space<hbm>>
    %dma_start3A_103 = arith.constant 0 : i32
    %dma_start3A_104 = tpu.memref_slice %dma_start3A_102[%dma_start3A_103] : memref<128xf32, #tpu.memory_space<hbm>> -> memref<128xf32, #tpu.memory_space<hbm>>
    tpu.enqueue_indirect_dma source(%dma_start3A_104 : memref<128xf32, #tpu.memory_space<hbm>>) target(%arg19 : memref<512xf32, #tpu.memory_space<vmem>>) offsets(%arg11 : memref<512xi32, #tpu.memory_space<vmem>>) semaphore(%arg81 : memref<!tpu.dma_semaphore, #tpu.memory_space<semaphore_mem>>)
    %dma_start3A_105 = arith.constant 6 : i32
    %dma_start3A_106 = arith.constant 0 : i32
    %dma_start3A_107 = tpu.memref_slice %arg5[%dma_start3A_105, %dma_start3A_106] : memref<32x1000000xf32, #tpu.memory_space<hbm>> -> memref<1x128xf32, #tpu.memory_space<hbm>>
    %dma_start3A_108 = tpu.memref_squeeze %dma_start3A_107 : memref<1x128xf32, #tpu.memory_space<hbm>> -> memref<128xf32, #tpu.memory_space<hbm>>
    %dma_start3A_109 = arith.constant 0 : i32
    %dma_start3A_110 = tpu.memref_slice %dma_start3A_108[%dma_start3A_109] : memref<128xf32, #tpu.memory_space<hbm>> -> memref<128xf32, #tpu.memory_space<hbm>>
    tpu.enqueue_indirect_dma source(%dma_start3A_110 : memref<128xf32, #tpu.memory_space<hbm>>) target(%arg51 : memref<512xf32, #tpu.memory_space<vmem>>) offsets(%arg12 : memref<512xi32, #tpu.memory_space<vmem>>) semaphore(%arg82 : memref<!tpu.dma_semaphore, #tpu.memory_space<semaphore_mem>>)
    %dma_start3A_111 = arith.constant 7 : i32
    %dma_start3A_112 = arith.constant 0 : i32
    %dma_start3A_113 = tpu.memref_slice %arg3[%dma_start3A_111, %dma_start3A_112] : memref<32x1000000xf32, #tpu.memory_space<hbm>> -> memref<1x128xf32, #tpu.memory_space<hbm>>
    %dma_start3A_114 = tpu.memref_squeeze %dma_start3A_113 : memref<1x128xf32, #tpu.memory_space<hbm>> -> memref<128xf32, #tpu.memory_space<hbm>>
    %dma_start3A_115 = arith.constant 0 : i32
    %dma_start3A_116 = tpu.memref_slice %dma_start3A_114[%dma_start3A_115] : memref<128xf32, #tpu.memory_space<hbm>> -> memref<128xf32, #tpu.memory_space<hbm>>
    tpu.enqueue_indirect_dma source(%dma_start3A_116 : memref<128xf32, #tpu.memory_space<hbm>>) target(%arg20 : memref<512xf32, #tpu.memory_space<vmem>>) offsets(%arg11 : memref<512xi32, #tpu.memory_space<vmem>>) semaphore(%arg81 : memref<!tpu.dma_semaphore, #tpu.memory_space<semaphore_mem>>)
    %dma_start3A_117 = arith.constant 7 : i32
    %dma_start3A_118 = arith.constant 0 : i32
    %dma_start3A_119 = tpu.memref_slice %arg5[%dma_start3A_117, %dma_start3A_118] : memref<32x1000000xf32, #tpu.memory_space<hbm>> -> memref<1x128xf32, #tpu.memory_space<hbm>>
    %dma_start3A_120 = tpu.memref_squeeze %dma_start3A_119 : memref<1x128xf32, #tpu.memory_space<hbm>> -> memref<128xf32, #tpu.memory_space<hbm>>
    %dma_start3A_121 = arith.constant 0 : i32
    %dma_start3A_122 = tpu.memref_slice %dma_start3A_120[%dma_start3A_121] : memref<128xf32, #tpu.memory_space<hbm>> -> memref<128xf32, #tpu.memory_space<hbm>>
    tpu.enqueue_indirect_dma source(%dma_start3A_122 : memref<128xf32, #tpu.memory_space<hbm>>) target(%arg52 : memref<512xf32, #tpu.memory_space<vmem>>) offsets(%arg12 : memref<512xi32, #tpu.memory_space<vmem>>) semaphore(%arg82 : memref<!tpu.dma_semaphore, #tpu.memory_space<semaphore_mem>>)
    %dma_start3A_123 = arith.constant 8 : i32
    %dma_start3A_124 = arith.constant 0 : i32
    %dma_start3A_125 = tpu.memref_slice %arg3[%dma_start3A_123, %dma_start3A_124] : memref<32x1000000xf32, #tpu.memory_space<hbm>> -> memref<1x128xf32, #tpu.memory_space<hbm>>
    %dma_start3A_126 = tpu.memref_squeeze %dma_start3A_125 : memref<1x128xf32, #tpu.memory_space<hbm>> -> memref<128xf32, #tpu.memory_space<hbm>>
    %dma_start3A_127 = arith.constant 0 : i32
    %dma_start3A_128 = tpu.memref_slice %dma_start3A_126[%dma_start3A_127] : memref<128xf32, #tpu.memory_space<hbm>> -> memref<128xf32, #tpu.memory_space<hbm>>
    tpu.enqueue_indirect_dma source(%dma_start3A_128 : memref<128xf32, #tpu.memory_space<hbm>>) target(%arg21 : memref<512xf32, #tpu.memory_space<vmem>>) offsets(%arg11 : memref<512xi32, #tpu.memory_space<vmem>>) semaphore(%arg81 : memref<!tpu.dma_semaphore, #tpu.memory_space<semaphore_mem>>)
    %dma_start3A_129 = arith.constant 8 : i32
    %dma_start3A_130 = arith.constant 0 : i32
    %dma_start3A_131 = tpu.memref_slice %arg5[%dma_start3A_129, %dma_start3A_130] : memref<32x1000000xf32, #tpu.memory_space<hbm>> -> memref<1x128xf32, #tpu.memory_space<hbm>>
    %dma_start3A_132 = tpu.memref_squeeze %dma_start3A_131 : memref<1x128xf32, #tpu.memory_space<hbm>> -> memref<128xf32, #tpu.memory_space<hbm>>
    %dma_start3A_133 = arith.constant 0 : i32
    %dma_start3A_134 = tpu.memref_slice %dma_start3A_132[%dma_start3A_133] : memref<128xf32, #tpu.memory_space<hbm>> -> memref<128xf32, #tpu.memory_space<hbm>>
    tpu.enqueue_indirect_dma source(%dma_start3A_134 : memref<128xf32, #tpu.memory_space<hbm>>) target(%arg53 : memref<512xf32, #tpu.memory_space<vmem>>) offsets(%arg12 : memref<512xi32, #tpu.memory_space<vmem>>) semaphore(%arg82 : memref<!tpu.dma_semaphore, #tpu.memory_space<semaphore_mem>>)
    %dma_start3A_135 = arith.constant 9 : i32
    %dma_start3A_136 = arith.constant 0 : i32
    %dma_start3A_137 = tpu.memref_slice %arg3[%dma_start3A_135, %dma_start3A_136] : memref<32x1000000xf32, #tpu.memory_space<hbm>> -> memref<1x128xf32, #tpu.memory_space<hbm>>
    %dma_start3A_138 = tpu.memref_squeeze %dma_start3A_137 : memref<1x128xf32, #tpu.memory_space<hbm>> -> memref<128xf32, #tpu.memory_space<hbm>>
    %dma_start3A_139 = arith.constant 0 : i32
    %dma_start3A_140 = tpu.memref_slice %dma_start3A_138[%dma_start3A_139] : memref<128xf32, #tpu.memory_space<hbm>> -> memref<128xf32, #tpu.memory_space<hbm>>
    tpu.enqueue_indirect_dma source(%dma_start3A_140 : memref<128xf32, #tpu.memory_space<hbm>>) target(%arg22 : memref<512xf32, #tpu.memory_space<vmem>>) offsets(%arg11 : memref<512xi32, #tpu.memory_space<vmem>>) semaphore(%arg81 : memref<!tpu.dma_semaphore, #tpu.memory_space<semaphore_mem>>)
    %dma_start3A_141 = arith.constant 9 : i32
    %dma_start3A_142 = arith.constant 0 : i32
    %dma_start3A_143 = tpu.memref_slice %arg5[%dma_start3A_141, %dma_start3A_142] : memref<32x1000000xf32, #tpu.memory_space<hbm>> -> memref<1x128xf32, #tpu.memory_space<hbm>>
    %dma_start3A_144 = tpu.memref_squeeze %dma_start3A_143 : memref<1x128xf32, #tpu.memory_space<hbm>> -> memref<128xf32, #tpu.memory_space<hbm>>
    %dma_start3A_145 = arith.constant 0 : i32
    %dma_start3A_146 = tpu.memref_slice %dma_start3A_144[%dma_start3A_145] : memref<128xf32, #tpu.memory_space<hbm>> -> memref<128xf32, #tpu.memory_space<hbm>>
    tpu.enqueue_indirect_dma source(%dma_start3A_146 : memref<128xf32, #tpu.memory_space<hbm>>) target(%arg54 : memref<512xf32, #tpu.memory_space<vmem>>) offsets(%arg12 : memref<512xi32, #tpu.memory_space<vmem>>) semaphore(%arg82 : memref<!tpu.dma_semaphore, #tpu.memory_space<semaphore_mem>>)
    %dma_start3A_147 = arith.constant 10 : i32
    %dma_start3A_148 = arith.constant 0 : i32
    %dma_start3A_149 = tpu.memref_slice %arg3[%dma_start3A_147, %dma_start3A_148] : memref<32x1000000xf32, #tpu.memory_space<hbm>> -> memref<1x128xf32, #tpu.memory_space<hbm>>
    %dma_start3A_150 = tpu.memref_squeeze %dma_start3A_149 : memref<1x128xf32, #tpu.memory_space<hbm>> -> memref<128xf32, #tpu.memory_space<hbm>>
    %dma_start3A_151 = arith.constant 0 : i32
    %dma_start3A_152 = tpu.memref_slice %dma_start3A_150[%dma_start3A_151] : memref<128xf32, #tpu.memory_space<hbm>> -> memref<128xf32, #tpu.memory_space<hbm>>
    tpu.enqueue_indirect_dma source(%dma_start3A_152 : memref<128xf32, #tpu.memory_space<hbm>>) target(%arg23 : memref<512xf32, #tpu.memory_space<vmem>>) offsets(%arg11 : memref<512xi32, #tpu.memory_space<vmem>>) semaphore(%arg81 : memref<!tpu.dma_semaphore, #tpu.memory_space<semaphore_mem>>)
    %dma_start3A_153 = arith.constant 10 : i32
    %dma_start3A_154 = arith.constant 0 : i32
    %dma_start3A_155 = tpu.memref_slice %arg5[%dma_start3A_153, %dma_start3A_154] : memref<32x1000000xf32, #tpu.memory_space<hbm>> -> memref<1x128xf32, #tpu.memory_space<hbm>>
    %dma_start3A_156 = tpu.memref_squeeze %dma_start3A_155 : memref<1x128xf32, #tpu.memory_space<hbm>> -> memref<128xf32, #tpu.memory_space<hbm>>
    %dma_start3A_157 = arith.constant 0 : i32
    %dma_start3A_158 = tpu.memref_slice %dma_start3A_156[%dma_start3A_157] : memref<128xf32, #tpu.memory_space<hbm>> -> memref<128xf32, #tpu.memory_space<hbm>>
    tpu.enqueue_indirect_dma source(%dma_start3A_158 : memref<128xf32, #tpu.memory_space<hbm>>) target(%arg55 : memref<512xf32, #tpu.memory_space<vmem>>) offsets(%arg12 : memref<512xi32, #tpu.memory_space<vmem>>) semaphore(%arg82 : memref<!tpu.dma_semaphore, #tpu.memory_space<semaphore_mem>>)
    %dma_start3A_159 = arith.constant 11 : i32
    %dma_start3A_160 = arith.constant 0 : i32
    %dma_start3A_161 = tpu.memref_slice %arg3[%dma_start3A_159, %dma_start3A_160] : memref<32x1000000xf32, #tpu.memory_space<hbm>> -> memref<1x128xf32, #tpu.memory_space<hbm>>
    %dma_start3A_162 = tpu.memref_squeeze %dma_start3A_161 : memref<1x128xf32, #tpu.memory_space<hbm>> -> memref<128xf32, #tpu.memory_space<hbm>>
    %dma_start3A_163 = arith.constant 0 : i32
    %dma_start3A_164 = tpu.memref_slice %dma_start3A_162[%dma_start3A_163] : memref<128xf32, #tpu.memory_space<hbm>> -> memref<128xf32, #tpu.memory_space<hbm>>
    tpu.enqueue_indirect_dma source(%dma_start3A_164 : memref<128xf32, #tpu.memory_space<hbm>>) target(%arg24 : memref<512xf32, #tpu.memory_space<vmem>>) offsets(%arg11 : memref<512xi32, #tpu.memory_space<vmem>>) semaphore(%arg81 : memref<!tpu.dma_semaphore, #tpu.memory_space<semaphore_mem>>)
    %dma_start3A_165 = arith.constant 11 : i32
    %dma_start3A_166 = arith.constant 0 : i32
    %dma_start3A_167 = tpu.memref_slice %arg5[%dma_start3A_165, %dma_start3A_166] : memref<32x1000000xf32, #tpu.memory_space<hbm>> -> memref<1x128xf32, #tpu.memory_space<hbm>>
    %dma_start3A_168 = tpu.memref_squeeze %dma_start3A_167 : memref<1x128xf32, #tpu.memory_space<hbm>> -> memref<128xf32, #tpu.memory_space<hbm>>
    %dma_start3A_169 = arith.constant 0 : i32
    %dma_start3A_170 = tpu.memref_slice %dma_start3A_168[%dma_start3A_169] : memref<128xf32, #tpu.memory_space<hbm>> -> memref<128xf32, #tpu.memory_space<hbm>>
    tpu.enqueue_indirect_dma source(%dma_start3A_170 : memref<128xf32, #tpu.memory_space<hbm>>) target(%arg56 : memref<512xf32, #tpu.memory_space<vmem>>) offsets(%arg12 : memref<512xi32, #tpu.memory_space<vmem>>) semaphore(%arg82 : memref<!tpu.dma_semaphore, #tpu.memory_space<semaphore_mem>>)
    %dma_start3A_171 = arith.constant 12 : i32
    %dma_start3A_172 = arith.constant 0 : i32
    %dma_start3A_173 = tpu.memref_slice %arg3[%dma_start3A_171, %dma_start3A_172] : memref<32x1000000xf32, #tpu.memory_space<hbm>> -> memref<1x128xf32, #tpu.memory_space<hbm>>
    %dma_start3A_174 = tpu.memref_squeeze %dma_start3A_173 : memref<1x128xf32, #tpu.memory_space<hbm>> -> memref<128xf32, #tpu.memory_space<hbm>>
    %dma_start3A_175 = arith.constant 0 : i32
    %dma_start3A_176 = tpu.memref_slice %dma_start3A_174[%dma_start3A_175] : memref<128xf32, #tpu.memory_space<hbm>> -> memref<128xf32, #tpu.memory_space<hbm>>
    tpu.enqueue_indirect_dma source(%dma_start3A_176 : memref<128xf32, #tpu.memory_space<hbm>>) target(%arg25 : memref<512xf32, #tpu.memory_space<vmem>>) offsets(%arg11 : memref<512xi32, #tpu.memory_space<vmem>>) semaphore(%arg81 : memref<!tpu.dma_semaphore, #tpu.memory_space<semaphore_mem>>)
    %dma_start3A_177 = arith.constant 12 : i32
    %dma_start3A_178 = arith.constant 0 : i32
    %dma_start3A_179 = tpu.memref_slice %arg5[%dma_start3A_177, %dma_start3A_178] : memref<32x1000000xf32, #tpu.memory_space<hbm>> -> memref<1x128xf32, #tpu.memory_space<hbm>>
    %dma_start3A_180 = tpu.memref_squeeze %dma_start3A_179 : memref<1x128xf32, #tpu.memory_space<hbm>> -> memref<128xf32, #tpu.memory_space<hbm>>
    %dma_start3A_181 = arith.constant 0 : i32
    %dma_start3A_182 = tpu.memref_slice %dma_start3A_180[%dma_start3A_181] : memref<128xf32, #tpu.memory_space<hbm>> -> memref<128xf32, #tpu.memory_space<hbm>>
    tpu.enqueue_indirect_dma source(%dma_start3A_182 : memref<128xf32, #tpu.memory_space<hbm>>) target(%arg57 : memref<512xf32, #tpu.memory_space<vmem>>) offsets(%arg12 : memref<512xi32, #tpu.memory_space<vmem>>) semaphore(%arg82 : memref<!tpu.dma_semaphore, #tpu.memory_space<semaphore_mem>>)
    %dma_start3A_183 = arith.constant 13 : i32
    %dma_start3A_184 = arith.constant 0 : i32
    %dma_start3A_185 = tpu.memref_slice %arg3[%dma_start3A_183, %dma_start3A_184] : memref<32x1000000xf32, #tpu.memory_space<hbm>> -> memref<1x128xf32, #tpu.memory_space<hbm>>
    %dma_start3A_186 = tpu.memref_squeeze %dma_start3A_185 : memref<1x128xf32, #tpu.memory_space<hbm>> -> memref<128xf32, #tpu.memory_space<hbm>>
    %dma_start3A_187 = arith.constant 0 : i32
    %dma_start3A_188 = tpu.memref_slice %dma_start3A_186[%dma_start3A_187] : memref<128xf32, #tpu.memory_space<hbm>> -> memref<128xf32, #tpu.memory_space<hbm>>
    tpu.enqueue_indirect_dma source(%dma_start3A_188 : memref<128xf32, #tpu.memory_space<hbm>>) target(%arg26 : memref<512xf32, #tpu.memory_space<vmem>>) offsets(%arg11 : memref<512xi32, #tpu.memory_space<vmem>>) semaphore(%arg81 : memref<!tpu.dma_semaphore, #tpu.memory_space<semaphore_mem>>)
    %dma_start3A_189 = arith.constant 13 : i32
    %dma_start3A_190 = arith.constant 0 : i32
    %dma_start3A_191 = tpu.memref_slice %arg5[%dma_start3A_189, %dma_start3A_190] : memref<32x1000000xf32, #tpu.memory_space<hbm>> -> memref<1x128xf32, #tpu.memory_space<hbm>>
    %dma_start3A_192 = tpu.memref_squeeze %dma_start3A_191 : memref<1x128xf32, #tpu.memory_space<hbm>> -> memref<128xf32, #tpu.memory_space<hbm>>
    %dma_start3A_193 = arith.constant 0 : i32
    %dma_start3A_194 = tpu.memref_slice %dma_start3A_192[%dma_start3A_193] : memref<128xf32, #tpu.memory_space<hbm>> -> memref<128xf32, #tpu.memory_space<hbm>>
    tpu.enqueue_indirect_dma source(%dma_start3A_194 : memref<128xf32, #tpu.memory_space<hbm>>) target(%arg58 : memref<512xf32, #tpu.memory_space<vmem>>) offsets(%arg12 : memref<512xi32, #tpu.memory_space<vmem>>) semaphore(%arg82 : memref<!tpu.dma_semaphore, #tpu.memory_space<semaphore_mem>>)
    %dma_start3A_195 = arith.constant 14 : i32
    %dma_start3A_196 = arith.constant 0 : i32
    %dma_start3A_197 = tpu.memref_slice %arg3[%dma_start3A_195, %dma_start3A_196] : memref<32x1000000xf32, #tpu.memory_space<hbm>> -> memref<1x128xf32, #tpu.memory_space<hbm>>
    %dma_start3A_198 = tpu.memref_squeeze %dma_start3A_197 : memref<1x128xf32, #tpu.memory_space<hbm>> -> memref<128xf32, #tpu.memory_space<hbm>>
    %dma_start3A_199 = arith.constant 0 : i32
    %dma_start3A_200 = tpu.memref_slice %dma_start3A_198[%dma_start3A_199] : memref<128xf32, #tpu.memory_space<hbm>> -> memref<128xf32, #tpu.memory_space<hbm>>
    tpu.enqueue_indirect_dma source(%dma_start3A_200 : memref<128xf32, #tpu.memory_space<hbm>>) target(%arg27 : memref<512xf32, #tpu.memory_space<vmem>>) offsets(%arg11 : memref<512xi32, #tpu.memory_space<vmem>>) semaphore(%arg81 : memref<!tpu.dma_semaphore, #tpu.memory_space<semaphore_mem>>)
    %dma_start3A_201 = arith.constant 14 : i32
    %dma_start3A_202 = arith.constant 0 : i32
    %dma_start3A_203 = tpu.memref_slice %arg5[%dma_start3A_201, %dma_start3A_202] : memref<32x1000000xf32, #tpu.memory_space<hbm>> -> memref<1x128xf32, #tpu.memory_space<hbm>>
    %dma_start3A_204 = tpu.memref_squeeze %dma_start3A_203 : memref<1x128xf32, #tpu.memory_space<hbm>> -> memref<128xf32, #tpu.memory_space<hbm>>
    %dma_start3A_205 = arith.constant 0 : i32
    %dma_start3A_206 = tpu.memref_slice %dma_start3A_204[%dma_start3A_205] : memref<128xf32, #tpu.memory_space<hbm>> -> memref<128xf32, #tpu.memory_space<hbm>>
    tpu.enqueue_indirect_dma source(%dma_start3A_206 : memref<128xf32, #tpu.memory_space<hbm>>) target(%arg59 : memref<512xf32, #tpu.memory_space<vmem>>) offsets(%arg12 : memref<512xi32, #tpu.memory_space<vmem>>) semaphore(%arg82 : memref<!tpu.dma_semaphore, #tpu.memory_space<semaphore_mem>>)
    %dma_start3A_207 = arith.constant 15 : i32
    %dma_start3A_208 = arith.constant 0 : i32
    %dma_start3A_209 = tpu.memref_slice %arg3[%dma_start3A_207, %dma_start3A_208] : memref<32x1000000xf32, #tpu.memory_space<hbm>> -> memref<1x128xf32, #tpu.memory_space<hbm>>
    %dma_start3A_210 = tpu.memref_squeeze %dma_start3A_209 : memref<1x128xf32, #tpu.memory_space<hbm>> -> memref<128xf32, #tpu.memory_space<hbm>>
    %dma_start3A_211 = arith.constant 0 : i32
    %dma_start3A_212 = tpu.memref_slice %dma_start3A_210[%dma_start3A_211] : memref<128xf32, #tpu.memory_space<hbm>> -> memref<128xf32, #tpu.memory_space<hbm>>
    tpu.enqueue_indirect_dma source(%dma_start3A_212 : memref<128xf32, #tpu.memory_space<hbm>>) target(%arg28 : memref<512xf32, #tpu.memory_space<vmem>>) offsets(%arg11 : memref<512xi32, #tpu.memory_space<vmem>>) semaphore(%arg81 : memref<!tpu.dma_semaphore, #tpu.memory_space<semaphore_mem>>)
    %dma_start3A_213 = arith.constant 15 : i32
    %dma_start3A_214 = arith.constant 0 : i32
    %dma_start3A_215 = tpu.memref_slice %arg5[%dma_start3A_213, %dma_start3A_214] : memref<32x1000000xf32, #tpu.memory_space<hbm>> -> memref<1x128xf32, #tpu.memory_space<hbm>>
    %dma_start3A_216 = tpu.memref_squeeze %dma_start3A_215 : memref<1x128xf32, #tpu.memory_space<hbm>> -> memref<128xf32, #tpu.memory_space<hbm>>
    %dma_start3A_217 = arith.constant 0 : i32
    %dma_start3A_218 = tpu.memref_slice %dma_start3A_216[%dma_start3A_217] : memref<128xf32, #tpu.memory_space<hbm>> -> memref<128xf32, #tpu.memory_space<hbm>>
    tpu.enqueue_indirect_dma source(%dma_start3A_218 : memref<128xf32, #tpu.memory_space<hbm>>) target(%arg60 : memref<512xf32, #tpu.memory_space<vmem>>) offsets(%arg12 : memref<512xi32, #tpu.memory_space<vmem>>) semaphore(%arg82 : memref<!tpu.dma_semaphore, #tpu.memory_space<semaphore_mem>>)
    %dma_start3A_219 = arith.constant 16 : i32
    %dma_start3A_220 = arith.constant 0 : i32
    %dma_start3A_221 = tpu.memref_slice %arg3[%dma_start3A_219, %dma_start3A_220] : memref<32x1000000xf32, #tpu.memory_space<hbm>> -> memref<1x128xf32, #tpu.memory_space<hbm>>
    %dma_start3A_222 = tpu.memref_squeeze %dma_start3A_221 : memref<1x128xf32, #tpu.memory_space<hbm>> -> memref<128xf32, #tpu.memory_space<hbm>>
    %dma_start3A_223 = arith.constant 0 : i32
    %dma_start3A_224 = tpu.memref_slice %dma_start3A_222[%dma_start3A_223] : memref<128xf32, #tpu.memory_space<hbm>> -> memref<128xf32, #tpu.memory_space<hbm>>
    tpu.enqueue_indirect_dma source(%dma_start3A_224 : memref<128xf32, #tpu.memory_space<hbm>>) target(%arg29 : memref<512xf32, #tpu.memory_space<vmem>>) offsets(%arg11 : memref<512xi32, #tpu.memory_space<vmem>>) semaphore(%arg81 : memref<!tpu.dma_semaphore, #tpu.memory_space<semaphore_mem>>)
    %dma_start3A_225 = arith.constant 16 : i32
    %dma_start3A_226 = arith.constant 0 : i32
    %dma_start3A_227 = tpu.memref_slice %arg5[%dma_start3A_225, %dma_start3A_226] : memref<32x1000000xf32, #tpu.memory_space<hbm>> -> memref<1x128xf32, #tpu.memory_space<hbm>>
    %dma_start3A_228 = tpu.memref_squeeze %dma_start3A_227 : memref<1x128xf32, #tpu.memory_space<hbm>> -> memref<128xf32, #tpu.memory_space<hbm>>
    %dma_start3A_229 = arith.constant 0 : i32
    %dma_start3A_230 = tpu.memref_slice %dma_start3A_228[%dma_start3A_229] : memref<128xf32, #tpu.memory_space<hbm>> -> memref<128xf32, #tpu.memory_space<hbm>>
    tpu.enqueue_indirect_dma source(%dma_start3A_230 : memref<128xf32, #tpu.memory_space<hbm>>) target(%arg61 : memref<512xf32, #tpu.memory_space<vmem>>) offsets(%arg12 : memref<512xi32, #tpu.memory_space<vmem>>) semaphore(%arg82 : memref<!tpu.dma_semaphore, #tpu.memory_space<semaphore_mem>>)
    %dma_start3A_231 = arith.constant 17 : i32
    %dma_start3A_232 = arith.constant 0 : i32
    %dma_start3A_233 = tpu.memref_slice %arg3[%dma_start3A_231, %dma_start3A_232] : memref<32x1000000xf32, #tpu.memory_space<hbm>> -> memref<1x128xf32, #tpu.memory_space<hbm>>
    %dma_start3A_234 = tpu.memref_squeeze %dma_start3A_233 : memref<1x128xf32, #tpu.memory_space<hbm>> -> memref<128xf32, #tpu.memory_space<hbm>>
    %dma_start3A_235 = arith.constant 0 : i32
    %dma_start3A_236 = tpu.memref_slice %dma_start3A_234[%dma_start3A_235] : memref<128xf32, #tpu.memory_space<hbm>> -> memref<128xf32, #tpu.memory_space<hbm>>
    tpu.enqueue_indirect_dma source(%dma_start3A_236 : memref<128xf32, #tpu.memory_space<hbm>>) target(%arg30 : memref<512xf32, #tpu.memory_space<vmem>>) offsets(%arg11 : memref<512xi32, #tpu.memory_space<vmem>>) semaphore(%arg81 : memref<!tpu.dma_semaphore, #tpu.memory_space<semaphore_mem>>)
    %dma_start3A_237 = arith.constant 17 : i32
    %dma_start3A_238 = arith.constant 0 : i32
    %dma_start3A_239 = tpu.memref_slice %arg5[%dma_start3A_237, %dma_start3A_238] : memref<32x1000000xf32, #tpu.memory_space<hbm>> -> memref<1x128xf32, #tpu.memory_space<hbm>>
    %dma_start3A_240 = tpu.memref_squeeze %dma_start3A_239 : memref<1x128xf32, #tpu.memory_space<hbm>> -> memref<128xf32, #tpu.memory_space<hbm>>
    %dma_start3A_241 = arith.constant 0 : i32
    %dma_start3A_242 = tpu.memref_slice %dma_start3A_240[%dma_start3A_241] : memref<128xf32, #tpu.memory_space<hbm>> -> memref<128xf32, #tpu.memory_space<hbm>>
    tpu.enqueue_indirect_dma source(%dma_start3A_242 : memref<128xf32, #tpu.memory_space<hbm>>) target(%arg62 : memref<512xf32, #tpu.memory_space<vmem>>) offsets(%arg12 : memref<512xi32, #tpu.memory_space<vmem>>) semaphore(%arg82 : memref<!tpu.dma_semaphore, #tpu.memory_space<semaphore_mem>>)
    %dma_start3A_243 = arith.constant 18 : i32
    %dma_start3A_244 = arith.constant 0 : i32
    %dma_start3A_245 = tpu.memref_slice %arg3[%dma_start3A_243, %dma_start3A_244] : memref<32x1000000xf32, #tpu.memory_space<hbm>> -> memref<1x128xf32, #tpu.memory_space<hbm>>
    %dma_start3A_246 = tpu.memref_squeeze %dma_start3A_245 : memref<1x128xf32, #tpu.memory_space<hbm>> -> memref<128xf32, #tpu.memory_space<hbm>>
    %dma_start3A_247 = arith.constant 0 : i32
    %dma_start3A_248 = tpu.memref_slice %dma_start3A_246[%dma_start3A_247] : memref<128xf32, #tpu.memory_space<hbm>> -> memref<128xf32, #tpu.memory_space<hbm>>
    tpu.enqueue_indirect_dma source(%dma_start3A_248 : memref<128xf32, #tpu.memory_space<hbm>>) target(%arg31 : memref<512xf32, #tpu.memory_space<vmem>>) offsets(%arg11 : memref<512xi32, #tpu.memory_space<vmem>>) semaphore(%arg81 : memref<!tpu.dma_semaphore, #tpu.memory_space<semaphore_mem>>)
    %dma_start3A_249 = arith.constant 18 : i32
    %dma_start3A_250 = arith.constant 0 : i32
    %dma_start3A_251 = tpu.memref_slice %arg5[%dma_start3A_249, %dma_start3A_250] : memref<32x1000000xf32, #tpu.memory_space<hbm>> -> memref<1x128xf32, #tpu.memory_space<hbm>>
    %dma_start3A_252 = tpu.memref_squeeze %dma_start3A_251 : memref<1x128xf32, #tpu.memory_space<hbm>> -> memref<128xf32, #tpu.memory_space<hbm>>
    %dma_start3A_253 = arith.constant 0 : i32
    %dma_start3A_254 = tpu.memref_slice %dma_start3A_252[%dma_start3A_253] : memref<128xf32, #tpu.memory_space<hbm>> -> memref<128xf32, #tpu.memory_space<hbm>>
    tpu.enqueue_indirect_dma source(%dma_start3A_254 : memref<128xf32, #tpu.memory_space<hbm>>) target(%arg63 : memref<512xf32, #tpu.memory_space<vmem>>) offsets(%arg12 : memref<512xi32, #tpu.memory_space<vmem>>) semaphore(%arg82 : memref<!tpu.dma_semaphore, #tpu.memory_space<semaphore_mem>>)
    %dma_start3A_255 = arith.constant 19 : i32
    %dma_start3A_256 = arith.constant 0 : i32
    %dma_start3A_257 = tpu.memref_slice %arg3[%dma_start3A_255, %dma_start3A_256] : memref<32x1000000xf32, #tpu.memory_space<hbm>> -> memref<1x128xf32, #tpu.memory_space<hbm>>
    %dma_start3A_258 = tpu.memref_squeeze %dma_start3A_257 : memref<1x128xf32, #tpu.memory_space<hbm>> -> memref<128xf32, #tpu.memory_space<hbm>>
    %dma_start3A_259 = arith.constant 0 : i32
    %dma_start3A_260 = tpu.memref_slice %dma_start3A_258[%dma_start3A_259] : memref<128xf32, #tpu.memory_space<hbm>> -> memref<128xf32, #tpu.memory_space<hbm>>
    tpu.enqueue_indirect_dma source(%dma_start3A_260 : memref<128xf32, #tpu.memory_space<hbm>>) target(%arg32 : memref<512xf32, #tpu.memory_space<vmem>>) offsets(%arg11 : memref<512xi32, #tpu.memory_space<vmem>>) semaphore(%arg81 : memref<!tpu.dma_semaphore, #tpu.memory_space<semaphore_mem>>)
    %dma_start3A_261 = arith.constant 19 : i32
    %dma_start3A_262 = arith.constant 0 : i32
    %dma_start3A_263 = tpu.memref_slice %arg5[%dma_start3A_261, %dma_start3A_262] : memref<32x1000000xf32, #tpu.memory_space<hbm>> -> memref<1x128xf32, #tpu.memory_space<hbm>>
    %dma_start3A_264 = tpu.memref_squeeze %dma_start3A_263 : memref<1x128xf32, #tpu.memory_space<hbm>> -> memref<128xf32, #tpu.memory_space<hbm>>
    %dma_start3A_265 = arith.constant 0 : i32
    %dma_start3A_266 = tpu.memref_slice %dma_start3A_264[%dma_start3A_265] : memref<128xf32, #tpu.memory_space<hbm>> -> memref<128xf32, #tpu.memory_space<hbm>>
    tpu.enqueue_indirect_dma source(%dma_start3A_266 : memref<128xf32, #tpu.memory_space<hbm>>) target(%arg64 : memref<512xf32, #tpu.memory_space<vmem>>) offsets(%arg12 : memref<512xi32, #tpu.memory_space<vmem>>) semaphore(%arg82 : memref<!tpu.dma_semaphore, #tpu.memory_space<semaphore_mem>>)
    %dma_start3A_267 = arith.constant 20 : i32
    %dma_start3A_268 = arith.constant 0 : i32
    %dma_start3A_269 = tpu.memref_slice %arg3[%dma_start3A_267, %dma_start3A_268] : memref<32x1000000xf32, #tpu.memory_space<hbm>> -> memref<1x128xf32, #tpu.memory_space<hbm>>
    %dma_start3A_270 = tpu.memref_squeeze %dma_start3A_269 : memref<1x128xf32, #tpu.memory_space<hbm>> -> memref<128xf32, #tpu.memory_space<hbm>>
    %dma_start3A_271 = arith.constant 0 : i32
    %dma_start3A_272 = tpu.memref_slice %dma_start3A_270[%dma_start3A_271] : memref<128xf32, #tpu.memory_space<hbm>> -> memref<128xf32, #tpu.memory_space<hbm>>
    tpu.enqueue_indirect_dma source(%dma_start3A_272 : memref<128xf32, #tpu.memory_space<hbm>>) target(%arg33 : memref<512xf32, #tpu.memory_space<vmem>>) offsets(%arg11 : memref<512xi32, #tpu.memory_space<vmem>>) semaphore(%arg81 : memref<!tpu.dma_semaphore, #tpu.memory_space<semaphore_mem>>)
    %dma_start3A_273 = arith.constant 20 : i32
    %dma_start3A_274 = arith.constant 0 : i32
    %dma_start3A_275 = tpu.memref_slice %arg5[%dma_start3A_273, %dma_start3A_274] : memref<32x1000000xf32, #tpu.memory_space<hbm>> -> memref<1x128xf32, #tpu.memory_space<hbm>>
    %dma_start3A_276 = tpu.memref_squeeze %dma_start3A_275 : memref<1x128xf32, #tpu.memory_space<hbm>> -> memref<128xf32, #tpu.memory_space<hbm>>
    %dma_start3A_277 = arith.constant 0 : i32
    %dma_start3A_278 = tpu.memref_slice %dma_start3A_276[%dma_start3A_277] : memref<128xf32, #tpu.memory_space<hbm>> -> memref<128xf32, #tpu.memory_space<hbm>>
    tpu.enqueue_indirect_dma source(%dma_start3A_278 : memref<128xf32, #tpu.memory_space<hbm>>) target(%arg65 : memref<512xf32, #tpu.memory_space<vmem>>) offsets(%arg12 : memref<512xi32, #tpu.memory_space<vmem>>) semaphore(%arg82 : memref<!tpu.dma_semaphore, #tpu.memory_space<semaphore_mem>>)
    %dma_start3A_279 = arith.constant 21 : i32
    %dma_start3A_280 = arith.constant 0 : i32
    %dma_start3A_281 = tpu.memref_slice %arg3[%dma_start3A_279, %dma_start3A_280] : memref<32x1000000xf32, #tpu.memory_space<hbm>> -> memref<1x128xf32, #tpu.memory_space<hbm>>
    %dma_start3A_282 = tpu.memref_squeeze %dma_start3A_281 : memref<1x128xf32, #tpu.memory_space<hbm>> -> memref<128xf32, #tpu.memory_space<hbm>>
    %dma_start3A_283 = arith.constant 0 : i32
    %dma_start3A_284 = tpu.memref_slice %dma_start3A_282[%dma_start3A_283] : memref<128xf32, #tpu.memory_space<hbm>> -> memref<128xf32, #tpu.memory_space<hbm>>
    tpu.enqueue_indirect_dma source(%dma_start3A_284 : memref<128xf32, #tpu.memory_space<hbm>>) target(%arg34 : memref<512xf32, #tpu.memory_space<vmem>>) offsets(%arg11 : memref<512xi32, #tpu.memory_space<vmem>>) semaphore(%arg81 : memref<!tpu.dma_semaphore, #tpu.memory_space<semaphore_mem>>)
    %dma_start3A_285 = arith.constant 21 : i32
    %dma_start3A_286 = arith.constant 0 : i32
    %dma_start3A_287 = tpu.memref_slice %arg5[%dma_start3A_285, %dma_start3A_286] : memref<32x1000000xf32, #tpu.memory_space<hbm>> -> memref<1x128xf32, #tpu.memory_space<hbm>>
    %dma_start3A_288 = tpu.memref_squeeze %dma_start3A_287 : memref<1x128xf32, #tpu.memory_space<hbm>> -> memref<128xf32, #tpu.memory_space<hbm>>
    %dma_start3A_289 = arith.constant 0 : i32
    %dma_start3A_290 = tpu.memref_slice %dma_start3A_288[%dma_start3A_289] : memref<128xf32, #tpu.memory_space<hbm>> -> memref<128xf32, #tpu.memory_space<hbm>>
    tpu.enqueue_indirect_dma source(%dma_start3A_290 : memref<128xf32, #tpu.memory_space<hbm>>) target(%arg66 : memref<512xf32, #tpu.memory_space<vmem>>) offsets(%arg12 : memref<512xi32, #tpu.memory_space<vmem>>) semaphore(%arg82 : memref<!tpu.dma_semaphore, #tpu.memory_space<semaphore_mem>>)
    %dma_start3A_291 = arith.constant 22 : i32
    %dma_start3A_292 = arith.constant 0 : i32
    %dma_start3A_293 = tpu.memref_slice %arg3[%dma_start3A_291, %dma_start3A_292] : memref<32x1000000xf32, #tpu.memory_space<hbm>> -> memref<1x128xf32, #tpu.memory_space<hbm>>
    %dma_start3A_294 = tpu.memref_squeeze %dma_start3A_293 : memref<1x128xf32, #tpu.memory_space<hbm>> -> memref<128xf32, #tpu.memory_space<hbm>>
    %dma_start3A_295 = arith.constant 0 : i32
    %dma_start3A_296 = tpu.memref_slice %dma_start3A_294[%dma_start3A_295] : memref<128xf32, #tpu.memory_space<hbm>> -> memref<128xf32, #tpu.memory_space<hbm>>
    tpu.enqueue_indirect_dma source(%dma_start3A_296 : memref<128xf32, #tpu.memory_space<hbm>>) target(%arg35 : memref<512xf32, #tpu.memory_space<vmem>>) offsets(%arg11 : memref<512xi32, #tpu.memory_space<vmem>>) semaphore(%arg81 : memref<!tpu.dma_semaphore, #tpu.memory_space<semaphore_mem>>)
    %dma_start3A_297 = arith.constant 22 : i32
    %dma_start3A_298 = arith.constant 0 : i32
    %dma_start3A_299 = tpu.memref_slice %arg5[%dma_start3A_297, %dma_start3A_298] : memref<32x1000000xf32, #tpu.memory_space<hbm>> -> memref<1x128xf32, #tpu.memory_space<hbm>>
    %dma_start3A_300 = tpu.memref_squeeze %dma_start3A_299 : memref<1x128xf32, #tpu.memory_space<hbm>> -> memref<128xf32, #tpu.memory_space<hbm>>
    %dma_start3A_301 = arith.constant 0 : i32
    %dma_start3A_302 = tpu.memref_slice %dma_start3A_300[%dma_start3A_301] : memref<128xf32, #tpu.memory_space<hbm>> -> memref<128xf32, #tpu.memory_space<hbm>>
    tpu.enqueue_indirect_dma source(%dma_start3A_302 : memref<128xf32, #tpu.memory_space<hbm>>) target(%arg67 : memref<512xf32, #tpu.memory_space<vmem>>) offsets(%arg12 : memref<512xi32, #tpu.memory_space<vmem>>) semaphore(%arg82 : memref<!tpu.dma_semaphore, #tpu.memory_space<semaphore_mem>>)
    %dma_start3A_303 = arith.constant 23 : i32
    %dma_start3A_304 = arith.constant 0 : i32
    %dma_start3A_305 = tpu.memref_slice %arg3[%dma_start3A_303, %dma_start3A_304] : memref<32x1000000xf32, #tpu.memory_space<hbm>> -> memref<1x128xf32, #tpu.memory_space<hbm>>
    %dma_start3A_306 = tpu.memref_squeeze %dma_start3A_305 : memref<1x128xf32, #tpu.memory_space<hbm>> -> memref<128xf32, #tpu.memory_space<hbm>>
    %dma_start3A_307 = arith.constant 0 : i32
    %dma_start3A_308 = tpu.memref_slice %dma_start3A_306[%dma_start3A_307] : memref<128xf32, #tpu.memory_space<hbm>> -> memref<128xf32, #tpu.memory_space<hbm>>
    tpu.enqueue_indirect_dma source(%dma_start3A_308 : memref<128xf32, #tpu.memory_space<hbm>>) target(%arg36 : memref<512xf32, #tpu.memory_space<vmem>>) offsets(%arg11 : memref<512xi32, #tpu.memory_space<vmem>>) semaphore(%arg81 : memref<!tpu.dma_semaphore, #tpu.memory_space<semaphore_mem>>)
    %dma_start3A_309 = arith.constant 23 : i32
    %dma_start3A_310 = arith.constant 0 : i32
    %dma_start3A_311 = tpu.memref_slice %arg5[%dma_start3A_309, %dma_start3A_310] : memref<32x1000000xf32, #tpu.memory_space<hbm>> -> memref<1x128xf32, #tpu.memory_space<hbm>>
    %dma_start3A_312 = tpu.memref_squeeze %dma_start3A_311 : memref<1x128xf32, #tpu.memory_space<hbm>> -> memref<128xf32, #tpu.memory_space<hbm>>
    %dma_start3A_313 = arith.constant 0 : i32
    %dma_start3A_314 = tpu.memref_slice %dma_start3A_312[%dma_start3A_313] : memref<128xf32, #tpu.memory_space<hbm>> -> memref<128xf32, #tpu.memory_space<hbm>>
    tpu.enqueue_indirect_dma source(%dma_start3A_314 : memref<128xf32, #tpu.memory_space<hbm>>) target(%arg68 : memref<512xf32, #tpu.memory_space<vmem>>) offsets(%arg12 : memref<512xi32, #tpu.memory_space<vmem>>) semaphore(%arg82 : memref<!tpu.dma_semaphore, #tpu.memory_space<semaphore_mem>>)
    %dma_start3A_315 = arith.constant 24 : i32
    %dma_start3A_316 = arith.constant 0 : i32
    %dma_start3A_317 = tpu.memref_slice %arg3[%dma_start3A_315, %dma_start3A_316] : memref<32x1000000xf32, #tpu.memory_space<hbm>> -> memref<1x128xf32, #tpu.memory_space<hbm>>
    %dma_start3A_318 = tpu.memref_squeeze %dma_start3A_317 : memref<1x128xf32, #tpu.memory_space<hbm>> -> memref<128xf32, #tpu.memory_space<hbm>>
    %dma_start3A_319 = arith.constant 0 : i32
    %dma_start3A_320 = tpu.memref_slice %dma_start3A_318[%dma_start3A_319] : memref<128xf32, #tpu.memory_space<hbm>> -> memref<128xf32, #tpu.memory_space<hbm>>
    tpu.enqueue_indirect_dma source(%dma_start3A_320 : memref<128xf32, #tpu.memory_space<hbm>>) target(%arg37 : memref<512xf32, #tpu.memory_space<vmem>>) offsets(%arg11 : memref<512xi32, #tpu.memory_space<vmem>>) semaphore(%arg81 : memref<!tpu.dma_semaphore, #tpu.memory_space<semaphore_mem>>)
    %dma_start3A_321 = arith.constant 24 : i32
    %dma_start3A_322 = arith.constant 0 : i32
    %dma_start3A_323 = tpu.memref_slice %arg5[%dma_start3A_321, %dma_start3A_322] : memref<32x1000000xf32, #tpu.memory_space<hbm>> -> memref<1x128xf32, #tpu.memory_space<hbm>>
    %dma_start3A_324 = tpu.memref_squeeze %dma_start3A_323 : memref<1x128xf32, #tpu.memory_space<hbm>> -> memref<128xf32, #tpu.memory_space<hbm>>
    %dma_start3A_325 = arith.constant 0 : i32
    %dma_start3A_326 = tpu.memref_slice %dma_start3A_324[%dma_start3A_325] : memref<128xf32, #tpu.memory_space<hbm>> -> memref<128xf32, #tpu.memory_space<hbm>>
    tpu.enqueue_indirect_dma source(%dma_start3A_326 : memref<128xf32, #tpu.memory_space<hbm>>) target(%arg69 : memref<512xf32, #tpu.memory_space<vmem>>) offsets(%arg12 : memref<512xi32, #tpu.memory_space<vmem>>) semaphore(%arg82 : memref<!tpu.dma_semaphore, #tpu.memory_space<semaphore_mem>>)
    %dma_start3A_327 = arith.constant 25 : i32
    %dma_start3A_328 = arith.constant 0 : i32
    %dma_start3A_329 = tpu.memref_slice %arg3[%dma_start3A_327, %dma_start3A_328] : memref<32x1000000xf32, #tpu.memory_space<hbm>> -> memref<1x128xf32, #tpu.memory_space<hbm>>
    %dma_start3A_330 = tpu.memref_squeeze %dma_start3A_329 : memref<1x128xf32, #tpu.memory_space<hbm>> -> memref<128xf32, #tpu.memory_space<hbm>>
    %dma_start3A_331 = arith.constant 0 : i32
    %dma_start3A_332 = tpu.memref_slice %dma_start3A_330[%dma_start3A_331] : memref<128xf32, #tpu.memory_space<hbm>> -> memref<128xf32, #tpu.memory_space<hbm>>
    tpu.enqueue_indirect_dma source(%dma_start3A_332 : memref<128xf32, #tpu.memory_space<hbm>>) target(%arg38 : memref<512xf32, #tpu.memory_space<vmem>>) offsets(%arg11 : memref<512xi32, #tpu.memory_space<vmem>>) semaphore(%arg81 : memref<!tpu.dma_semaphore, #tpu.memory_space<semaphore_mem>>)
    %dma_start3A_333 = arith.constant 25 : i32
    %dma_start3A_334 = arith.constant 0 : i32
    %dma_start3A_335 = tpu.memref_slice %arg5[%dma_start3A_333, %dma_start3A_334] : memref<32x1000000xf32, #tpu.memory_space<hbm>> -> memref<1x128xf32, #tpu.memory_space<hbm>>
    %dma_start3A_336 = tpu.memref_squeeze %dma_start3A_335 : memref<1x128xf32, #tpu.memory_space<hbm>> -> memref<128xf32, #tpu.memory_space<hbm>>
    %dma_start3A_337 = arith.constant 0 : i32
    %dma_start3A_338 = tpu.memref_slice %dma_start3A_336[%dma_start3A_337] : memref<128xf32, #tpu.memory_space<hbm>> -> memref<128xf32, #tpu.memory_space<hbm>>
    tpu.enqueue_indirect_dma source(%dma_start3A_338 : memref<128xf32, #tpu.memory_space<hbm>>) target(%arg70 : memref<512xf32, #tpu.memory_space<vmem>>) offsets(%arg12 : memref<512xi32, #tpu.memory_space<vmem>>) semaphore(%arg82 : memref<!tpu.dma_semaphore, #tpu.memory_space<semaphore_mem>>)
    %dma_start3A_339 = arith.constant 26 : i32
    %dma_start3A_340 = arith.constant 0 : i32
    %dma_start3A_341 = tpu.memref_slice %arg3[%dma_start3A_339, %dma_start3A_340] : memref<32x1000000xf32, #tpu.memory_space<hbm>> -> memref<1x128xf32, #tpu.memory_space<hbm>>
    %dma_start3A_342 = tpu.memref_squeeze %dma_start3A_341 : memref<1x128xf32, #tpu.memory_space<hbm>> -> memref<128xf32, #tpu.memory_space<hbm>>
    %dma_start3A_343 = arith.constant 0 : i32
    %dma_start3A_344 = tpu.memref_slice %dma_start3A_342[%dma_start3A_343] : memref<128xf32, #tpu.memory_space<hbm>> -> memref<128xf32, #tpu.memory_space<hbm>>
    tpu.enqueue_indirect_dma source(%dma_start3A_344 : memref<128xf32, #tpu.memory_space<hbm>>) target(%arg39 : memref<512xf32, #tpu.memory_space<vmem>>) offsets(%arg11 : memref<512xi32, #tpu.memory_space<vmem>>) semaphore(%arg81 : memref<!tpu.dma_semaphore, #tpu.memory_space<semaphore_mem>>)
    %dma_start3A_345 = arith.constant 26 : i32
    %dma_start3A_346 = arith.constant 0 : i32
    %dma_start3A_347 = tpu.memref_slice %arg5[%dma_start3A_345, %dma_start3A_346] : memref<32x1000000xf32, #tpu.memory_space<hbm>> -> memref<1x128xf32, #tpu.memory_space<hbm>>
    %dma_start3A_348 = tpu.memref_squeeze %dma_start3A_347 : memref<1x128xf32, #tpu.memory_space<hbm>> -> memref<128xf32, #tpu.memory_space<hbm>>
    %dma_start3A_349 = arith.constant 0 : i32
    %dma_start3A_350 = tpu.memref_slice %dma_start3A_348[%dma_start3A_349] : memref<128xf32, #tpu.memory_space<hbm>> -> memref<128xf32, #tpu.memory_space<hbm>>
    tpu.enqueue_indirect_dma source(%dma_start3A_350 : memref<128xf32, #tpu.memory_space<hbm>>) target(%arg71 : memref<512xf32, #tpu.memory_space<vmem>>) offsets(%arg12 : memref<512xi32, #tpu.memory_space<vmem>>) semaphore(%arg82 : memref<!tpu.dma_semaphore, #tpu.memory_space<semaphore_mem>>)
    %dma_start3A_351 = arith.constant 27 : i32
    %dma_start3A_352 = arith.constant 0 : i32
    %dma_start3A_353 = tpu.memref_slice %arg3[%dma_start3A_351, %dma_start3A_352] : memref<32x1000000xf32, #tpu.memory_space<hbm>> -> memref<1x128xf32, #tpu.memory_space<hbm>>
    %dma_start3A_354 = tpu.memref_squeeze %dma_start3A_353 : memref<1x128xf32, #tpu.memory_space<hbm>> -> memref<128xf32, #tpu.memory_space<hbm>>
    %dma_start3A_355 = arith.constant 0 : i32
    %dma_start3A_356 = tpu.memref_slice %dma_start3A_354[%dma_start3A_355] : memref<128xf32, #tpu.memory_space<hbm>> -> memref<128xf32, #tpu.memory_space<hbm>>
    tpu.enqueue_indirect_dma source(%dma_start3A_356 : memref<128xf32, #tpu.memory_space<hbm>>) target(%arg40 : memref<512xf32, #tpu.memory_space<vmem>>) offsets(%arg11 : memref<512xi32, #tpu.memory_space<vmem>>) semaphore(%arg81 : memref<!tpu.dma_semaphore, #tpu.memory_space<semaphore_mem>>)
    %dma_start3A_357 = arith.constant 27 : i32
    %dma_start3A_358 = arith.constant 0 : i32
    %dma_start3A_359 = tpu.memref_slice %arg5[%dma_start3A_357, %dma_start3A_358] : memref<32x1000000xf32, #tpu.memory_space<hbm>> -> memref<1x128xf32, #tpu.memory_space<hbm>>
    %dma_start3A_360 = tpu.memref_squeeze %dma_start3A_359 : memref<1x128xf32, #tpu.memory_space<hbm>> -> memref<128xf32, #tpu.memory_space<hbm>>
    %dma_start3A_361 = arith.constant 0 : i32
    %dma_start3A_362 = tpu.memref_slice %dma_start3A_360[%dma_start3A_361] : memref<128xf32, #tpu.memory_space<hbm>> -> memref<128xf32, #tpu.memory_space<hbm>>
    tpu.enqueue_indirect_dma source(%dma_start3A_362 : memref<128xf32, #tpu.memory_space<hbm>>) target(%arg72 : memref<512xf32, #tpu.memory_space<vmem>>) offsets(%arg12 : memref<512xi32, #tpu.memory_space<vmem>>) semaphore(%arg82 : memref<!tpu.dma_semaphore, #tpu.memory_space<semaphore_mem>>)
    %dma_start3A_363 = arith.constant 28 : i32
    %dma_start3A_364 = arith.constant 0 : i32
    %dma_start3A_365 = tpu.memref_slice %arg3[%dma_start3A_363, %dma_start3A_364] : memref<32x1000000xf32, #tpu.memory_space<hbm>> -> memref<1x128xf32, #tpu.memory_space<hbm>>
    %dma_start3A_366 = tpu.memref_squeeze %dma_start3A_365 : memref<1x128xf32, #tpu.memory_space<hbm>> -> memref<128xf32, #tpu.memory_space<hbm>>
    %dma_start3A_367 = arith.constant 0 : i32
    %dma_start3A_368 = tpu.memref_slice %dma_start3A_366[%dma_start3A_367] : memref<128xf32, #tpu.memory_space<hbm>> -> memref<128xf32, #tpu.memory_space<hbm>>
    tpu.enqueue_indirect_dma source(%dma_start3A_368 : memref<128xf32, #tpu.memory_space<hbm>>) target(%arg41 : memref<512xf32, #tpu.memory_space<vmem>>) offsets(%arg11 : memref<512xi32, #tpu.memory_space<vmem>>) semaphore(%arg81 : memref<!tpu.dma_semaphore, #tpu.memory_space<semaphore_mem>>)
    %dma_start3A_369 = arith.constant 28 : i32
    %dma_start3A_370 = arith.constant 0 : i32
    %dma_start3A_371 = tpu.memref_slice %arg5[%dma_start3A_369, %dma_start3A_370] : memref<32x1000000xf32, #tpu.memory_space<hbm>> -> memref<1x128xf32, #tpu.memory_space<hbm>>
    %dma_start3A_372 = tpu.memref_squeeze %dma_start3A_371 : memref<1x128xf32, #tpu.memory_space<hbm>> -> memref<128xf32, #tpu.memory_space<hbm>>
    %dma_start3A_373 = arith.constant 0 : i32
    %dma_start3A_374 = tpu.memref_slice %dma_start3A_372[%dma_start3A_373] : memref<128xf32, #tpu.memory_space<hbm>> -> memref<128xf32, #tpu.memory_space<hbm>>
    tpu.enqueue_indirect_dma source(%dma_start3A_374 : memref<128xf32, #tpu.memory_space<hbm>>) target(%arg73 : memref<512xf32, #tpu.memory_space<vmem>>) offsets(%arg12 : memref<512xi32, #tpu.memory_space<vmem>>) semaphore(%arg82 : memref<!tpu.dma_semaphore, #tpu.memory_space<semaphore_mem>>)
    %dma_start3A_375 = arith.constant 29 : i32
    %dma_start3A_376 = arith.constant 0 : i32
    %dma_start3A_377 = tpu.memref_slice %arg3[%dma_start3A_375, %dma_start3A_376] : memref<32x1000000xf32, #tpu.memory_space<hbm>> -> memref<1x128xf32, #tpu.memory_space<hbm>>
    %dma_start3A_378 = tpu.memref_squeeze %dma_start3A_377 : memref<1x128xf32, #tpu.memory_space<hbm>> -> memref<128xf32, #tpu.memory_space<hbm>>
    %dma_start3A_379 = arith.constant 0 : i32
    %dma_start3A_380 = tpu.memref_slice %dma_start3A_378[%dma_start3A_379] : memref<128xf32, #tpu.memory_space<hbm>> -> memref<128xf32, #tpu.memory_space<hbm>>
    tpu.enqueue_indirect_dma source(%dma_start3A_380 : memref<128xf32, #tpu.memory_space<hbm>>) target(%arg42 : memref<512xf32, #tpu.memory_space<vmem>>) offsets(%arg11 : memref<512xi32, #tpu.memory_space<vmem>>) semaphore(%arg81 : memref<!tpu.dma_semaphore, #tpu.memory_space<semaphore_mem>>)
    %dma_start3A_381 = arith.constant 29 : i32
    %dma_start3A_382 = arith.constant 0 : i32
    %dma_start3A_383 = tpu.memref_slice %arg5[%dma_start3A_381, %dma_start3A_382] : memref<32x1000000xf32, #tpu.memory_space<hbm>> -> memref<1x128xf32, #tpu.memory_space<hbm>>
    %dma_start3A_384 = tpu.memref_squeeze %dma_start3A_383 : memref<1x128xf32, #tpu.memory_space<hbm>> -> memref<128xf32, #tpu.memory_space<hbm>>
    %dma_start3A_385 = arith.constant 0 : i32
    %dma_start3A_386 = tpu.memref_slice %dma_start3A_384[%dma_start3A_385] : memref<128xf32, #tpu.memory_space<hbm>> -> memref<128xf32, #tpu.memory_space<hbm>>
    tpu.enqueue_indirect_dma source(%dma_start3A_386 : memref<128xf32, #tpu.memory_space<hbm>>) target(%arg74 : memref<512xf32, #tpu.memory_space<vmem>>) offsets(%arg12 : memref<512xi32, #tpu.memory_space<vmem>>) semaphore(%arg82 : memref<!tpu.dma_semaphore, #tpu.memory_space<semaphore_mem>>)
    %dma_start3A_387 = arith.constant 30 : i32
    %dma_start3A_388 = arith.constant 0 : i32
    %dma_start3A_389 = tpu.memref_slice %arg3[%dma_start3A_387, %dma_start3A_388] : memref<32x1000000xf32, #tpu.memory_space<hbm>> -> memref<1x128xf32, #tpu.memory_space<hbm>>
    %dma_start3A_390 = tpu.memref_squeeze %dma_start3A_389 : memref<1x128xf32, #tpu.memory_space<hbm>> -> memref<128xf32, #tpu.memory_space<hbm>>
    %dma_start3A_391 = arith.constant 0 : i32
    %dma_start3A_392 = tpu.memref_slice %dma_start3A_390[%dma_start3A_391] : memref<128xf32, #tpu.memory_space<hbm>> -> memref<128xf32, #tpu.memory_space<hbm>>
    tpu.enqueue_indirect_dma source(%dma_start3A_392 : memref<128xf32, #tpu.memory_space<hbm>>) target(%arg43 : memref<512xf32, #tpu.memory_space<vmem>>) offsets(%arg11 : memref<512xi32, #tpu.memory_space<vmem>>) semaphore(%arg81 : memref<!tpu.dma_semaphore, #tpu.memory_space<semaphore_mem>>)
    %dma_start3A_393 = arith.constant 30 : i32
    %dma_start3A_394 = arith.constant 0 : i32
    %dma_start3A_395 = tpu.memref_slice %arg5[%dma_start3A_393, %dma_start3A_394] : memref<32x1000000xf32, #tpu.memory_space<hbm>> -> memref<1x128xf32, #tpu.memory_space<hbm>>
    %dma_start3A_396 = tpu.memref_squeeze %dma_start3A_395 : memref<1x128xf32, #tpu.memory_space<hbm>> -> memref<128xf32, #tpu.memory_space<hbm>>
    %dma_start3A_397 = arith.constant 0 : i32
    %dma_start3A_398 = tpu.memref_slice %dma_start3A_396[%dma_start3A_397] : memref<128xf32, #tpu.memory_space<hbm>> -> memref<128xf32, #tpu.memory_space<hbm>>
    tpu.enqueue_indirect_dma source(%dma_start3A_398 : memref<128xf32, #tpu.memory_space<hbm>>) target(%arg75 : memref<512xf32, #tpu.memory_space<vmem>>) offsets(%arg12 : memref<512xi32, #tpu.memory_space<vmem>>) semaphore(%arg82 : memref<!tpu.dma_semaphore, #tpu.memory_space<semaphore_mem>>)
    %dma_start3A_399 = arith.constant 31 : i32
    %dma_start3A_400 = arith.constant 0 : i32
    %dma_start3A_401 = tpu.memref_slice %arg3[%dma_start3A_399, %dma_start3A_400] : memref<32x1000000xf32, #tpu.memory_space<hbm>> -> memref<1x128xf32, #tpu.memory_space<hbm>>
    %dma_start3A_402 = tpu.memref_squeeze %dma_start3A_401 : memref<1x128xf32, #tpu.memory_space<hbm>> -> memref<128xf32, #tpu.memory_space<hbm>>
    %dma_start3A_403 = arith.constant 0 : i32
    %dma_start3A_404 = tpu.memref_slice %dma_start3A_402[%dma_start3A_403] : memref<128xf32, #tpu.memory_space<hbm>> -> memref<128xf32, #tpu.memory_space<hbm>>
    tpu.enqueue_indirect_dma source(%dma_start3A_404 : memref<128xf32, #tpu.memory_space<hbm>>) target(%arg44 : memref<512xf32, #tpu.memory_space<vmem>>) offsets(%arg11 : memref<512xi32, #tpu.memory_space<vmem>>) semaphore(%arg81 : memref<!tpu.dma_semaphore, #tpu.memory_space<semaphore_mem>>)
    %dma_start3A_405 = arith.constant 31 : i32
    %dma_start3A_406 = arith.constant 0 : i32
    %dma_start3A_407 = tpu.memref_slice %arg5[%dma_start3A_405, %dma_start3A_406] : memref<32x1000000xf32, #tpu.memory_space<hbm>> -> memref<1x128xf32, #tpu.memory_space<hbm>>
    %dma_start3A_408 = tpu.memref_squeeze %dma_start3A_407 : memref<1x128xf32, #tpu.memory_space<hbm>> -> memref<128xf32, #tpu.memory_space<hbm>>
    %dma_start3A_409 = arith.constant 0 : i32
    %dma_start3A_410 = tpu.memref_slice %dma_start3A_408[%dma_start3A_409] : memref<128xf32, #tpu.memory_space<hbm>> -> memref<128xf32, #tpu.memory_space<hbm>>
    tpu.enqueue_indirect_dma source(%dma_start3A_410 : memref<128xf32, #tpu.memory_space<hbm>>) target(%arg76 : memref<512xf32, #tpu.memory_space<vmem>>) offsets(%arg12 : memref<512xi32, #tpu.memory_space<vmem>>) semaphore(%arg82 : memref<!tpu.dma_semaphore, #tpu.memory_space<semaphore_mem>>)
    %dma_start3A_411 = arith.constant 0 : i32
    %dma_start3A_412 = arith.constant 0 : i32
    %dma_start3A_413 = tpu.memref_slice %arg4[%dma_start3A_411, %dma_start3A_412] : memref<1x1000000xf32, #tpu.memory_space<hbm>> -> memref<1x1000000xf32, #tpu.memory_space<hbm>>
    %dma_start3A_414 = tpu.memref_squeeze %dma_start3A_413 : memref<1x1000000xf32, #tpu.memory_space<hbm>> -> memref<1000000xf32, #tpu.memory_space<hbm>>
    %dma_start3A_415 = arith.constant 0 : i32
    %dma_start3A_416 = tpu.memref_slice %dma_start3A_414[%dma_start3A_415] : memref<1000000xf32, #tpu.memory_space<hbm>> -> memref<1000000xf32, #tpu.memory_space<hbm>>
    tpu.enqueue_indirect_dma source(%dma_start3A_416 : memref<1000000xf32, #tpu.memory_space<hbm>>) target(%arg77 : memref<512xf32, #tpu.memory_space<vmem>>) offsets(%arg9 : memref<512xi32, #tpu.memory_space<vmem>>) semaphore(%arg83 : memref<!tpu.dma_semaphore, #tpu.memory_space<semaphore_mem>>)
    %dma_start3A_417 = arith.constant 0 : i32
    %dma_start3A_418 = arith.constant 0 : i32
    %dma_start3A_419 = tpu.memref_slice %arg6[%dma_start3A_417, %dma_start3A_418] : memref<1x1000000xf32, #tpu.memory_space<hbm>> -> memref<1x1000000xf32, #tpu.memory_space<hbm>>
    %dma_start3A_420 = tpu.memref_squeeze %dma_start3A_419 : memref<1x1000000xf32, #tpu.memory_space<hbm>> -> memref<1000000xf32, #tpu.memory_space<hbm>>
    %dma_start3A_421 = arith.constant 0 : i32
    %dma_start3A_422 = tpu.memref_slice %dma_start3A_420[%dma_start3A_421] : memref<1000000xf32, #tpu.memory_space<hbm>> -> memref<1000000xf32, #tpu.memory_space<hbm>>
    tpu.enqueue_indirect_dma source(%dma_start3A_422 : memref<1000000xf32, #tpu.memory_space<hbm>>) target(%arg78 : memref<512xf32, #tpu.memory_space<vmem>>) offsets(%arg10 : memref<512xi32, #tpu.memory_space<vmem>>) semaphore(%arg84 : memref<!tpu.dma_semaphore, #tpu.memory_space<semaphore_mem>>)
    %dma_wait3A_423 = arith.constant 0 : i32
    %dma_wait3A_424 = arith.constant 0 : i32
    %dma_wait3A_425 = tpu.memref_slice %arg4[%dma_wait3A_423, %dma_wait3A_424] : memref<1x1000000xf32, #tpu.memory_space<hbm>> -> memref<1x1000000xf32, #tpu.memory_space<hbm>>
    %dma_wait3A_426 = tpu.memref_squeeze %dma_wait3A_425 : memref<1x1000000xf32, #tpu.memory_space<hbm>> -> memref<1000000xf32, #tpu.memory_space<hbm>>
    %dma_wait3A_427 = arith.constant 0 : i32
    %dma_wait3A_428 = tpu.memref_slice %dma_wait3A_426[%dma_wait3A_427] : memref<1000000xf32, #tpu.memory_space<hbm>> -> memref<1000000xf32, #tpu.memory_space<hbm>>
    tpu.wait_indirect_dma semaphore(%arg83 : memref<!tpu.dma_semaphore, #tpu.memory_space<semaphore_mem>>) src(%dma_wait3A_428 : memref<1000000xf32, #tpu.memory_space<hbm>>) dst(%arg77 : memref<512xf32, #tpu.memory_space<vmem>>)
    %dma_wait3A_429 = arith.constant 0 : i32
    %dma_wait3A_430 = arith.constant 0 : i32
    %dma_wait3A_431 = tpu.memref_slice %arg6[%dma_wait3A_429, %dma_wait3A_430] : memref<1x1000000xf32, #tpu.memory_space<hbm>> -> memref<1x1000000xf32, #tpu.memory_space<hbm>>
    %dma_wait3A_432 = tpu.memref_squeeze %dma_wait3A_431 : memref<1x1000000xf32, #tpu.memory_space<hbm>> -> memref<1000000xf32, #tpu.memory_space<hbm>>
    %dma_wait3A_433 = arith.constant 0 : i32
    %dma_wait3A_434 = tpu.memref_slice %dma_wait3A_432[%dma_wait3A_433] : memref<1000000xf32, #tpu.memory_space<hbm>> -> memref<1000000xf32, #tpu.memory_space<hbm>>
    tpu.wait_indirect_dma semaphore(%arg84 : memref<!tpu.dma_semaphore, #tpu.memory_space<semaphore_mem>>) src(%dma_wait3A_434 : memref<1000000xf32, #tpu.memory_space<hbm>>) dst(%arg78 : memref<512xf32, #tpu.memory_space<vmem>>)
    %scan3A_435 = arith.constant 0 : i32
    %scan3A_436 = arith.constant 0 : i32
    %scan3A_437 = arith.constant 32 : i32
    %scan3A_438 = arith.addi %scan3A_436, %scan3A_437 : i32
    %scan3A_439 = arith.constant 1 : i32
    scf.for %scan3A_836 = %scan3A_436 to %scan3A_438 step %scan3A_439  : i32 {
      %mul3A_837 = arith.constant 16 : i32
      %mul3A_838 = arith.muli %scan3A_836, %mul3A_837 : i32
      %get3A = arith.index_cast %mul3A_838 : i32 to index
      %get3A_839 = tpu.vector_load %arg77[%get3A] {strides = array<i32>} : memref<512xf32, #tpu.memory_space<vmem>>, vector<16xf32>,
      %get3A_840 = arith.index_cast %mul3A_838 : i32 to index
      %get3A_841 = tpu.vector_load %arg78[%get3A_840] {strides = array<i32>} : memref<512xf32, #tpu.memory_space<vmem>>, vector<16xf32>,
      %add3A_842 = arith.addf %get3A_839, %get3A_841 : vector<16xf32>
      %swap3A_843 = arith.index_cast %mul3A_838 : i32 to index
      %swap3A_844 = tpu.vector_load %arg79[%swap3A_843] {strides = array<i32>} : memref<512xf32, #tpu.memory_space<vmem>>, vector<16xf32>,
      tpu.vector_store %arg79[%swap3A_843], %add3A_842 {strides = array<i32>} : memref<512xf32, #tpu.memory_space<vmem>>, vector<16xf32>,
    }
    %scan3A_440 = arith.constant 32 : i32
    "tpu.region"() ({
      %run_scoped3A = tpu.sem_alloc : memref<!tpu.dma_semaphore, #tpu.memory_space<semaphore_mem>>
      %dma_start3A_836 = tpu.memref_slice %arg8[%mul3A_2] : memref<16384xf32, #tpu.memory_space<hbm>> -> memref<512xf32, #tpu.memory_space<hbm>>
      %dma_start3A_837 = tpu.memref_slice %arg8[%mul3A_2] : memref<16384xf32, #tpu.memory_space<hbm>> -> memref<512xf32, #tpu.memory_space<hbm>>
      tpu.enqueue_dma source(%arg79 : memref<512xf32, #tpu.memory_space<vmem>>) target(%dma_start3A_837 : memref<512xf32, #tpu.memory_space<hbm>>) target_semaphore(%run_scoped3A : memref<!tpu.dma_semaphore, #tpu.memory_space<semaphore_mem>>)
      %dma_wait3A_838 = tpu.memref_slice %arg8[%mul3A_2] : memref<16384xf32, #tpu.memory_space<hbm>> -> memref<512xf32, #tpu.memory_space<hbm>>
      %dma_wait3A_839 = tpu.memref_slice %arg8[%mul3A_2] : memref<16384xf32, #tpu.memory_space<hbm>> -> memref<512xf32, #tpu.memory_space<hbm>>
      tpu.wait_dma2 semaphore(%run_scoped3A : memref<!tpu.dma_semaphore, #tpu.memory_space<semaphore_mem>>) src(%arg79 : memref<512xf32, #tpu.memory_space<vmem>>) dst(%dma_wait3A_839 : memref<512xf32, #tpu.memory_space<hbm>>)
      tpu.yield
    }) : () -> ()
    %dma_wait3A_441 = arith.constant 0 : i32
    %dma_wait3A_442 = arith.constant 0 : i32
    %dma_wait3A_443 = tpu.memref_slice %arg3[%dma_wait3A_441, %dma_wait3A_442] : memref<32x1000000xf32, #tpu.memory_space<hbm>> -> memref<1x128xf32, #tpu.memory_space<hbm>>
    %dma_wait3A_444 = tpu.memref_squeeze %dma_wait3A_443 : memref<1x128xf32, #tpu.memory_space<hbm>> -> memref<128xf32, #tpu.memory_space<hbm>>
    %dma_wait3A_445 = arith.constant 0 : i32
    %dma_wait3A_446 = tpu.memref_slice %dma_wait3A_444[%dma_wait3A_445] : memref<128xf32, #tpu.memory_space<hbm>> -> memref<128xf32, #tpu.memory_space<hbm>>
    tpu.wait_indirect_dma semaphore(%arg81 : memref<!tpu.dma_semaphore, #tpu.memory_space<semaphore_mem>>) src(%dma_wait3A_446 : memref<128xf32, #tpu.memory_space<hbm>>) dst(%arg13 : memref<512xf32, #tpu.memory_space<vmem>>)
    %dma_wait3A_447 = arith.constant 1 : i32
    %dma_wait3A_448 = arith.constant 0 : i32
    %dma_wait3A_449 = tpu.memref_slice %arg3[%dma_wait3A_447, %dma_wait3A_448] : memref<32x1000000xf32, #tpu.memory_space<hbm>> -> memref<1x128xf32, #tpu.memory_space<hbm>>
    %dma_wait3A_450 = tpu.memref_squeeze %dma_wait3A_449 : memref<1x128xf32, #tpu.memory_space<hbm>> -> memref<128xf32, #tpu.memory_space<hbm>>
    %dma_wait3A_451 = arith.constant 0 : i32
    %dma_wait3A_452 = tpu.memref_slice %dma_wait3A_450[%dma_wait3A_451] : memref<128xf32, #tpu.memory_space<hbm>> -> memref<128xf32, #tpu.memory_space<hbm>>
    tpu.wait_indirect_dma semaphore(%arg81 : memref<!tpu.dma_semaphore, #tpu.memory_space<semaphore_mem>>) src(%dma_wait3A_452 : memref<128xf32, #tpu.memory_space<hbm>>) dst(%arg14 : memref<512xf32, #tpu.memory_space<vmem>>)
    %dma_wait3A_453 = arith.constant 2 : i32
    %dma_wait3A_454 = arith.constant 0 : i32
    %dma_wait3A_455 = tpu.memref_slice %arg3[%dma_wait3A_453, %dma_wait3A_454] : memref<32x1000000xf32, #tpu.memory_space<hbm>> -> memref<1x128xf32, #tpu.memory_space<hbm>>
    %dma_wait3A_456 = tpu.memref_squeeze %dma_wait3A_455 : memref<1x128xf32, #tpu.memory_space<hbm>> -> memref<128xf32, #tpu.memory_space<hbm>>
    %dma_wait3A_457 = arith.constant 0 : i32
    %dma_wait3A_458 = tpu.memref_slice %dma_wait3A_456[%dma_wait3A_457] : memref<128xf32, #tpu.memory_space<hbm>> -> memref<128xf32, #tpu.memory_space<hbm>>
    tpu.wait_indirect_dma semaphore(%arg81 : memref<!tpu.dma_semaphore, #tpu.memory_space<semaphore_mem>>) src(%dma_wait3A_458 : memref<128xf32, #tpu.memory_space<hbm>>) dst(%arg15 : memref<512xf32, #tpu.memory_space<vmem>>)
    %dma_wait3A_459 = arith.constant 3 : i32
    %dma_wait3A_460 = arith.constant 0 : i32
    %dma_wait3A_461 = tpu.memref_slice %arg3[%dma_wait3A_459, %dma_wait3A_460] : memref<32x1000000xf32, #tpu.memory_space<hbm>> -> memref<1x128xf32, #tpu.memory_space<hbm>>
    %dma_wait3A_462 = tpu.memref_squeeze %dma_wait3A_461 : memref<1x128xf32, #tpu.memory_space<hbm>> -> memref<128xf32, #tpu.memory_space<hbm>>
    %dma_wait3A_463 = arith.constant 0 : i32
    %dma_wait3A_464 = tpu.memref_slice %dma_wait3A_462[%dma_wait3A_463] : memref<128xf32, #tpu.memory_space<hbm>> -> memref<128xf32, #tpu.memory_space<hbm>>
    tpu.wait_indirect_dma semaphore(%arg81 : memref<!tpu.dma_semaphore, #tpu.memory_space<semaphore_mem>>) src(%dma_wait3A_464 : memref<128xf32, #tpu.memory_space<hbm>>) dst(%arg16 : memref<512xf32, #tpu.memory_space<vmem>>)
    %dma_wait3A_465 = arith.constant 4 : i32
    %dma_wait3A_466 = arith.constant 0 : i32
    %dma_wait3A_467 = tpu.memref_slice %arg3[%dma_wait3A_465, %dma_wait3A_466] : memref<32x1000000xf32, #tpu.memory_space<hbm>> -> memref<1x128xf32, #tpu.memory_space<hbm>>
    %dma_wait3A_468 = tpu.memref_squeeze %dma_wait3A_467 : memref<1x128xf32, #tpu.memory_space<hbm>> -> memref<128xf32, #tpu.memory_space<hbm>>
    %dma_wait3A_469 = arith.constant 0 : i32
    %dma_wait3A_470 = tpu.memref_slice %dma_wait3A_468[%dma_wait3A_469] : memref<128xf32, #tpu.memory_space<hbm>> -> memref<128xf32, #tpu.memory_space<hbm>>
    tpu.wait_indirect_dma semaphore(%arg81 : memref<!tpu.dma_semaphore, #tpu.memory_space<semaphore_mem>>) src(%dma_wait3A_470 : memref<128xf32, #tpu.memory_space<hbm>>) dst(%arg17 : memref<512xf32, #tpu.memory_space<vmem>>)
    %dma_wait3A_471 = arith.constant 5 : i32
    %dma_wait3A_472 = arith.constant 0 : i32
    %dma_wait3A_473 = tpu.memref_slice %arg3[%dma_wait3A_471, %dma_wait3A_472] : memref<32x1000000xf32, #tpu.memory_space<hbm>> -> memref<1x128xf32, #tpu.memory_space<hbm>>
    %dma_wait3A_474 = tpu.memref_squeeze %dma_wait3A_473 : memref<1x128xf32, #tpu.memory_space<hbm>> -> memref<128xf32, #tpu.memory_space<hbm>>
    %dma_wait3A_475 = arith.constant 0 : i32
    %dma_wait3A_476 = tpu.memref_slice %dma_wait3A_474[%dma_wait3A_475] : memref<128xf32, #tpu.memory_space<hbm>> -> memref<128xf32, #tpu.memory_space<hbm>>
    tpu.wait_indirect_dma semaphore(%arg81 : memref<!tpu.dma_semaphore, #tpu.memory_space<semaphore_mem>>) src(%dma_wait3A_476 : memref<128xf32, #tpu.memory_space<hbm>>) dst(%arg18 : memref<512xf32, #tpu.memory_space<vmem>>)
    %dma_wait3A_477 = arith.constant 6 : i32
    %dma_wait3A_478 = arith.constant 0 : i32
    %dma_wait3A_479 = tpu.memref_slice %arg3[%dma_wait3A_477, %dma_wait3A_478] : memref<32x1000000xf32, #tpu.memory_space<hbm>> -> memref<1x128xf32, #tpu.memory_space<hbm>>
    %dma_wait3A_480 = tpu.memref_squeeze %dma_wait3A_479 : memref<1x128xf32, #tpu.memory_space<hbm>> -> memref<128xf32, #tpu.memory_space<hbm>>
    %dma_wait3A_481 = arith.constant 0 : i32
    %dma_wait3A_482 = tpu.memref_slice %dma_wait3A_480[%dma_wait3A_481] : memref<128xf32, #tpu.memory_space<hbm>> -> memref<128xf32, #tpu.memory_space<hbm>>
    tpu.wait_indirect_dma semaphore(%arg81 : memref<!tpu.dma_semaphore, #tpu.memory_space<semaphore_mem>>) src(%dma_wait3A_482 : memref<128xf32, #tpu.memory_space<hbm>>) dst(%arg19 : memref<512xf32, #tpu.memory_space<vmem>>)
    %dma_wait3A_483 = arith.constant 7 : i32
    %dma_wait3A_484 = arith.constant 0 : i32
    %dma_wait3A_485 = tpu.memref_slice %arg3[%dma_wait3A_483, %dma_wait3A_484] : memref<32x1000000xf32, #tpu.memory_space<hbm>> -> memref<1x128xf32, #tpu.memory_space<hbm>>
    %dma_wait3A_486 = tpu.memref_squeeze %dma_wait3A_485 : memref<1x128xf32, #tpu.memory_space<hbm>> -> memref<128xf32, #tpu.memory_space<hbm>>
    %dma_wait3A_487 = arith.constant 0 : i32
    %dma_wait3A_488 = tpu.memref_slice %dma_wait3A_486[%dma_wait3A_487] : memref<128xf32, #tpu.memory_space<hbm>> -> memref<128xf32, #tpu.memory_space<hbm>>
    tpu.wait_indirect_dma semaphore(%arg81 : memref<!tpu.dma_semaphore, #tpu.memory_space<semaphore_mem>>) src(%dma_wait3A_488 : memref<128xf32, #tpu.memory_space<hbm>>) dst(%arg20 : memref<512xf32, #tpu.memory_space<vmem>>)
    %dma_wait3A_489 = arith.constant 8 : i32
    %dma_wait3A_490 = arith.constant 0 : i32
    %dma_wait3A_491 = tpu.memref_slice %arg3[%dma_wait3A_489, %dma_wait3A_490] : memref<32x1000000xf32, #tpu.memory_space<hbm>> -> memref<1x128xf32, #tpu.memory_space<hbm>>
    %dma_wait3A_492 = tpu.memref_squeeze %dma_wait3A_491 : memref<1x128xf32, #tpu.memory_space<hbm>> -> memref<128xf32, #tpu.memory_space<hbm>>
    %dma_wait3A_493 = arith.constant 0 : i32
    %dma_wait3A_494 = tpu.memref_slice %dma_wait3A_492[%dma_wait3A_493] : memref<128xf32, #tpu.memory_space<hbm>> -> memref<128xf32, #tpu.memory_space<hbm>>
    tpu.wait_indirect_dma semaphore(%arg81 : memref<!tpu.dma_semaphore, #tpu.memory_space<semaphore_mem>>) src(%dma_wait3A_494 : memref<128xf32, #tpu.memory_space<hbm>>) dst(%arg21 : memref<512xf32, #tpu.memory_space<vmem>>)
    %dma_wait3A_495 = arith.constant 9 : i32
    %dma_wait3A_496 = arith.constant 0 : i32
    %dma_wait3A_497 = tpu.memref_slice %arg3[%dma_wait3A_495, %dma_wait3A_496] : memref<32x1000000xf32, #tpu.memory_space<hbm>> -> memref<1x128xf32, #tpu.memory_space<hbm>>
    %dma_wait3A_498 = tpu.memref_squeeze %dma_wait3A_497 : memref<1x128xf32, #tpu.memory_space<hbm>> -> memref<128xf32, #tpu.memory_space<hbm>>
    %dma_wait3A_499 = arith.constant 0 : i32
    %dma_wait3A_500 = tpu.memref_slice %dma_wait3A_498[%dma_wait3A_499] : memref<128xf32, #tpu.memory_space<hbm>> -> memref<128xf32, #tpu.memory_space<hbm>>
    tpu.wait_indirect_dma semaphore(%arg81 : memref<!tpu.dma_semaphore, #tpu.memory_space<semaphore_mem>>) src(%dma_wait3A_500 : memref<128xf32, #tpu.memory_space<hbm>>) dst(%arg22 : memref<512xf32, #tpu.memory_space<vmem>>)
    %dma_wait3A_501 = arith.constant 10 : i32
    %dma_wait3A_502 = arith.constant 0 : i32
    %dma_wait3A_503 = tpu.memref_slice %arg3[%dma_wait3A_501, %dma_wait3A_502] : memref<32x1000000xf32, #tpu.memory_space<hbm>> -> memref<1x128xf32, #tpu.memory_space<hbm>>
    %dma_wait3A_504 = tpu.memref_squeeze %dma_wait3A_503 : memref<1x128xf32, #tpu.memory_space<hbm>> -> memref<128xf32, #tpu.memory_space<hbm>>
    %dma_wait3A_505 = arith.constant 0 : i32
    %dma_wait3A_506 = tpu.memref_slice %dma_wait3A_504[%dma_wait3A_505] : memref<128xf32, #tpu.memory_space<hbm>> -> memref<128xf32, #tpu.memory_space<hbm>>
    tpu.wait_indirect_dma semaphore(%arg81 : memref<!tpu.dma_semaphore, #tpu.memory_space<semaphore_mem>>) src(%dma_wait3A_506 : memref<128xf32, #tpu.memory_space<hbm>>) dst(%arg23 : memref<512xf32, #tpu.memory_space<vmem>>)
    %dma_wait3A_507 = arith.constant 11 : i32
    %dma_wait3A_508 = arith.constant 0 : i32
    %dma_wait3A_509 = tpu.memref_slice %arg3[%dma_wait3A_507, %dma_wait3A_508] : memref<32x1000000xf32, #tpu.memory_space<hbm>> -> memref<1x128xf32, #tpu.memory_space<hbm>>
    %dma_wait3A_510 = tpu.memref_squeeze %dma_wait3A_509 : memref<1x128xf32, #tpu.memory_space<hbm>> -> memref<128xf32, #tpu.memory_space<hbm>>
    %dma_wait3A_511 = arith.constant 0 : i32
    %dma_wait3A_512 = tpu.memref_slice %dma_wait3A_510[%dma_wait3A_511] : memref<128xf32, #tpu.memory_space<hbm>> -> memref<128xf32, #tpu.memory_space<hbm>>
    tpu.wait_indirect_dma semaphore(%arg81 : memref<!tpu.dma_semaphore, #tpu.memory_space<semaphore_mem>>) src(%dma_wait3A_512 : memref<128xf32, #tpu.memory_space<hbm>>) dst(%arg24 : memref<512xf32, #tpu.memory_space<vmem>>)
    %dma_wait3A_513 = arith.constant 12 : i32
    %dma_wait3A_514 = arith.constant 0 : i32
    %dma_wait3A_515 = tpu.memref_slice %arg3[%dma_wait3A_513, %dma_wait3A_514] : memref<32x1000000xf32, #tpu.memory_space<hbm>> -> memref<1x128xf32, #tpu.memory_space<hbm>>
    %dma_wait3A_516 = tpu.memref_squeeze %dma_wait3A_515 : memref<1x128xf32, #tpu.memory_space<hbm>> -> memref<128xf32, #tpu.memory_space<hbm>>
    %dma_wait3A_517 = arith.constant 0 : i32
    %dma_wait3A_518 = tpu.memref_slice %dma_wait3A_516[%dma_wait3A_517] : memref<128xf32, #tpu.memory_space<hbm>> -> memref<128xf32, #tpu.memory_space<hbm>>
    tpu.wait_indirect_dma semaphore(%arg81 : memref<!tpu.dma_semaphore, #tpu.memory_space<semaphore_mem>>) src(%dma_wait3A_518 : memref<128xf32, #tpu.memory_space<hbm>>) dst(%arg25 : memref<512xf32, #tpu.memory_space<vmem>>)
    %dma_wait3A_519 = arith.constant 13 : i32
    %dma_wait3A_520 = arith.constant 0 : i32
    %dma_wait3A_521 = tpu.memref_slice %arg3[%dma_wait3A_519, %dma_wait3A_520] : memref<32x1000000xf32, #tpu.memory_space<hbm>> -> memref<1x128xf32, #tpu.memory_space<hbm>>
    %dma_wait3A_522 = tpu.memref_squeeze %dma_wait3A_521 : memref<1x128xf32, #tpu.memory_space<hbm>> -> memref<128xf32, #tpu.memory_space<hbm>>
    %dma_wait3A_523 = arith.constant 0 : i32
    %dma_wait3A_524 = tpu.memref_slice %dma_wait3A_522[%dma_wait3A_523] : memref<128xf32, #tpu.memory_space<hbm>> -> memref<128xf32, #tpu.memory_space<hbm>>
    tpu.wait_indirect_dma semaphore(%arg81 : memref<!tpu.dma_semaphore, #tpu.memory_space<semaphore_mem>>) src(%dma_wait3A_524 : memref<128xf32, #tpu.memory_space<hbm>>) dst(%arg26 : memref<512xf32, #tpu.memory_space<vmem>>)
    %dma_wait3A_525 = arith.constant 14 : i32
    %dma_wait3A_526 = arith.constant 0 : i32
    %dma_wait3A_527 = tpu.memref_slice %arg3[%dma_wait3A_525, %dma_wait3A_526] : memref<32x1000000xf32, #tpu.memory_space<hbm>> -> memref<1x128xf32, #tpu.memory_space<hbm>>
    %dma_wait3A_528 = tpu.memref_squeeze %dma_wait3A_527 : memref<1x128xf32, #tpu.memory_space<hbm>> -> memref<128xf32, #tpu.memory_space<hbm>>
    %dma_wait3A_529 = arith.constant 0 : i32
    %dma_wait3A_530 = tpu.memref_slice %dma_wait3A_528[%dma_wait3A_529] : memref<128xf32, #tpu.memory_space<hbm>> -> memref<128xf32, #tpu.memory_space<hbm>>
    tpu.wait_indirect_dma semaphore(%arg81 : memref<!tpu.dma_semaphore, #tpu.memory_space<semaphore_mem>>) src(%dma_wait3A_530 : memref<128xf32, #tpu.memory_space<hbm>>) dst(%arg27 : memref<512xf32, #tpu.memory_space<vmem>>)
    %dma_wait3A_531 = arith.constant 15 : i32
    %dma_wait3A_532 = arith.constant 0 : i32
    %dma_wait3A_533 = tpu.memref_slice %arg3[%dma_wait3A_531, %dma_wait3A_532] : memref<32x1000000xf32, #tpu.memory_space<hbm>> -> memref<1x128xf32, #tpu.memory_space<hbm>>
    %dma_wait3A_534 = tpu.memref_squeeze %dma_wait3A_533 : memref<1x128xf32, #tpu.memory_space<hbm>> -> memref<128xf32, #tpu.memory_space<hbm>>
    %dma_wait3A_535 = arith.constant 0 : i32
    %dma_wait3A_536 = tpu.memref_slice %dma_wait3A_534[%dma_wait3A_535] : memref<128xf32, #tpu.memory_space<hbm>> -> memref<128xf32, #tpu.memory_space<hbm>>
    tpu.wait_indirect_dma semaphore(%arg81 : memref<!tpu.dma_semaphore, #tpu.memory_space<semaphore_mem>>) src(%dma_wait3A_536 : memref<128xf32, #tpu.memory_space<hbm>>) dst(%arg28 : memref<512xf32, #tpu.memory_space<vmem>>)
    %dma_wait3A_537 = arith.constant 16 : i32
    %dma_wait3A_538 = arith.constant 0 : i32
    %dma_wait3A_539 = tpu.memref_slice %arg3[%dma_wait3A_537, %dma_wait3A_538] : memref<32x1000000xf32, #tpu.memory_space<hbm>> -> memref<1x128xf32, #tpu.memory_space<hbm>>
    %dma_wait3A_540 = tpu.memref_squeeze %dma_wait3A_539 : memref<1x128xf32, #tpu.memory_space<hbm>> -> memref<128xf32, #tpu.memory_space<hbm>>
    %dma_wait3A_541 = arith.constant 0 : i32
    %dma_wait3A_542 = tpu.memref_slice %dma_wait3A_540[%dma_wait3A_541] : memref<128xf32, #tpu.memory_space<hbm>> -> memref<128xf32, #tpu.memory_space<hbm>>
    tpu.wait_indirect_dma semaphore(%arg81 : memref<!tpu.dma_semaphore, #tpu.memory_space<semaphore_mem>>) src(%dma_wait3A_542 : memref<128xf32, #tpu.memory_space<hbm>>) dst(%arg29 : memref<512xf32, #tpu.memory_space<vmem>>)
    %dma_wait3A_543 = arith.constant 17 : i32
    %dma_wait3A_544 = arith.constant 0 : i32
    %dma_wait3A_545 = tpu.memref_slice %arg3[%dma_wait3A_543, %dma_wait3A_544] : memref<32x1000000xf32, #tpu.memory_space<hbm>> -> memref<1x128xf32, #tpu.memory_space<hbm>>
    %dma_wait3A_546 = tpu.memref_squeeze %dma_wait3A_545 : memref<1x128xf32, #tpu.memory_space<hbm>> -> memref<128xf32, #tpu.memory_space<hbm>>
    %dma_wait3A_547 = arith.constant 0 : i32
    %dma_wait3A_548 = tpu.memref_slice %dma_wait3A_546[%dma_wait3A_547] : memref<128xf32, #tpu.memory_space<hbm>> -> memref<128xf32, #tpu.memory_space<hbm>>
    tpu.wait_indirect_dma semaphore(%arg81 : memref<!tpu.dma_semaphore, #tpu.memory_space<semaphore_mem>>) src(%dma_wait3A_548 : memref<128xf32, #tpu.memory_space<hbm>>) dst(%arg30 : memref<512xf32, #tpu.memory_space<vmem>>)
    %dma_wait3A_549 = arith.constant 18 : i32
    %dma_wait3A_550 = arith.constant 0 : i32
    %dma_wait3A_551 = tpu.memref_slice %arg3[%dma_wait3A_549, %dma_wait3A_550] : memref<32x1000000xf32, #tpu.memory_space<hbm>> -> memref<1x128xf32, #tpu.memory_space<hbm>>
    %dma_wait3A_552 = tpu.memref_squeeze %dma_wait3A_551 : memref<1x128xf32, #tpu.memory_space<hbm>> -> memref<128xf32, #tpu.memory_space<hbm>>
    %dma_wait3A_553 = arith.constant 0 : i32
    %dma_wait3A_554 = tpu.memref_slice %dma_wait3A_552[%dma_wait3A_553] : memref<128xf32, #tpu.memory_space<hbm>> -> memref<128xf32, #tpu.memory_space<hbm>>
    tpu.wait_indirect_dma semaphore(%arg81 : memref<!tpu.dma_semaphore, #tpu.memory_space<semaphore_mem>>) src(%dma_wait3A_554 : memref<128xf32, #tpu.memory_space<hbm>>) dst(%arg31 : memref<512xf32, #tpu.memory_space<vmem>>)
    %dma_wait3A_555 = arith.constant 19 : i32
    %dma_wait3A_556 = arith.constant 0 : i32
    %dma_wait3A_557 = tpu.memref_slice %arg3[%dma_wait3A_555, %dma_wait3A_556] : memref<32x1000000xf32, #tpu.memory_space<hbm>> -> memref<1x128xf32, #tpu.memory_space<hbm>>
    %dma_wait3A_558 = tpu.memref_squeeze %dma_wait3A_557 : memref<1x128xf32, #tpu.memory_space<hbm>> -> memref<128xf32, #tpu.memory_space<hbm>>
    %dma_wait3A_559 = arith.constant 0 : i32
    %dma_wait3A_560 = tpu.memref_slice %dma_wait3A_558[%dma_wait3A_559] : memref<128xf32, #tpu.memory_space<hbm>> -> memref<128xf32, #tpu.memory_space<hbm>>
    tpu.wait_indirect_dma semaphore(%arg81 : memref<!tpu.dma_semaphore, #tpu.memory_space<semaphore_mem>>) src(%dma_wait3A_560 : memref<128xf32, #tpu.memory_space<hbm>>) dst(%arg32 : memref<512xf32, #tpu.memory_space<vmem>>)
    %dma_wait3A_561 = arith.constant 20 : i32
    %dma_wait3A_562 = arith.constant 0 : i32
    %dma_wait3A_563 = tpu.memref_slice %arg3[%dma_wait3A_561, %dma_wait3A_562] : memref<32x1000000xf32, #tpu.memory_space<hbm>> -> memref<1x128xf32, #tpu.memory_space<hbm>>
    %dma_wait3A_564 = tpu.memref_squeeze %dma_wait3A_563 : memref<1x128xf32, #tpu.memory_space<hbm>> -> memref<128xf32, #tpu.memory_space<hbm>>
    %dma_wait3A_565 = arith.constant 0 : i32
    %dma_wait3A_566 = tpu.memref_slice %dma_wait3A_564[%dma_wait3A_565] : memref<128xf32, #tpu.memory_space<hbm>> -> memref<128xf32, #tpu.memory_space<hbm>>
    tpu.wait_indirect_dma semaphore(%arg81 : memref<!tpu.dma_semaphore, #tpu.memory_space<semaphore_mem>>) src(%dma_wait3A_566 : memref<128xf32, #tpu.memory_space<hbm>>) dst(%arg33 : memref<512xf32, #tpu.memory_space<vmem>>)
    %dma_wait3A_567 = arith.constant 21 : i32
    %dma_wait3A_568 = arith.constant 0 : i32
    %dma_wait3A_569 = tpu.memref_slice %arg3[%dma_wait3A_567, %dma_wait3A_568] : memref<32x1000000xf32, #tpu.memory_space<hbm>> -> memref<1x128xf32, #tpu.memory_space<hbm>>
    %dma_wait3A_570 = tpu.memref_squeeze %dma_wait3A_569 : memref<1x128xf32, #tpu.memory_space<hbm>> -> memref<128xf32, #tpu.memory_space<hbm>>
    %dma_wait3A_571 = arith.constant 0 : i32
    %dma_wait3A_572 = tpu.memref_slice %dma_wait3A_570[%dma_wait3A_571] : memref<128xf32, #tpu.memory_space<hbm>> -> memref<128xf32, #tpu.memory_space<hbm>>
    tpu.wait_indirect_dma semaphore(%arg81 : memref<!tpu.dma_semaphore, #tpu.memory_space<semaphore_mem>>) src(%dma_wait3A_572 : memref<128xf32, #tpu.memory_space<hbm>>) dst(%arg34 : memref<512xf32, #tpu.memory_space<vmem>>)
    %dma_wait3A_573 = arith.constant 22 : i32
    %dma_wait3A_574 = arith.constant 0 : i32
    %dma_wait3A_575 = tpu.memref_slice %arg3[%dma_wait3A_573, %dma_wait3A_574] : memref<32x1000000xf32, #tpu.memory_space<hbm>> -> memref<1x128xf32, #tpu.memory_space<hbm>>
    %dma_wait3A_576 = tpu.memref_squeeze %dma_wait3A_575 : memref<1x128xf32, #tpu.memory_space<hbm>> -> memref<128xf32, #tpu.memory_space<hbm>>
    %dma_wait3A_577 = arith.constant 0 : i32
    %dma_wait3A_578 = tpu.memref_slice %dma_wait3A_576[%dma_wait3A_577] : memref<128xf32, #tpu.memory_space<hbm>> -> memref<128xf32, #tpu.memory_space<hbm>>
    tpu.wait_indirect_dma semaphore(%arg81 : memref<!tpu.dma_semaphore, #tpu.memory_space<semaphore_mem>>) src(%dma_wait3A_578 : memref<128xf32, #tpu.memory_space<hbm>>) dst(%arg35 : memref<512xf32, #tpu.memory_space<vmem>>)
    %dma_wait3A_579 = arith.constant 23 : i32
    %dma_wait3A_580 = arith.constant 0 : i32
    %dma_wait3A_581 = tpu.memref_slice %arg3[%dma_wait3A_579, %dma_wait3A_580] : memref<32x1000000xf32, #tpu.memory_space<hbm>> -> memref<1x128xf32, #tpu.memory_space<hbm>>
    %dma_wait3A_582 = tpu.memref_squeeze %dma_wait3A_581 : memref<1x128xf32, #tpu.memory_space<hbm>> -> memref<128xf32, #tpu.memory_space<hbm>>
    %dma_wait3A_583 = arith.constant 0 : i32
    %dma_wait3A_584 = tpu.memref_slice %dma_wait3A_582[%dma_wait3A_583] : memref<128xf32, #tpu.memory_space<hbm>> -> memref<128xf32, #tpu.memory_space<hbm>>
    tpu.wait_indirect_dma semaphore(%arg81 : memref<!tpu.dma_semaphore, #tpu.memory_space<semaphore_mem>>) src(%dma_wait3A_584 : memref<128xf32, #tpu.memory_space<hbm>>) dst(%arg36 : memref<512xf32, #tpu.memory_space<vmem>>)
    %dma_wait3A_585 = arith.constant 24 : i32
    %dma_wait3A_586 = arith.constant 0 : i32
    %dma_wait3A_587 = tpu.memref_slice %arg3[%dma_wait3A_585, %dma_wait3A_586] : memref<32x1000000xf32, #tpu.memory_space<hbm>> -> memref<1x128xf32, #tpu.memory_space<hbm>>
    %dma_wait3A_588 = tpu.memref_squeeze %dma_wait3A_587 : memref<1x128xf32, #tpu.memory_space<hbm>> -> memref<128xf32, #tpu.memory_space<hbm>>
    %dma_wait3A_589 = arith.constant 0 : i32
    %dma_wait3A_590 = tpu.memref_slice %dma_wait3A_588[%dma_wait3A_589] : memref<128xf32, #tpu.memory_space<hbm>> -> memref<128xf32, #tpu.memory_space<hbm>>
    tpu.wait_indirect_dma semaphore(%arg81 : memref<!tpu.dma_semaphore, #tpu.memory_space<semaphore_mem>>) src(%dma_wait3A_590 : memref<128xf32, #tpu.memory_space<hbm>>) dst(%arg37 : memref<512xf32, #tpu.memory_space<vmem>>)
    %dma_wait3A_591 = arith.constant 25 : i32
    %dma_wait3A_592 = arith.constant 0 : i32
    %dma_wait3A_593 = tpu.memref_slice %arg3[%dma_wait3A_591, %dma_wait3A_592] : memref<32x1000000xf32, #tpu.memory_space<hbm>> -> memref<1x128xf32, #tpu.memory_space<hbm>>
    %dma_wait3A_594 = tpu.memref_squeeze %dma_wait3A_593 : memref<1x128xf32, #tpu.memory_space<hbm>> -> memref<128xf32, #tpu.memory_space<hbm>>
    %dma_wait3A_595 = arith.constant 0 : i32
    %dma_wait3A_596 = tpu.memref_slice %dma_wait3A_594[%dma_wait3A_595] : memref<128xf32, #tpu.memory_space<hbm>> -> memref<128xf32, #tpu.memory_space<hbm>>
    tpu.wait_indirect_dma semaphore(%arg81 : memref<!tpu.dma_semaphore, #tpu.memory_space<semaphore_mem>>) src(%dma_wait3A_596 : memref<128xf32, #tpu.memory_space<hbm>>) dst(%arg38 : memref<512xf32, #tpu.memory_space<vmem>>)
    %dma_wait3A_597 = arith.constant 26 : i32
    %dma_wait3A_598 = arith.constant 0 : i32
    %dma_wait3A_599 = tpu.memref_slice %arg3[%dma_wait3A_597, %dma_wait3A_598] : memref<32x1000000xf32, #tpu.memory_space<hbm>> -> memref<1x128xf32, #tpu.memory_space<hbm>>
    %dma_wait3A_600 = tpu.memref_squeeze %dma_wait3A_599 : memref<1x128xf32, #tpu.memory_space<hbm>> -> memref<128xf32, #tpu.memory_space<hbm>>
    %dma_wait3A_601 = arith.constant 0 : i32
    %dma_wait3A_602 = tpu.memref_slice %dma_wait3A_600[%dma_wait3A_601] : memref<128xf32, #tpu.memory_space<hbm>> -> memref<128xf32, #tpu.memory_space<hbm>>
    tpu.wait_indirect_dma semaphore(%arg81 : memref<!tpu.dma_semaphore, #tpu.memory_space<semaphore_mem>>) src(%dma_wait3A_602 : memref<128xf32, #tpu.memory_space<hbm>>) dst(%arg39 : memref<512xf32, #tpu.memory_space<vmem>>)
    %dma_wait3A_603 = arith.constant 27 : i32
    %dma_wait3A_604 = arith.constant 0 : i32
    %dma_wait3A_605 = tpu.memref_slice %arg3[%dma_wait3A_603, %dma_wait3A_604] : memref<32x1000000xf32, #tpu.memory_space<hbm>> -> memref<1x128xf32, #tpu.memory_space<hbm>>
    %dma_wait3A_606 = tpu.memref_squeeze %dma_wait3A_605 : memref<1x128xf32, #tpu.memory_space<hbm>> -> memref<128xf32, #tpu.memory_space<hbm>>
    %dma_wait3A_607 = arith.constant 0 : i32
    %dma_wait3A_608 = tpu.memref_slice %dma_wait3A_606[%dma_wait3A_607] : memref<128xf32, #tpu.memory_space<hbm>> -> memref<128xf32, #tpu.memory_space<hbm>>
    tpu.wait_indirect_dma semaphore(%arg81 : memref<!tpu.dma_semaphore, #tpu.memory_space<semaphore_mem>>) src(%dma_wait3A_608 : memref<128xf32, #tpu.memory_space<hbm>>) dst(%arg40 : memref<512xf32, #tpu.memory_space<vmem>>)
    %dma_wait3A_609 = arith.constant 28 : i32
    %dma_wait3A_610 = arith.constant 0 : i32
    %dma_wait3A_611 = tpu.memref_slice %arg3[%dma_wait3A_609, %dma_wait3A_610] : memref<32x1000000xf32, #tpu.memory_space<hbm>> -> memref<1x128xf32, #tpu.memory_space<hbm>>
    %dma_wait3A_612 = tpu.memref_squeeze %dma_wait3A_611 : memref<1x128xf32, #tpu.memory_space<hbm>> -> memref<128xf32, #tpu.memory_space<hbm>>
    %dma_wait3A_613 = arith.constant 0 : i32
    %dma_wait3A_614 = tpu.memref_slice %dma_wait3A_612[%dma_wait3A_613] : memref<128xf32, #tpu.memory_space<hbm>> -> memref<128xf32, #tpu.memory_space<hbm>>
    tpu.wait_indirect_dma semaphore(%arg81 : memref<!tpu.dma_semaphore, #tpu.memory_space<semaphore_mem>>) src(%dma_wait3A_614 : memref<128xf32, #tpu.memory_space<hbm>>) dst(%arg41 : memref<512xf32, #tpu.memory_space<vmem>>)
    %dma_wait3A_615 = arith.constant 29 : i32
    %dma_wait3A_616 = arith.constant 0 : i32
    %dma_wait3A_617 = tpu.memref_slice %arg3[%dma_wait3A_615, %dma_wait3A_616] : memref<32x1000000xf32, #tpu.memory_space<hbm>> -> memref<1x128xf32, #tpu.memory_space<hbm>>
    %dma_wait3A_618 = tpu.memref_squeeze %dma_wait3A_617 : memref<1x128xf32, #tpu.memory_space<hbm>> -> memref<128xf32, #tpu.memory_space<hbm>>
    %dma_wait3A_619 = arith.constant 0 : i32
    %dma_wait3A_620 = tpu.memref_slice %dma_wait3A_618[%dma_wait3A_619] : memref<128xf32, #tpu.memory_space<hbm>> -> memref<128xf32, #tpu.memory_space<hbm>>
    tpu.wait_indirect_dma semaphore(%arg81 : memref<!tpu.dma_semaphore, #tpu.memory_space<semaphore_mem>>) src(%dma_wait3A_620 : memref<128xf32, #tpu.memory_space<hbm>>) dst(%arg42 : memref<512xf32, #tpu.memory_space<vmem>>)
    %dma_wait3A_621 = arith.constant 30 : i32
    %dma_wait3A_622 = arith.constant 0 : i32
    %dma_wait3A_623 = tpu.memref_slice %arg3[%dma_wait3A_621, %dma_wait3A_622] : memref<32x1000000xf32, #tpu.memory_space<hbm>> -> memref<1x128xf32, #tpu.memory_space<hbm>>
    %dma_wait3A_624 = tpu.memref_squeeze %dma_wait3A_623 : memref<1x128xf32, #tpu.memory_space<hbm>> -> memref<128xf32, #tpu.memory_space<hbm>>
    %dma_wait3A_625 = arith.constant 0 : i32
    %dma_wait3A_626 = tpu.memref_slice %dma_wait3A_624[%dma_wait3A_625] : memref<128xf32, #tpu.memory_space<hbm>> -> memref<128xf32, #tpu.memory_space<hbm>>
    tpu.wait_indirect_dma semaphore(%arg81 : memref<!tpu.dma_semaphore, #tpu.memory_space<semaphore_mem>>) src(%dma_wait3A_626 : memref<128xf32, #tpu.memory_space<hbm>>) dst(%arg43 : memref<512xf32, #tpu.memory_space<vmem>>)
    %dma_wait3A_627 = arith.constant 31 : i32
    %dma_wait3A_628 = arith.constant 0 : i32
    %dma_wait3A_629 = tpu.memref_slice %arg3[%dma_wait3A_627, %dma_wait3A_628] : memref<32x1000000xf32, #tpu.memory_space<hbm>> -> memref<1x128xf32, #tpu.memory_space<hbm>>
    %dma_wait3A_630 = tpu.memref_squeeze %dma_wait3A_629 : memref<1x128xf32, #tpu.memory_space<hbm>> -> memref<128xf32, #tpu.memory_space<hbm>>
    %dma_wait3A_631 = arith.constant 0 : i32
    %dma_wait3A_632 = tpu.memref_slice %dma_wait3A_630[%dma_wait3A_631] : memref<128xf32, #tpu.memory_space<hbm>> -> memref<128xf32, #tpu.memory_space<hbm>>
    tpu.wait_indirect_dma semaphore(%arg81 : memref<!tpu.dma_semaphore, #tpu.memory_space<semaphore_mem>>) src(%dma_wait3A_632 : memref<128xf32, #tpu.memory_space<hbm>>) dst(%arg44 : memref<512xf32, #tpu.memory_space<vmem>>)
    %dma_wait3A_633 = arith.constant 0 : i32
    %dma_wait3A_634 = arith.constant 0 : i32
    %dma_wait3A_635 = tpu.memref_slice %arg5[%dma_wait3A_633, %dma_wait3A_634] : memref<32x1000000xf32, #tpu.memory_space<hbm>> -> memref<1x128xf32, #tpu.memory_space<hbm>>
    %dma_wait3A_636 = tpu.memref_squeeze %dma_wait3A_635 : memref<1x128xf32, #tpu.memory_space<hbm>> -> memref<128xf32, #tpu.memory_space<hbm>>
    %dma_wait3A_637 = arith.constant 0 : i32
    %dma_wait3A_638 = tpu.memref_slice %dma_wait3A_636[%dma_wait3A_637] : memref<128xf32, #tpu.memory_space<hbm>> -> memref<128xf32, #tpu.memory_space<hbm>>
    tpu.wait_indirect_dma semaphore(%arg82 : memref<!tpu.dma_semaphore, #tpu.memory_space<semaphore_mem>>) src(%dma_wait3A_638 : memref<128xf32, #tpu.memory_space<hbm>>) dst(%arg45 : memref<512xf32, #tpu.memory_space<vmem>>)
    %dma_wait3A_639 = arith.constant 1 : i32
    %dma_wait3A_640 = arith.constant 0 : i32
    %dma_wait3A_641 = tpu.memref_slice %arg5[%dma_wait3A_639, %dma_wait3A_640] : memref<32x1000000xf32, #tpu.memory_space<hbm>> -> memref<1x128xf32, #tpu.memory_space<hbm>>
    %dma_wait3A_642 = tpu.memref_squeeze %dma_wait3A_641 : memref<1x128xf32, #tpu.memory_space<hbm>> -> memref<128xf32, #tpu.memory_space<hbm>>
    %dma_wait3A_643 = arith.constant 0 : i32
    %dma_wait3A_644 = tpu.memref_slice %dma_wait3A_642[%dma_wait3A_643] : memref<128xf32, #tpu.memory_space<hbm>> -> memref<128xf32, #tpu.memory_space<hbm>>
    tpu.wait_indirect_dma semaphore(%arg82 : memref<!tpu.dma_semaphore, #tpu.memory_space<semaphore_mem>>) src(%dma_wait3A_644 : memref<128xf32, #tpu.memory_space<hbm>>) dst(%arg46 : memref<512xf32, #tpu.memory_space<vmem>>)
    %dma_wait3A_645 = arith.constant 2 : i32
    %dma_wait3A_646 = arith.constant 0 : i32
    %dma_wait3A_647 = tpu.memref_slice %arg5[%dma_wait3A_645, %dma_wait3A_646] : memref<32x1000000xf32, #tpu.memory_space<hbm>> -> memref<1x128xf32, #tpu.memory_space<hbm>>
    %dma_wait3A_648 = tpu.memref_squeeze %dma_wait3A_647 : memref<1x128xf32, #tpu.memory_space<hbm>> -> memref<128xf32, #tpu.memory_space<hbm>>
    %dma_wait3A_649 = arith.constant 0 : i32
    %dma_wait3A_650 = tpu.memref_slice %dma_wait3A_648[%dma_wait3A_649] : memref<128xf32, #tpu.memory_space<hbm>> -> memref<128xf32, #tpu.memory_space<hbm>>
    tpu.wait_indirect_dma semaphore(%arg82 : memref<!tpu.dma_semaphore, #tpu.memory_space<semaphore_mem>>) src(%dma_wait3A_650 : memref<128xf32, #tpu.memory_space<hbm>>) dst(%arg47 : memref<512xf32, #tpu.memory_space<vmem>>)
    %dma_wait3A_651 = arith.constant 3 : i32
    %dma_wait3A_652 = arith.constant 0 : i32
    %dma_wait3A_653 = tpu.memref_slice %arg5[%dma_wait3A_651, %dma_wait3A_652] : memref<32x1000000xf32, #tpu.memory_space<hbm>> -> memref<1x128xf32, #tpu.memory_space<hbm>>
    %dma_wait3A_654 = tpu.memref_squeeze %dma_wait3A_653 : memref<1x128xf32, #tpu.memory_space<hbm>> -> memref<128xf32, #tpu.memory_space<hbm>>
    %dma_wait3A_655 = arith.constant 0 : i32
    %dma_wait3A_656 = tpu.memref_slice %dma_wait3A_654[%dma_wait3A_655] : memref<128xf32, #tpu.memory_space<hbm>> -> memref<128xf32, #tpu.memory_space<hbm>>
    tpu.wait_indirect_dma semaphore(%arg82 : memref<!tpu.dma_semaphore, #tpu.memory_space<semaphore_mem>>) src(%dma_wait3A_656 : memref<128xf32, #tpu.memory_space<hbm>>) dst(%arg48 : memref<512xf32, #tpu.memory_space<vmem>>)
    %dma_wait3A_657 = arith.constant 4 : i32
    %dma_wait3A_658 = arith.constant 0 : i32
    %dma_wait3A_659 = tpu.memref_slice %arg5[%dma_wait3A_657, %dma_wait3A_658] : memref<32x1000000xf32, #tpu.memory_space<hbm>> -> memref<1x128xf32, #tpu.memory_space<hbm>>
    %dma_wait3A_660 = tpu.memref_squeeze %dma_wait3A_659 : memref<1x128xf32, #tpu.memory_space<hbm>> -> memref<128xf32, #tpu.memory_space<hbm>>
    %dma_wait3A_661 = arith.constant 0 : i32
    %dma_wait3A_662 = tpu.memref_slice %dma_wait3A_660[%dma_wait3A_661] : memref<128xf32, #tpu.memory_space<hbm>> -> memref<128xf32, #tpu.memory_space<hbm>>
    tpu.wait_indirect_dma semaphore(%arg82 : memref<!tpu.dma_semaphore, #tpu.memory_space<semaphore_mem>>) src(%dma_wait3A_662 : memref<128xf32, #tpu.memory_space<hbm>>) dst(%arg49 : memref<512xf32, #tpu.memory_space<vmem>>)
    %dma_wait3A_663 = arith.constant 5 : i32
    %dma_wait3A_664 = arith.constant 0 : i32
    %dma_wait3A_665 = tpu.memref_slice %arg5[%dma_wait3A_663, %dma_wait3A_664] : memref<32x1000000xf32, #tpu.memory_space<hbm>> -> memref<1x128xf32, #tpu.memory_space<hbm>>
    %dma_wait3A_666 = tpu.memref_squeeze %dma_wait3A_665 : memref<1x128xf32, #tpu.memory_space<hbm>> -> memref<128xf32, #tpu.memory_space<hbm>>
    %dma_wait3A_667 = arith.constant 0 : i32
    %dma_wait3A_668 = tpu.memref_slice %dma_wait3A_666[%dma_wait3A_667] : memref<128xf32, #tpu.memory_space<hbm>> -> memref<128xf32, #tpu.memory_space<hbm>>
    tpu.wait_indirect_dma semaphore(%arg82 : memref<!tpu.dma_semaphore, #tpu.memory_space<semaphore_mem>>) src(%dma_wait3A_668 : memref<128xf32, #tpu.memory_space<hbm>>) dst(%arg50 : memref<512xf32, #tpu.memory_space<vmem>>)
    %dma_wait3A_669 = arith.constant 6 : i32
    %dma_wait3A_670 = arith.constant 0 : i32
    %dma_wait3A_671 = tpu.memref_slice %arg5[%dma_wait3A_669, %dma_wait3A_670] : memref<32x1000000xf32, #tpu.memory_space<hbm>> -> memref<1x128xf32, #tpu.memory_space<hbm>>
    %dma_wait3A_672 = tpu.memref_squeeze %dma_wait3A_671 : memref<1x128xf32, #tpu.memory_space<hbm>> -> memref<128xf32, #tpu.memory_space<hbm>>
    %dma_wait3A_673 = arith.constant 0 : i32
    %dma_wait3A_674 = tpu.memref_slice %dma_wait3A_672[%dma_wait3A_673] : memref<128xf32, #tpu.memory_space<hbm>> -> memref<128xf32, #tpu.memory_space<hbm>>
    tpu.wait_indirect_dma semaphore(%arg82 : memref<!tpu.dma_semaphore, #tpu.memory_space<semaphore_mem>>) src(%dma_wait3A_674 : memref<128xf32, #tpu.memory_space<hbm>>) dst(%arg51 : memref<512xf32, #tpu.memory_space<vmem>>)
    %dma_wait3A_675 = arith.constant 7 : i32
    %dma_wait3A_676 = arith.constant 0 : i32
    %dma_wait3A_677 = tpu.memref_slice %arg5[%dma_wait3A_675, %dma_wait3A_676] : memref<32x1000000xf32, #tpu.memory_space<hbm>> -> memref<1x128xf32, #tpu.memory_space<hbm>>
    %dma_wait3A_678 = tpu.memref_squeeze %dma_wait3A_677 : memref<1x128xf32, #tpu.memory_space<hbm>> -> memref<128xf32, #tpu.memory_space<hbm>>
    %dma_wait3A_679 = arith.constant 0 : i32
    %dma_wait3A_680 = tpu.memref_slice %dma_wait3A_678[%dma_wait3A_679] : memref<128xf32, #tpu.memory_space<hbm>> -> memref<128xf32, #tpu.memory_space<hbm>>
    tpu.wait_indirect_dma semaphore(%arg82 : memref<!tpu.dma_semaphore, #tpu.memory_space<semaphore_mem>>) src(%dma_wait3A_680 : memref<128xf32, #tpu.memory_space<hbm>>) dst(%arg52 : memref<512xf32, #tpu.memory_space<vmem>>)
    %dma_wait3A_681 = arith.constant 8 : i32
    %dma_wait3A_682 = arith.constant 0 : i32
    %dma_wait3A_683 = tpu.memref_slice %arg5[%dma_wait3A_681, %dma_wait3A_682] : memref<32x1000000xf32, #tpu.memory_space<hbm>> -> memref<1x128xf32, #tpu.memory_space<hbm>>
    %dma_wait3A_684 = tpu.memref_squeeze %dma_wait3A_683 : memref<1x128xf32, #tpu.memory_space<hbm>> -> memref<128xf32, #tpu.memory_space<hbm>>
    %dma_wait3A_685 = arith.constant 0 : i32
    %dma_wait3A_686 = tpu.memref_slice %dma_wait3A_684[%dma_wait3A_685] : memref<128xf32, #tpu.memory_space<hbm>> -> memref<128xf32, #tpu.memory_space<hbm>>
    tpu.wait_indirect_dma semaphore(%arg82 : memref<!tpu.dma_semaphore, #tpu.memory_space<semaphore_mem>>) src(%dma_wait3A_686 : memref<128xf32, #tpu.memory_space<hbm>>) dst(%arg53 : memref<512xf32, #tpu.memory_space<vmem>>)
    %dma_wait3A_687 = arith.constant 9 : i32
    %dma_wait3A_688 = arith.constant 0 : i32
    %dma_wait3A_689 = tpu.memref_slice %arg5[%dma_wait3A_687, %dma_wait3A_688] : memref<32x1000000xf32, #tpu.memory_space<hbm>> -> memref<1x128xf32, #tpu.memory_space<hbm>>
    %dma_wait3A_690 = tpu.memref_squeeze %dma_wait3A_689 : memref<1x128xf32, #tpu.memory_space<hbm>> -> memref<128xf32, #tpu.memory_space<hbm>>
    %dma_wait3A_691 = arith.constant 0 : i32
    %dma_wait3A_692 = tpu.memref_slice %dma_wait3A_690[%dma_wait3A_691] : memref<128xf32, #tpu.memory_space<hbm>> -> memref<128xf32, #tpu.memory_space<hbm>>
    tpu.wait_indirect_dma semaphore(%arg82 : memref<!tpu.dma_semaphore, #tpu.memory_space<semaphore_mem>>) src(%dma_wait3A_692 : memref<128xf32, #tpu.memory_space<hbm>>) dst(%arg54 : memref<512xf32, #tpu.memory_space<vmem>>)
    %dma_wait3A_693 = arith.constant 10 : i32
    %dma_wait3A_694 = arith.constant 0 : i32
    %dma_wait3A_695 = tpu.memref_slice %arg5[%dma_wait3A_693, %dma_wait3A_694] : memref<32x1000000xf32, #tpu.memory_space<hbm>> -> memref<1x128xf32, #tpu.memory_space<hbm>>
    %dma_wait3A_696 = tpu.memref_squeeze %dma_wait3A_695 : memref<1x128xf32, #tpu.memory_space<hbm>> -> memref<128xf32, #tpu.memory_space<hbm>>
    %dma_wait3A_697 = arith.constant 0 : i32
    %dma_wait3A_698 = tpu.memref_slice %dma_wait3A_696[%dma_wait3A_697] : memref<128xf32, #tpu.memory_space<hbm>> -> memref<128xf32, #tpu.memory_space<hbm>>
    tpu.wait_indirect_dma semaphore(%arg82 : memref<!tpu.dma_semaphore, #tpu.memory_space<semaphore_mem>>) src(%dma_wait3A_698 : memref<128xf32, #tpu.memory_space<hbm>>) dst(%arg55 : memref<512xf32, #tpu.memory_space<vmem>>)
    %dma_wait3A_699 = arith.constant 11 : i32
    %dma_wait3A_700 = arith.constant 0 : i32
    %dma_wait3A_701 = tpu.memref_slice %arg5[%dma_wait3A_699, %dma_wait3A_700] : memref<32x1000000xf32, #tpu.memory_space<hbm>> -> memref<1x128xf32, #tpu.memory_space<hbm>>
    %dma_wait3A_702 = tpu.memref_squeeze %dma_wait3A_701 : memref<1x128xf32, #tpu.memory_space<hbm>> -> memref<128xf32, #tpu.memory_space<hbm>>
    %dma_wait3A_703 = arith.constant 0 : i32
    %dma_wait3A_704 = tpu.memref_slice %dma_wait3A_702[%dma_wait3A_703] : memref<128xf32, #tpu.memory_space<hbm>> -> memref<128xf32, #tpu.memory_space<hbm>>
    tpu.wait_indirect_dma semaphore(%arg82 : memref<!tpu.dma_semaphore, #tpu.memory_space<semaphore_mem>>) src(%dma_wait3A_704 : memref<128xf32, #tpu.memory_space<hbm>>) dst(%arg56 : memref<512xf32, #tpu.memory_space<vmem>>)
    %dma_wait3A_705 = arith.constant 12 : i32
    %dma_wait3A_706 = arith.constant 0 : i32
    %dma_wait3A_707 = tpu.memref_slice %arg5[%dma_wait3A_705, %dma_wait3A_706] : memref<32x1000000xf32, #tpu.memory_space<hbm>> -> memref<1x128xf32, #tpu.memory_space<hbm>>
    %dma_wait3A_708 = tpu.memref_squeeze %dma_wait3A_707 : memref<1x128xf32, #tpu.memory_space<hbm>> -> memref<128xf32, #tpu.memory_space<hbm>>
    %dma_wait3A_709 = arith.constant 0 : i32
    %dma_wait3A_710 = tpu.memref_slice %dma_wait3A_708[%dma_wait3A_709] : memref<128xf32, #tpu.memory_space<hbm>> -> memref<128xf32, #tpu.memory_space<hbm>>
    tpu.wait_indirect_dma semaphore(%arg82 : memref<!tpu.dma_semaphore, #tpu.memory_space<semaphore_mem>>) src(%dma_wait3A_710 : memref<128xf32, #tpu.memory_space<hbm>>) dst(%arg57 : memref<512xf32, #tpu.memory_space<vmem>>)
    %dma_wait3A_711 = arith.constant 13 : i32
    %dma_wait3A_712 = arith.constant 0 : i32
    %dma_wait3A_713 = tpu.memref_slice %arg5[%dma_wait3A_711, %dma_wait3A_712] : memref<32x1000000xf32, #tpu.memory_space<hbm>> -> memref<1x128xf32, #tpu.memory_space<hbm>>
    %dma_wait3A_714 = tpu.memref_squeeze %dma_wait3A_713 : memref<1x128xf32, #tpu.memory_space<hbm>> -> memref<128xf32, #tpu.memory_space<hbm>>
    %dma_wait3A_715 = arith.constant 0 : i32
    %dma_wait3A_716 = tpu.memref_slice %dma_wait3A_714[%dma_wait3A_715] : memref<128xf32, #tpu.memory_space<hbm>> -> memref<128xf32, #tpu.memory_space<hbm>>
    tpu.wait_indirect_dma semaphore(%arg82 : memref<!tpu.dma_semaphore, #tpu.memory_space<semaphore_mem>>) src(%dma_wait3A_716 : memref<128xf32, #tpu.memory_space<hbm>>) dst(%arg58 : memref<512xf32, #tpu.memory_space<vmem>>)
    %dma_wait3A_717 = arith.constant 14 : i32
    %dma_wait3A_718 = arith.constant 0 : i32
    %dma_wait3A_719 = tpu.memref_slice %arg5[%dma_wait3A_717, %dma_wait3A_718] : memref<32x1000000xf32, #tpu.memory_space<hbm>> -> memref<1x128xf32, #tpu.memory_space<hbm>>
    %dma_wait3A_720 = tpu.memref_squeeze %dma_wait3A_719 : memref<1x128xf32, #tpu.memory_space<hbm>> -> memref<128xf32, #tpu.memory_space<hbm>>
    %dma_wait3A_721 = arith.constant 0 : i32
    %dma_wait3A_722 = tpu.memref_slice %dma_wait3A_720[%dma_wait3A_721] : memref<128xf32, #tpu.memory_space<hbm>> -> memref<128xf32, #tpu.memory_space<hbm>>
    tpu.wait_indirect_dma semaphore(%arg82 : memref<!tpu.dma_semaphore, #tpu.memory_space<semaphore_mem>>) src(%dma_wait3A_722 : memref<128xf32, #tpu.memory_space<hbm>>) dst(%arg59 : memref<512xf32, #tpu.memory_space<vmem>>)
    %dma_wait3A_723 = arith.constant 15 : i32
    %dma_wait3A_724 = arith.constant 0 : i32
    %dma_wait3A_725 = tpu.memref_slice %arg5[%dma_wait3A_723, %dma_wait3A_724] : memref<32x1000000xf32, #tpu.memory_space<hbm>> -> memref<1x128xf32, #tpu.memory_space<hbm>>
    %dma_wait3A_726 = tpu.memref_squeeze %dma_wait3A_725 : memref<1x128xf32, #tpu.memory_space<hbm>> -> memref<128xf32, #tpu.memory_space<hbm>>
    %dma_wait3A_727 = arith.constant 0 : i32
    %dma_wait3A_728 = tpu.memref_slice %dma_wait3A_726[%dma_wait3A_727] : memref<128xf32, #tpu.memory_space<hbm>> -> memref<128xf32, #tpu.memory_space<hbm>>
    tpu.wait_indirect_dma semaphore(%arg82 : memref<!tpu.dma_semaphore, #tpu.memory_space<semaphore_mem>>) src(%dma_wait3A_728 : memref<128xf32, #tpu.memory_space<hbm>>) dst(%arg60 : memref<512xf32, #tpu.memory_space<vmem>>)
    %dma_wait3A_729 = arith.constant 16 : i32
    %dma_wait3A_730 = arith.constant 0 : i32
    %dma_wait3A_731 = tpu.memref_slice %arg5[%dma_wait3A_729, %dma_wait3A_730] : memref<32x1000000xf32, #tpu.memory_space<hbm>> -> memref<1x128xf32, #tpu.memory_space<hbm>>
    %dma_wait3A_732 = tpu.memref_squeeze %dma_wait3A_731 : memref<1x128xf32, #tpu.memory_space<hbm>> -> memref<128xf32, #tpu.memory_space<hbm>>
    %dma_wait3A_733 = arith.constant 0 : i32
    %dma_wait3A_734 = tpu.memref_slice %dma_wait3A_732[%dma_wait3A_733] : memref<128xf32, #tpu.memory_space<hbm>> -> memref<128xf32, #tpu.memory_space<hbm>>
    tpu.wait_indirect_dma semaphore(%arg82 : memref<!tpu.dma_semaphore, #tpu.memory_space<semaphore_mem>>) src(%dma_wait3A_734 : memref<128xf32, #tpu.memory_space<hbm>>) dst(%arg61 : memref<512xf32, #tpu.memory_space<vmem>>)
    %dma_wait3A_735 = arith.constant 17 : i32
    %dma_wait3A_736 = arith.constant 0 : i32
    %dma_wait3A_737 = tpu.memref_slice %arg5[%dma_wait3A_735, %dma_wait3A_736] : memref<32x1000000xf32, #tpu.memory_space<hbm>> -> memref<1x128xf32, #tpu.memory_space<hbm>>
    %dma_wait3A_738 = tpu.memref_squeeze %dma_wait3A_737 : memref<1x128xf32, #tpu.memory_space<hbm>> -> memref<128xf32, #tpu.memory_space<hbm>>
    %dma_wait3A_739 = arith.constant 0 : i32
    %dma_wait3A_740 = tpu.memref_slice %dma_wait3A_738[%dma_wait3A_739] : memref<128xf32, #tpu.memory_space<hbm>> -> memref<128xf32, #tpu.memory_space<hbm>>
    tpu.wait_indirect_dma semaphore(%arg82 : memref<!tpu.dma_semaphore, #tpu.memory_space<semaphore_mem>>) src(%dma_wait3A_740 : memref<128xf32, #tpu.memory_space<hbm>>) dst(%arg62 : memref<512xf32, #tpu.memory_space<vmem>>)
    %dma_wait3A_741 = arith.constant 18 : i32
    %dma_wait3A_742 = arith.constant 0 : i32
    %dma_wait3A_743 = tpu.memref_slice %arg5[%dma_wait3A_741, %dma_wait3A_742] : memref<32x1000000xf32, #tpu.memory_space<hbm>> -> memref<1x128xf32, #tpu.memory_space<hbm>>
    %dma_wait3A_744 = tpu.memref_squeeze %dma_wait3A_743 : memref<1x128xf32, #tpu.memory_space<hbm>> -> memref<128xf32, #tpu.memory_space<hbm>>
    %dma_wait3A_745 = arith.constant 0 : i32
    %dma_wait3A_746 = tpu.memref_slice %dma_wait3A_744[%dma_wait3A_745] : memref<128xf32, #tpu.memory_space<hbm>> -> memref<128xf32, #tpu.memory_space<hbm>>
    tpu.wait_indirect_dma semaphore(%arg82 : memref<!tpu.dma_semaphore, #tpu.memory_space<semaphore_mem>>) src(%dma_wait3A_746 : memref<128xf32, #tpu.memory_space<hbm>>) dst(%arg63 : memref<512xf32, #tpu.memory_space<vmem>>)
    %dma_wait3A_747 = arith.constant 19 : i32
    %dma_wait3A_748 = arith.constant 0 : i32
    %dma_wait3A_749 = tpu.memref_slice %arg5[%dma_wait3A_747, %dma_wait3A_748] : memref<32x1000000xf32, #tpu.memory_space<hbm>> -> memref<1x128xf32, #tpu.memory_space<hbm>>
    %dma_wait3A_750 = tpu.memref_squeeze %dma_wait3A_749 : memref<1x128xf32, #tpu.memory_space<hbm>> -> memref<128xf32, #tpu.memory_space<hbm>>
    %dma_wait3A_751 = arith.constant 0 : i32
    %dma_wait3A_752 = tpu.memref_slice %dma_wait3A_750[%dma_wait3A_751] : memref<128xf32, #tpu.memory_space<hbm>> -> memref<128xf32, #tpu.memory_space<hbm>>
    tpu.wait_indirect_dma semaphore(%arg82 : memref<!tpu.dma_semaphore, #tpu.memory_space<semaphore_mem>>) src(%dma_wait3A_752 : memref<128xf32, #tpu.memory_space<hbm>>) dst(%arg64 : memref<512xf32, #tpu.memory_space<vmem>>)
    %dma_wait3A_753 = arith.constant 20 : i32
    %dma_wait3A_754 = arith.constant 0 : i32
    %dma_wait3A_755 = tpu.memref_slice %arg5[%dma_wait3A_753, %dma_wait3A_754] : memref<32x1000000xf32, #tpu.memory_space<hbm>> -> memref<1x128xf32, #tpu.memory_space<hbm>>
    %dma_wait3A_756 = tpu.memref_squeeze %dma_wait3A_755 : memref<1x128xf32, #tpu.memory_space<hbm>> -> memref<128xf32, #tpu.memory_space<hbm>>
    %dma_wait3A_757 = arith.constant 0 : i32
    %dma_wait3A_758 = tpu.memref_slice %dma_wait3A_756[%dma_wait3A_757] : memref<128xf32, #tpu.memory_space<hbm>> -> memref<128xf32, #tpu.memory_space<hbm>>
    tpu.wait_indirect_dma semaphore(%arg82 : memref<!tpu.dma_semaphore, #tpu.memory_space<semaphore_mem>>) src(%dma_wait3A_758 : memref<128xf32, #tpu.memory_space<hbm>>) dst(%arg65 : memref<512xf32, #tpu.memory_space<vmem>>)
    %dma_wait3A_759 = arith.constant 21 : i32
    %dma_wait3A_760 = arith.constant 0 : i32
    %dma_wait3A_761 = tpu.memref_slice %arg5[%dma_wait3A_759, %dma_wait3A_760] : memref<32x1000000xf32, #tpu.memory_space<hbm>> -> memref<1x128xf32, #tpu.memory_space<hbm>>
    %dma_wait3A_762 = tpu.memref_squeeze %dma_wait3A_761 : memref<1x128xf32, #tpu.memory_space<hbm>> -> memref<128xf32, #tpu.memory_space<hbm>>
    %dma_wait3A_763 = arith.constant 0 : i32
    %dma_wait3A_764 = tpu.memref_slice %dma_wait3A_762[%dma_wait3A_763] : memref<128xf32, #tpu.memory_space<hbm>> -> memref<128xf32, #tpu.memory_space<hbm>>
    tpu.wait_indirect_dma semaphore(%arg82 : memref<!tpu.dma_semaphore, #tpu.memory_space<semaphore_mem>>) src(%dma_wait3A_764 : memref<128xf32, #tpu.memory_space<hbm>>) dst(%arg66 : memref<512xf32, #tpu.memory_space<vmem>>)
    %dma_wait3A_765 = arith.constant 22 : i32
    %dma_wait3A_766 = arith.constant 0 : i32
    %dma_wait3A_767 = tpu.memref_slice %arg5[%dma_wait3A_765, %dma_wait3A_766] : memref<32x1000000xf32, #tpu.memory_space<hbm>> -> memref<1x128xf32, #tpu.memory_space<hbm>>
    %dma_wait3A_768 = tpu.memref_squeeze %dma_wait3A_767 : memref<1x128xf32, #tpu.memory_space<hbm>> -> memref<128xf32, #tpu.memory_space<hbm>>
    %dma_wait3A_769 = arith.constant 0 : i32
    %dma_wait3A_770 = tpu.memref_slice %dma_wait3A_768[%dma_wait3A_769] : memref<128xf32, #tpu.memory_space<hbm>> -> memref<128xf32, #tpu.memory_space<hbm>>
    tpu.wait_indirect_dma semaphore(%arg82 : memref<!tpu.dma_semaphore, #tpu.memory_space<semaphore_mem>>) src(%dma_wait3A_770 : memref<128xf32, #tpu.memory_space<hbm>>) dst(%arg67 : memref<512xf32, #tpu.memory_space<vmem>>)
    %dma_wait3A_771 = arith.constant 23 : i32
    %dma_wait3A_772 = arith.constant 0 : i32
    %dma_wait3A_773 = tpu.memref_slice %arg5[%dma_wait3A_771, %dma_wait3A_772] : memref<32x1000000xf32, #tpu.memory_space<hbm>> -> memref<1x128xf32, #tpu.memory_space<hbm>>
    %dma_wait3A_774 = tpu.memref_squeeze %dma_wait3A_773 : memref<1x128xf32, #tpu.memory_space<hbm>> -> memref<128xf32, #tpu.memory_space<hbm>>
    %dma_wait3A_775 = arith.constant 0 : i32
    %dma_wait3A_776 = tpu.memref_slice %dma_wait3A_774[%dma_wait3A_775] : memref<128xf32, #tpu.memory_space<hbm>> -> memref<128xf32, #tpu.memory_space<hbm>>
    tpu.wait_indirect_dma semaphore(%arg82 : memref<!tpu.dma_semaphore, #tpu.memory_space<semaphore_mem>>) src(%dma_wait3A_776 : memref<128xf32, #tpu.memory_space<hbm>>) dst(%arg68 : memref<512xf32, #tpu.memory_space<vmem>>)
    %dma_wait3A_777 = arith.constant 24 : i32
    %dma_wait3A_778 = arith.constant 0 : i32
    %dma_wait3A_779 = tpu.memref_slice %arg5[%dma_wait3A_777, %dma_wait3A_778] : memref<32x1000000xf32, #tpu.memory_space<hbm>> -> memref<1x128xf32, #tpu.memory_space<hbm>>
    %dma_wait3A_780 = tpu.memref_squeeze %dma_wait3A_779 : memref<1x128xf32, #tpu.memory_space<hbm>> -> memref<128xf32, #tpu.memory_space<hbm>>
    %dma_wait3A_781 = arith.constant 0 : i32
    %dma_wait3A_782 = tpu.memref_slice %dma_wait3A_780[%dma_wait3A_781] : memref<128xf32, #tpu.memory_space<hbm>> -> memref<128xf32, #tpu.memory_space<hbm>>
    tpu.wait_indirect_dma semaphore(%arg82 : memref<!tpu.dma_semaphore, #tpu.memory_space<semaphore_mem>>) src(%dma_wait3A_782 : memref<128xf32, #tpu.memory_space<hbm>>) dst(%arg69 : memref<512xf32, #tpu.memory_space<vmem>>)
    %dma_wait3A_783 = arith.constant 25 : i32
    %dma_wait3A_784 = arith.constant 0 : i32
    %dma_wait3A_785 = tpu.memref_slice %arg5[%dma_wait3A_783, %dma_wait3A_784] : memref<32x1000000xf32, #tpu.memory_space<hbm>> -> memref<1x128xf32, #tpu.memory_space<hbm>>
    %dma_wait3A_786 = tpu.memref_squeeze %dma_wait3A_785 : memref<1x128xf32, #tpu.memory_space<hbm>> -> memref<128xf32, #tpu.memory_space<hbm>>
    %dma_wait3A_787 = arith.constant 0 : i32
    %dma_wait3A_788 = tpu.memref_slice %dma_wait3A_786[%dma_wait3A_787] : memref<128xf32, #tpu.memory_space<hbm>> -> memref<128xf32, #tpu.memory_space<hbm>>
    tpu.wait_indirect_dma semaphore(%arg82 : memref<!tpu.dma_semaphore, #tpu.memory_space<semaphore_mem>>) src(%dma_wait3A_788 : memref<128xf32, #tpu.memory_space<hbm>>) dst(%arg70 : memref<512xf32, #tpu.memory_space<vmem>>)
    %dma_wait3A_789 = arith.constant 26 : i32
    %dma_wait3A_790 = arith.constant 0 : i32
    %dma_wait3A_791 = tpu.memref_slice %arg5[%dma_wait3A_789, %dma_wait3A_790] : memref<32x1000000xf32, #tpu.memory_space<hbm>> -> memref<1x128xf32, #tpu.memory_space<hbm>>
    %dma_wait3A_792 = tpu.memref_squeeze %dma_wait3A_791 : memref<1x128xf32, #tpu.memory_space<hbm>> -> memref<128xf32, #tpu.memory_space<hbm>>
    %dma_wait3A_793 = arith.constant 0 : i32
    %dma_wait3A_794 = tpu.memref_slice %dma_wait3A_792[%dma_wait3A_793] : memref<128xf32, #tpu.memory_space<hbm>> -> memref<128xf32, #tpu.memory_space<hbm>>
    tpu.wait_indirect_dma semaphore(%arg82 : memref<!tpu.dma_semaphore, #tpu.memory_space<semaphore_mem>>) src(%dma_wait3A_794 : memref<128xf32, #tpu.memory_space<hbm>>) dst(%arg71 : memref<512xf32, #tpu.memory_space<vmem>>)
    %dma_wait3A_795 = arith.constant 27 : i32
    %dma_wait3A_796 = arith.constant 0 : i32
    %dma_wait3A_797 = tpu.memref_slice %arg5[%dma_wait3A_795, %dma_wait3A_796] : memref<32x1000000xf32, #tpu.memory_space<hbm>> -> memref<1x128xf32, #tpu.memory_space<hbm>>
    %dma_wait3A_798 = tpu.memref_squeeze %dma_wait3A_797 : memref<1x128xf32, #tpu.memory_space<hbm>> -> memref<128xf32, #tpu.memory_space<hbm>>
    %dma_wait3A_799 = arith.constant 0 : i32
    %dma_wait3A_800 = tpu.memref_slice %dma_wait3A_798[%dma_wait3A_799] : memref<128xf32, #tpu.memory_space<hbm>> -> memref<128xf32, #tpu.memory_space<hbm>>
    tpu.wait_indirect_dma semaphore(%arg82 : memref<!tpu.dma_semaphore, #tpu.memory_space<semaphore_mem>>) src(%dma_wait3A_800 : memref<128xf32, #tpu.memory_space<hbm>>) dst(%arg72 : memref<512xf32, #tpu.memory_space<vmem>>)
    %dma_wait3A_801 = arith.constant 28 : i32
    %dma_wait3A_802 = arith.constant 0 : i32
    %dma_wait3A_803 = tpu.memref_slice %arg5[%dma_wait3A_801, %dma_wait3A_802] : memref<32x1000000xf32, #tpu.memory_space<hbm>> -> memref<1x128xf32, #tpu.memory_space<hbm>>
    %dma_wait3A_804 = tpu.memref_squeeze %dma_wait3A_803 : memref<1x128xf32, #tpu.memory_space<hbm>> -> memref<128xf32, #tpu.memory_space<hbm>>
    %dma_wait3A_805 = arith.constant 0 : i32
    %dma_wait3A_806 = tpu.memref_slice %dma_wait3A_804[%dma_wait3A_805] : memref<128xf32, #tpu.memory_space<hbm>> -> memref<128xf32, #tpu.memory_space<hbm>>
    tpu.wait_indirect_dma semaphore(%arg82 : memref<!tpu.dma_semaphore, #tpu.memory_space<semaphore_mem>>) src(%dma_wait3A_806 : memref<128xf32, #tpu.memory_space<hbm>>) dst(%arg73 : memref<512xf32, #tpu.memory_space<vmem>>)
    %dma_wait3A_807 = arith.constant 29 : i32
    %dma_wait3A_808 = arith.constant 0 : i32
    %dma_wait3A_809 = tpu.memref_slice %arg5[%dma_wait3A_807, %dma_wait3A_808] : memref<32x1000000xf32, #tpu.memory_space<hbm>> -> memref<1x128xf32, #tpu.memory_space<hbm>>
    %dma_wait3A_810 = tpu.memref_squeeze %dma_wait3A_809 : memref<1x128xf32, #tpu.memory_space<hbm>> -> memref<128xf32, #tpu.memory_space<hbm>>
    %dma_wait3A_811 = arith.constant 0 : i32
    %dma_wait3A_812 = tpu.memref_slice %dma_wait3A_810[%dma_wait3A_811] : memref<128xf32, #tpu.memory_space<hbm>> -> memref<128xf32, #tpu.memory_space<hbm>>
    tpu.wait_indirect_dma semaphore(%arg82 : memref<!tpu.dma_semaphore, #tpu.memory_space<semaphore_mem>>) src(%dma_wait3A_812 : memref<128xf32, #tpu.memory_space<hbm>>) dst(%arg74 : memref<512xf32, #tpu.memory_space<vmem>>)
    %dma_wait3A_813 = arith.constant 30 : i32
    %dma_wait3A_814 = arith.constant 0 : i32
    %dma_wait3A_815 = tpu.memref_slice %arg5[%dma_wait3A_813, %dma_wait3A_814] : memref<32x1000000xf32, #tpu.memory_space<hbm>> -> memref<1x128xf32, #tpu.memory_space<hbm>>
    %dma_wait3A_816 = tpu.memref_squeeze %dma_wait3A_815 : memref<1x128xf32, #tpu.memory_space<hbm>> -> memref<128xf32, #tpu.memory_space<hbm>>
    %dma_wait3A_817 = arith.constant 0 : i32
    %dma_wait3A_818 = tpu.memref_slice %dma_wait3A_816[%dma_wait3A_817] : memref<128xf32, #tpu.memory_space<hbm>> -> memref<128xf32, #tpu.memory_space<hbm>>
    tpu.wait_indirect_dma semaphore(%arg82 : memref<!tpu.dma_semaphore, #tpu.memory_space<semaphore_mem>>) src(%dma_wait3A_818 : memref<128xf32, #tpu.memory_space<hbm>>) dst(%arg75 : memref<512xf32, #tpu.memory_space<vmem>>)
    %dma_wait3A_819 = arith.constant 31 : i32
    %dma_wait3A_820 = arith.constant 0 : i32
    %dma_wait3A_821 = tpu.memref_slice %arg5[%dma_wait3A_819, %dma_wait3A_820] : memref<32x1000000xf32, #tpu.memory_space<hbm>> -> memref<1x128xf32, #tpu.memory_space<hbm>>
    %dma_wait3A_822 = tpu.memref_squeeze %dma_wait3A_821 : memref<1x128xf32, #tpu.memory_space<hbm>> -> memref<128xf32, #tpu.memory_space<hbm>>
    %dma_wait3A_823 = arith.constant 0 : i32
    %dma_wait3A_824 = tpu.memref_slice %dma_wait3A_822[%dma_wait3A_823] : memref<128xf32, #tpu.memory_space<hbm>> -> memref<128xf32, #tpu.memory_space<hbm>>
    tpu.wait_indirect_dma semaphore(%arg82 : memref<!tpu.dma_semaphore, #tpu.memory_space<semaphore_mem>>) src(%dma_wait3A_824 : memref<128xf32, #tpu.memory_space<hbm>>) dst(%arg76 : memref<512xf32, #tpu.memory_space<vmem>>)
    %broadcast_in_dim3A_825 = arith.constant 0.000000e+00 : f32
    %broadcast_in_dim3A_826 = vector.broadcast %broadcast_in_dim3A_825 : f32 to vector<16xf32>
    %scan3A_827 = arith.constant 0 : i32
    %scan3A_828 = arith.constant 32 : i32
    %scan3A_829 = arith.addi %scan3A_827, %scan3A_828 : i32
    %scan3A_830 = arith.constant 1 : i32
    %scan3A_831 = scf.for %scan3A_836 = %scan3A_827 to %scan3A_829 step %scan3A_830 iter_args(%scan3A_837 = %broadcast_in_dim3A_826) -> (vector<16xf32>)  : i32 {
      %mul3A_838 = arith.constant 16 : i32
      %mul3A_839 = arith.muli %scan3A_836, %mul3A_838 : i32
      %get3A = arith.index_cast %mul3A_839 : i32 to index
      %get3A_840 = tpu.vector_load %arg13[%get3A] {strides = array<i32>} : memref<512xf32, #tpu.memory_space<vmem>>, vector<16xf32>,
      %get3A_841 = arith.index_cast %mul3A_839 : i32 to index
      %get3A_842 = tpu.vector_load %arg45[%get3A_841] {strides = array<i32>} : memref<512xf32, #tpu.memory_space<vmem>>, vector<16xf32>,
      %mul3A_843 = arith.mulf %get3A_840, %get3A_842 : vector<16xf32>
      %add3A_844 = arith.addf %scan3A_837, %mul3A_843 : vector<16xf32>
      %get3A_845 = arith.index_cast %mul3A_839 : i32 to index
      %get3A_846 = tpu.vector_load %arg14[%get3A_845] {strides = array<i32>} : memref<512xf32, #tpu.memory_space<vmem>>, vector<16xf32>,
      %get3A_847 = arith.index_cast %mul3A_839 : i32 to index
      %get3A_848 = tpu.vector_load %arg46[%get3A_847] {strides = array<i32>} : memref<512xf32, #tpu.memory_space<vmem>>, vector<16xf32>,
      %mul3A_849 = arith.mulf %get3A_846, %get3A_848 : vector<16xf32>
      %add3A_850 = arith.addf %add3A_844, %mul3A_849 : vector<16xf32>
      %get3A_851 = arith.index_cast %mul3A_839 : i32 to index
      %get3A_852 = tpu.vector_load %arg15[%get3A_851] {strides = array<i32>} : memref<512xf32, #tpu.memory_space<vmem>>, vector<16xf32>,
      %get3A_853 = arith.index_cast %mul3A_839 : i32 to index
      %get3A_854 = tpu.vector_load %arg47[%get3A_853] {strides = array<i32>} : memref<512xf32, #tpu.memory_space<vmem>>, vector<16xf32>,
      %mul3A_855 = arith.mulf %get3A_852, %get3A_854 : vector<16xf32>
      %add3A_856 = arith.addf %add3A_850, %mul3A_855 : vector<16xf32>
      %get3A_857 = arith.index_cast %mul3A_839 : i32 to index
      %get3A_858 = tpu.vector_load %arg16[%get3A_857] {strides = array<i32>} : memref<512xf32, #tpu.memory_space<vmem>>, vector<16xf32>,
      %get3A_859 = arith.index_cast %mul3A_839 : i32 to index
      %get3A_860 = tpu.vector_load %arg48[%get3A_859] {strides = array<i32>} : memref<512xf32, #tpu.memory_space<vmem>>, vector<16xf32>,
      %mul3A_861 = arith.mulf %get3A_858, %get3A_860 : vector<16xf32>
      %add3A_862 = arith.addf %add3A_856, %mul3A_861 : vector<16xf32>
      %get3A_863 = arith.index_cast %mul3A_839 : i32 to index
      %get3A_864 = tpu.vector_load %arg17[%get3A_863] {strides = array<i32>} : memref<512xf32, #tpu.memory_space<vmem>>, vector<16xf32>,
      %get3A_865 = arith.index_cast %mul3A_839 : i32 to index
      %get3A_866 = tpu.vector_load %arg49[%get3A_865] {strides = array<i32>} : memref<512xf32, #tpu.memory_space<vmem>>, vector<16xf32>,
      %mul3A_867 = arith.mulf %get3A_864, %get3A_866 : vector<16xf32>
      %add3A_868 = arith.addf %add3A_862, %mul3A_867 : vector<16xf32>
      %get3A_869 = arith.index_cast %mul3A_839 : i32 to index
      %get3A_870 = tpu.vector_load %arg18[%get3A_869] {strides = array<i32>} : memref<512xf32, #tpu.memory_space<vmem>>, vector<16xf32>,
      %get3A_871 = arith.index_cast %mul3A_839 : i32 to index
      %get3A_872 = tpu.vector_load %arg50[%get3A_871] {strides = array<i32>} : memref<512xf32, #tpu.memory_space<vmem>>, vector<16xf32>,
      %mul3A_873 = arith.mulf %get3A_870, %get3A_872 : vector<16xf32>
      %add3A_874 = arith.addf %add3A_868, %mul3A_873 : vector<16xf32>
      %get3A_875 = arith.index_cast %mul3A_839 : i32 to index
      %get3A_876 = tpu.vector_load %arg19[%get3A_875] {strides = array<i32>} : memref<512xf32, #tpu.memory_space<vmem>>, vector<16xf32>,
      %get3A_877 = arith.index_cast %mul3A_839 : i32 to index
      %get3A_878 = tpu.vector_load %arg51[%get3A_877] {strides = array<i32>} : memref<512xf32, #tpu.memory_space<vmem>>, vector<16xf32>,
      %mul3A_879 = arith.mulf %get3A_876, %get3A_878 : vector<16xf32>
      %add3A_880 = arith.addf %add3A_874, %mul3A_879 : vector<16xf32>
      %get3A_881 = arith.index_cast %mul3A_839 : i32 to index
      %get3A_882 = tpu.vector_load %arg20[%get3A_881] {strides = array<i32>} : memref<512xf32, #tpu.memory_space<vmem>>, vector<16xf32>,
      %get3A_883 = arith.index_cast %mul3A_839 : i32 to index
      %get3A_884 = tpu.vector_load %arg52[%get3A_883] {strides = array<i32>} : memref<512xf32, #tpu.memory_space<vmem>>, vector<16xf32>,
      %mul3A_885 = arith.mulf %get3A_882, %get3A_884 : vector<16xf32>
      %add3A_886 = arith.addf %add3A_880, %mul3A_885 : vector<16xf32>
      %get3A_887 = arith.index_cast %mul3A_839 : i32 to index
      %get3A_888 = tpu.vector_load %arg21[%get3A_887] {strides = array<i32>} : memref<512xf32, #tpu.memory_space<vmem>>, vector<16xf32>,
      %get3A_889 = arith.index_cast %mul3A_839 : i32 to index
      %get3A_890 = tpu.vector_load %arg53[%get3A_889] {strides = array<i32>} : memref<512xf32, #tpu.memory_space<vmem>>, vector<16xf32>,
      %mul3A_891 = arith.mulf %get3A_888, %get3A_890 : vector<16xf32>
      %add3A_892 = arith.addf %add3A_886, %mul3A_891 : vector<16xf32>
      %get3A_893 = arith.index_cast %mul3A_839 : i32 to index
      %get3A_894 = tpu.vector_load %arg22[%get3A_893] {strides = array<i32>} : memref<512xf32, #tpu.memory_space<vmem>>, vector<16xf32>,
      %get3A_895 = arith.index_cast %mul3A_839 : i32 to index
      %get3A_896 = tpu.vector_load %arg54[%get3A_895] {strides = array<i32>} : memref<512xf32, #tpu.memory_space<vmem>>, vector<16xf32>,
      %mul3A_897 = arith.mulf %get3A_894, %get3A_896 : vector<16xf32>
      %add3A_898 = arith.addf %add3A_892, %mul3A_897 : vector<16xf32>
      %get3A_899 = arith.index_cast %mul3A_839 : i32 to index
      %get3A_900 = tpu.vector_load %arg23[%get3A_899] {strides = array<i32>} : memref<512xf32, #tpu.memory_space<vmem>>, vector<16xf32>,
      %get3A_901 = arith.index_cast %mul3A_839 : i32 to index
      %get3A_902 = tpu.vector_load %arg55[%get3A_901] {strides = array<i32>} : memref<512xf32, #tpu.memory_space<vmem>>, vector<16xf32>,
      %mul3A_903 = arith.mulf %get3A_900, %get3A_902 : vector<16xf32>
      %add3A_904 = arith.addf %add3A_898, %mul3A_903 : vector<16xf32>
      %get3A_905 = arith.index_cast %mul3A_839 : i32 to index
      %get3A_906 = tpu.vector_load %arg24[%get3A_905] {strides = array<i32>} : memref<512xf32, #tpu.memory_space<vmem>>, vector<16xf32>,
      %get3A_907 = arith.index_cast %mul3A_839 : i32 to index
      %get3A_908 = tpu.vector_load %arg56[%get3A_907] {strides = array<i32>} : memref<512xf32, #tpu.memory_space<vmem>>, vector<16xf32>,
      %mul3A_909 = arith.mulf %get3A_906, %get3A_908 : vector<16xf32>
      %add3A_910 = arith.addf %add3A_904, %mul3A_909 : vector<16xf32>
      %get3A_911 = arith.index_cast %mul3A_839 : i32 to index
      %get3A_912 = tpu.vector_load %arg25[%get3A_911] {strides = array<i32>} : memref<512xf32, #tpu.memory_space<vmem>>, vector<16xf32>,
      %get3A_913 = arith.index_cast %mul3A_839 : i32 to index
      %get3A_914 = tpu.vector_load %arg57[%get3A_913] {strides = array<i32>} : memref<512xf32, #tpu.memory_space<vmem>>, vector<16xf32>,
      %mul3A_915 = arith.mulf %get3A_912, %get3A_914 : vector<16xf32>
      %add3A_916 = arith.addf %add3A_910, %mul3A_915 : vector<16xf32>
      %get3A_917 = arith.index_cast %mul3A_839 : i32 to index
      %get3A_918 = tpu.vector_load %arg26[%get3A_917] {strides = array<i32>} : memref<512xf32, #tpu.memory_space<vmem>>, vector<16xf32>,
      %get3A_919 = arith.index_cast %mul3A_839 : i32 to index
      %get3A_920 = tpu.vector_load %arg58[%get3A_919] {strides = array<i32>} : memref<512xf32, #tpu.memory_space<vmem>>, vector<16xf32>,
      %mul3A_921 = arith.mulf %get3A_918, %get3A_920 : vector<16xf32>
      %add3A_922 = arith.addf %add3A_916, %mul3A_921 : vector<16xf32>
      %get3A_923 = arith.index_cast %mul3A_839 : i32 to index
      %get3A_924 = tpu.vector_load %arg27[%get3A_923] {strides = array<i32>} : memref<512xf32, #tpu.memory_space<vmem>>, vector<16xf32>,
      %get3A_925 = arith.index_cast %mul3A_839 : i32 to index
      %get3A_926 = tpu.vector_load %arg59[%get3A_925] {strides = array<i32>} : memref<512xf32, #tpu.memory_space<vmem>>, vector<16xf32>,
      %mul3A_927 = arith.mulf %get3A_924, %get3A_926 : vector<16xf32>
      %add3A_928 = arith.addf %add3A_922, %mul3A_927 : vector<16xf32>
      %get3A_929 = arith.index_cast %mul3A_839 : i32 to index
      %get3A_930 = tpu.vector_load %arg28[%get3A_929] {strides = array<i32>} : memref<512xf32, #tpu.memory_space<vmem>>, vector<16xf32>,
      %get3A_931 = arith.index_cast %mul3A_839 : i32 to index
      %get3A_932 = tpu.vector_load %arg60[%get3A_931] {strides = array<i32>} : memref<512xf32, #tpu.memory_space<vmem>>, vector<16xf32>,
      %mul3A_933 = arith.mulf %get3A_930, %get3A_932 : vector<16xf32>
      %add3A_934 = arith.addf %add3A_928, %mul3A_933 : vector<16xf32>
      %get3A_935 = arith.index_cast %mul3A_839 : i32 to index
      %get3A_936 = tpu.vector_load %arg29[%get3A_935] {strides = array<i32>} : memref<512xf32, #tpu.memory_space<vmem>>, vector<16xf32>,
      %get3A_937 = arith.index_cast %mul3A_839 : i32 to index
      %get3A_938 = tpu.vector_load %arg61[%get3A_937] {strides = array<i32>} : memref<512xf32, #tpu.memory_space<vmem>>, vector<16xf32>,
      %mul3A_939 = arith.mulf %get3A_936, %get3A_938 : vector<16xf32>
      %add3A_940 = arith.addf %add3A_934, %mul3A_939 : vector<16xf32>
      %get3A_941 = arith.index_cast %mul3A_839 : i32 to index
      %get3A_942 = tpu.vector_load %arg30[%get3A_941] {strides = array<i32>} : memref<512xf32, #tpu.memory_space<vmem>>, vector<16xf32>,
      %get3A_943 = arith.index_cast %mul3A_839 : i32 to index
      %get3A_944 = tpu.vector_load %arg62[%get3A_943] {strides = array<i32>} : memref<512xf32, #tpu.memory_space<vmem>>, vector<16xf32>,
      %mul3A_945 = arith.mulf %get3A_942, %get3A_944 : vector<16xf32>
      %add3A_946 = arith.addf %add3A_940, %mul3A_945 : vector<16xf32>
      %get3A_947 = arith.index_cast %mul3A_839 : i32 to index
      %get3A_948 = tpu.vector_load %arg31[%get3A_947] {strides = array<i32>} : memref<512xf32, #tpu.memory_space<vmem>>, vector<16xf32>,
      %get3A_949 = arith.index_cast %mul3A_839 : i32 to index
      %get3A_950 = tpu.vector_load %arg63[%get3A_949] {strides = array<i32>} : memref<512xf32, #tpu.memory_space<vmem>>, vector<16xf32>,
      %mul3A_951 = arith.mulf %get3A_948, %get3A_950 : vector<16xf32>
      %add3A_952 = arith.addf %add3A_946, %mul3A_951 : vector<16xf32>
      %get3A_953 = arith.index_cast %mul3A_839 : i32 to index
      %get3A_954 = tpu.vector_load %arg32[%get3A_953] {strides = array<i32>} : memref<512xf32, #tpu.memory_space<vmem>>, vector<16xf32>,
      %get3A_955 = arith.index_cast %mul3A_839 : i32 to index
      %get3A_956 = tpu.vector_load %arg64[%get3A_955] {strides = array<i32>} : memref<512xf32, #tpu.memory_space<vmem>>, vector<16xf32>,
      %mul3A_957 = arith.mulf %get3A_954, %get3A_956 : vector<16xf32>
      %add3A_958 = arith.addf %add3A_952, %mul3A_957 : vector<16xf32>
      %get3A_959 = arith.index_cast %mul3A_839 : i32 to index
      %get3A_960 = tpu.vector_load %arg33[%get3A_959] {strides = array<i32>} : memref<512xf32, #tpu.memory_space<vmem>>, vector<16xf32>,
      %get3A_961 = arith.index_cast %mul3A_839 : i32 to index
      %get3A_962 = tpu.vector_load %arg65[%get3A_961] {strides = array<i32>} : memref<512xf32, #tpu.memory_space<vmem>>, vector<16xf32>,
      %mul3A_963 = arith.mulf %get3A_960, %get3A_962 : vector<16xf32>
      %add3A_964 = arith.addf %add3A_958, %mul3A_963 : vector<16xf32>
      %get3A_965 = arith.index_cast %mul3A_839 : i32 to index
      %get3A_966 = tpu.vector_load %arg34[%get3A_965] {strides = array<i32>} : memref<512xf32, #tpu.memory_space<vmem>>, vector<16xf32>,
      %get3A_967 = arith.index_cast %mul3A_839 : i32 to index
      %get3A_968 = tpu.vector_load %arg66[%get3A_967] {strides = array<i32>} : memref<512xf32, #tpu.memory_space<vmem>>, vector<16xf32>,
      %mul3A_969 = arith.mulf %get3A_966, %get3A_968 : vector<16xf32>
      %add3A_970 = arith.addf %add3A_964, %mul3A_969 : vector<16xf32>
      %get3A_971 = arith.index_cast %mul3A_839 : i32 to index
      %get3A_972 = tpu.vector_load %arg35[%get3A_971] {strides = array<i32>} : memref<512xf32, #tpu.memory_space<vmem>>, vector<16xf32>,
      %get3A_973 = arith.index_cast %mul3A_839 : i32 to index
      %get3A_974 = tpu.vector_load %arg67[%get3A_973] {strides = array<i32>} : memref<512xf32, #tpu.memory_space<vmem>>, vector<16xf32>,
      %mul3A_975 = arith.mulf %get3A_972, %get3A_974 : vector<16xf32>
      %add3A_976 = arith.addf %add3A_970, %mul3A_975 : vector<16xf32>
      %get3A_977 = arith.index_cast %mul3A_839 : i32 to index
      %get3A_978 = tpu.vector_load %arg36[%get3A_977] {strides = array<i32>} : memref<512xf32, #tpu.memory_space<vmem>>, vector<16xf32>,
      %get3A_979 = arith.index_cast %mul3A_839 : i32 to index
      %get3A_980 = tpu.vector_load %arg68[%get3A_979] {strides = array<i32>} : memref<512xf32, #tpu.memory_space<vmem>>, vector<16xf32>,
      %mul3A_981 = arith.mulf %get3A_978, %get3A_980 : vector<16xf32>
      %add3A_982 = arith.addf %add3A_976, %mul3A_981 : vector<16xf32>
      %get3A_983 = arith.index_cast %mul3A_839 : i32 to index
      %get3A_984 = tpu.vector_load %arg37[%get3A_983] {strides = array<i32>} : memref<512xf32, #tpu.memory_space<vmem>>, vector<16xf32>,
      %get3A_985 = arith.index_cast %mul3A_839 : i32 to index
      %get3A_986 = tpu.vector_load %arg69[%get3A_985] {strides = array<i32>} : memref<512xf32, #tpu.memory_space<vmem>>, vector<16xf32>,
      %mul3A_987 = arith.mulf %get3A_984, %get3A_986 : vector<16xf32>
      %add3A_988 = arith.addf %add3A_982, %mul3A_987 : vector<16xf32>
      %get3A_989 = arith.index_cast %mul3A_839 : i32 to index
      %get3A_990 = tpu.vector_load %arg38[%get3A_989] {strides = array<i32>} : memref<512xf32, #tpu.memory_space<vmem>>, vector<16xf32>,
      %get3A_991 = arith.index_cast %mul3A_839 : i32 to index
      %get3A_992 = tpu.vector_load %arg70[%get3A_991] {strides = array<i32>} : memref<512xf32, #tpu.memory_space<vmem>>, vector<16xf32>,
      %mul3A_993 = arith.mulf %get3A_990, %get3A_992 : vector<16xf32>
      %add3A_994 = arith.addf %add3A_988, %mul3A_993 : vector<16xf32>
      %get3A_995 = arith.index_cast %mul3A_839 : i32 to index
      %get3A_996 = tpu.vector_load %arg39[%get3A_995] {strides = array<i32>} : memref<512xf32, #tpu.memory_space<vmem>>, vector<16xf32>,
      %get3A_997 = arith.index_cast %mul3A_839 : i32 to index
      %get3A_998 = tpu.vector_load %arg71[%get3A_997] {strides = array<i32>} : memref<512xf32, #tpu.memory_space<vmem>>, vector<16xf32>,
      %mul3A_999 = arith.mulf %get3A_996, %get3A_998 : vector<16xf32>
      %add3A_1000 = arith.addf %add3A_994, %mul3A_999 : vector<16xf32>
      %get3A_1001 = arith.index_cast %mul3A_839 : i32 to index
      %get3A_1002 = tpu.vector_load %arg40[%get3A_1001] {strides = array<i32>} : memref<512xf32, #tpu.memory_space<vmem>>, vector<16xf32>,
      %get3A_1003 = arith.index_cast %mul3A_839 : i32 to index
      %get3A_1004 = tpu.vector_load %arg72[%get3A_1003] {strides = array<i32>} : memref<512xf32, #tpu.memory_space<vmem>>, vector<16xf32>,
      %mul3A_1005 = arith.mulf %get3A_1002, %get3A_1004 : vector<16xf32>
      %add3A_1006 = arith.addf %add3A_1000, %mul3A_1005 : vector<16xf32>
      %get3A_1007 = arith.index_cast %mul3A_839 : i32 to index
      %get3A_1008 = tpu.vector_load %arg41[%get3A_1007] {strides = array<i32>} : memref<512xf32, #tpu.memory_space<vmem>>, vector<16xf32>,
      %get3A_1009 = arith.index_cast %mul3A_839 : i32 to index
      %get3A_1010 = tpu.vector_load %arg73[%get3A_1009] {strides = array<i32>} : memref<512xf32, #tpu.memory_space<vmem>>, vector<16xf32>,
      %mul3A_1011 = arith.mulf %get3A_1008, %get3A_1010 : vector<16xf32>
      %add3A_1012 = arith.addf %add3A_1006, %mul3A_1011 : vector<16xf32>
      %get3A_1013 = arith.index_cast %mul3A_839 : i32 to index
      %get3A_1014 = tpu.vector_load %arg42[%get3A_1013] {strides = array<i32>} : memref<512xf32, #tpu.memory_space<vmem>>, vector<16xf32>,
      %get3A_1015 = arith.index_cast %mul3A_839 : i32 to index
      %get3A_1016 = tpu.vector_load %arg74[%get3A_1015] {strides = array<i32>} : memref<512xf32, #tpu.memory_space<vmem>>, vector<16xf32>,
      %mul3A_1017 = arith.mulf %get3A_1014, %get3A_1016 : vector<16xf32>
      %add3A_1018 = arith.addf %add3A_1012, %mul3A_1017 : vector<16xf32>
      %get3A_1019 = arith.index_cast %mul3A_839 : i32 to index
      %get3A_1020 = tpu.vector_load %arg43[%get3A_1019] {strides = array<i32>} : memref<512xf32, #tpu.memory_space<vmem>>, vector<16xf32>,
      %get3A_1021 = arith.index_cast %mul3A_839 : i32 to index
      %get3A_1022 = tpu.vector_load %arg75[%get3A_1021] {strides = array<i32>} : memref<512xf32, #tpu.memory_space<vmem>>, vector<16xf32>,
      %mul3A_1023 = arith.mulf %get3A_1020, %get3A_1022 : vector<16xf32>
      %add3A_1024 = arith.addf %add3A_1018, %mul3A_1023 : vector<16xf32>
      %get3A_1025 = arith.index_cast %mul3A_839 : i32 to index
      %get3A_1026 = tpu.vector_load %arg44[%get3A_1025] {strides = array<i32>} : memref<512xf32, #tpu.memory_space<vmem>>, vector<16xf32>,
      %get3A_1027 = arith.index_cast %mul3A_839 : i32 to index
      %get3A_1028 = tpu.vector_load %arg76[%get3A_1027] {strides = array<i32>} : memref<512xf32, #tpu.memory_space<vmem>>, vector<16xf32>,
      %mul3A_1029 = arith.mulf %get3A_1026, %get3A_1028 : vector<16xf32>
      %add3A_1030 = arith.addf %add3A_1024, %mul3A_1029 : vector<16xf32>
      scf.yield %add3A_1030 : vector<16xf32>
    }
    %scan3A_832 = arith.constant 32 : i32
    %swap3A = arith.constant 0 : index
    %swap3A_833 = tpu.vector_load %arg80[%swap3A] {strides = array<i32>} : memref<16xf32, #tpu.memory_space<vmem>>, vector<16xf32>,
    tpu.vector_store %arg80[%swap3A], %scan3A_831 {strides = array<i32>} : memref<16xf32, #tpu.memory_space<vmem>>, vector<16xf32>,
    %mul3A_834 = arith.constant 16 : i32
    %mul3A_835 = arith.muli %add3A, %mul3A_834 : i32
    "tpu.region"() ({
      %run_scoped3A = tpu.sem_alloc : memref<!tpu.dma_semaphore, #tpu.memory_space<semaphore_mem>>
      %dma_start3A_836 = tpu.memref_slice %arg7[%mul3A_835] : memref<512xf32, #tpu.memory_space<hbm>> -> memref<16xf32, #tpu.memory_space<hbm>>
      %dma_start3A_837 = tpu.memref_slice %arg7[%mul3A_835] : memref<512xf32, #tpu.memory_space<hbm>> -> memref<16xf32, #tpu.memory_space<hbm>>
      tpu.enqueue_dma source(%arg80 : memref<16xf32, #tpu.memory_space<vmem>>) target(%dma_start3A_837 : memref<16xf32, #tpu.memory_space<hbm>>) target_semaphore(%run_scoped3A : memref<!tpu.dma_semaphore, #tpu.memory_space<semaphore_mem>>)
      %dma_wait3A_838 = tpu.memref_slice %arg7[%mul3A_835] : memref<512xf32, #tpu.memory_space<hbm>> -> memref<16xf32, #tpu.memory_space<hbm>>
      %dma_wait3A_839 = tpu.memref_slice %arg7[%mul3A_835] : memref<512xf32, #tpu.memory_space<hbm>> -> memref<16xf32, #tpu.memory_space<hbm>>
      tpu.wait_dma2 semaphore(%run_scoped3A : memref<!tpu.dma_semaphore, #tpu.memory_space<semaphore_mem>>) src(%arg80 : memref<16xf32, #tpu.memory_space<vmem>>) dst(%dma_wait3A_839 : memref<16xf32, #tpu.memory_space<hbm>>)
      tpu.yield
    }) : () -> ()
    return
  }
}

module attributes {stable_mosaic.version = 14 : i64} {
  func.func @body(%arg0: memref<4x128xf32, #tpu.memory_space<vmem>>, %arg1: memref<128x128xf32, #tpu.memory_space<vmem>>, %arg2: memref<128x128xf32, #tpu.memory_space<vmem>>) attributes {dimension_semantics = [], scalar_prefetch = 0 : i64, scratch_operands = 0 : i64, tpu.core_type = #tpu.core_type<tc>} {
    %get3A = arith.constant 0 : index
    %get3A_0 = arith.constant 0 : index
    %get3A_1 = vector.load %arg0[%get3A, %get3A_0] : memref<4x128xf32, #tpu.memory_space<vmem>>, vector<4x128xf32>
    %reduce_sum3A = vector.shape_cast %get3A_1 : vector<4x128xf32> to vector<1x4x128xf32>
    %reduce_sum3A_2 = arith.constant dense<0.000000e+00> : vector<1xf32>
    %reduce_sum3A_3 = vector.multi_reduction <add>, %reduce_sum3A, %reduce_sum3A_2 [1, 2] : vector<1x4x128xf32> to vector<1xf32>
    %reduce_sum3A_4 = vector.shape_cast %reduce_sum3A_3 : vector<1xf32> to vector<1x1x1xf32>
    %reduce_sum3A_5 = vector.extract %reduce_sum3A_4[0, 0, 0] : f32 from vector<1x1x1xf32>
    %get3A_6 = arith.constant 0 : index
    %get3A_7 = arith.constant 0 : index
    %get3A_8 = vector.load %arg1[%get3A_6, %get3A_7] : memref<128x128xf32, #tpu.memory_space<vmem>>, vector<128x128xf32>
    %add3A = vector.broadcast %reduce_sum3A_5 : f32 to vector<128x128xf32>
    %add3A_9 = arith.addf %get3A_8, %add3A : vector<128x128xf32>
    %logistic3A = arith.negf %add3A_9 : vector<128x128xf32>
    %logistic3A_10 = math.exp %logistic3A : vector<128x128xf32>
    %logistic3A_11 = arith.constant 1.000000e+00 : f32
    %logistic3A_12 = vector.broadcast %logistic3A_11 : f32 to vector<128x128xf32>
    %logistic3A_13 = arith.addf %logistic3A_12, %logistic3A_10 : vector<128x128xf32>
    %logistic3A_14 = arith.divf %logistic3A_12, %logistic3A_13 : vector<128x128xf32>
    %swap3A = arith.constant 0 : index
    %swap3A_15 = arith.constant 0 : index
    %swap3A_16 = vector.load %arg2[%swap3A, %swap3A_15] : memref<128x128xf32, #tpu.memory_space<vmem>>, vector<128x128xf32>
    tpu.vector_store %arg2[%swap3A, %swap3A_15], %logistic3A_14 {strides = array<i32>} : memref<128x128xf32, #tpu.memory_space<vmem>>, vector<128x128xf32>,
    return
  }
}

</mosaic_0001>

<sc_bundles>
// kernel: kernel.4.cloned.1.call-start
scs
__scs_entry_jumppad:
0x0: {  	(pc) =	sbr.rel $0x88, $3  }
0x1: {  	(tag) =	ssettag $0x0;
	lr =	simm.s32 $0x1  }
0x2: {  	[smem:$0x3F9C] =	sst lr;
	_ =	strace $0xD0000000  }
0x3: {  	_ = 	snop  }
0x4: {  	_ = 	snop  }
0x5: {  	_ = 	snop  }
0x6: {  	_ = 	snop  }
0x7: {  	_ = 	snop  }
__scs_overlays_trampoline_lowered:
0x8: {  	[smem:$0x3FAB] =	sst s0  }
0x9: {  	[smem:$0x3FAC] =	sst s1  }
0xa: {  	[smem:$0x3FAD] =	sst s2  }
0xb: {  	[smem:$0x3FAE] =	sst s3  }
0xc: {  	[smem:$0x3FAF] =	sst s4  }
0xd: {  	[smem:$0x3FB0] =	sst s5  }
0xe: {  	[smem:$0x3FB1] =	sst s6  }
0xf: {  	[smem:$0x3FB2] =	sst s7  }
0x10: {  	[smem:$0x3FB3] =	sst s8  }
0x11: {  	[smem:$0x3FB4] =	sst s9;
	s0 =	simm.s32 @!p0 $0x0  }
0x12: {  	s1 =	sld [smem:$0x3F9A];
	s0 =	simm.s32 @p0 $0x1  }
0x13: {  	[smem:$0x3FB5] =	sst s0;
	s0 =	simm.s32 @!p1 $0x0  }
0x14: {  	s2 =	sld [smem:$0x3F99];
	s0 =	simm.s32 @p1 $0x1  }
0x15: {  	[smem:$0x3FB6] =	sst s0;
	s0 =	simm.s32 @!p2 $0x0  }
0x16: {  	s3 =	sld [smem:$0x3FDB];
	s0 =	simm.s32 @p2 $0x1  }
0x17: {  	s4 =	simm.s32 $0x1BF5;
	[smem:$0x3FB8] =	sst s0  }
0x18: {  	s0 =	sld [smem:$0x3F9B];
	_ =	swait.ge [sflag:s4], $0x0  }
0x19: {  	s7 =	sld [smem:$0x3F9C]  }
0x1a: {  	s8 =	sadd.s32 $0xFFFFE003, lr  }
0x1b: {  	s9 =	sadd.s32 $0xFFFFFEF7, lr;
	s5 =	simm.s32 $0xFFFFFFFF;
	p2 =	slt.u32 s8, $0xFFFFF086  }
0x1c: {  	p1 =	slt.u32 s9, $0xF7A;
	s5 =	simm.s32 @!p2 $0x0  }
0x1d: {  	s5 =	simm.s32 @p1 $0x1;
	p0 =	seq.s32 s7, s2  }
0x1e: {  	s7 =	smul.u32 @!p0 $0xF7A, s2;
	p2 =	seq.s32 @!p0 s5, $0x0  }
0x1f: {  	s9 =	smul.u32 $0xF7A, s1;
	s8 =	simm.s32 @!p0 $0x1BF5;
	p2 =	por !p2, p0  }
0x20: {  	[sflag:s8] =	ssyncset.s32 @!p0 $0xFFFFF086;
	s6 =	sadd.s32 @!p0 s3, s7;
	s7 =	simm.s32 @!p0 $0x108  }
0x21: {  	s3 =	sadd.s32 s3, s9;
	s6 =	sadd.s32 @!p0 $0x88, s6;
	s7 =	simm.s32 @p2 $0x1082  }
0x22: {  	[simem:s7], [sflag:s8] =	dma.local @!p0 [hbm:s6], $0xF7A  }
0x23: {  	s9 =	sor.u32 $0xD0000000, s2;
	s6 =	simm.s32 $0x108;
	_ =	swait.ge @!p0 [sflag:s8], $0x0  }
0x24: {  	s3 =	sadd.s32 $0x88, s3;
	s6 =	simm.s32 @!p1 $0x1082;
	[sflag:s4] =	ssyncset.s32 $0xFFFFF086  }
0x25: {  	[simem:s6], [sflag:s4] =	dma.local [hbm:s3], $0xF7A  }
0x26: {  	[smem:$0x3F9C] =	sst s1;
	(tag) =	ssettag s2;
	_ =	strace s9  }
0x27: {  	s1 =	sld [smem:$0x3FAC]  }
0x28: {  	s2 =	sld [smem:$0x3FAD]  }
0x29: {  	s4 =	sld [smem:$0x3FAF]  }
0x2a: {  	p0 =	seq.s32 s5, $0x0;
	s5 =	sld [smem:$0x3FB0]  }
0x2b: {  	s6 =	sld [smem:$0x3FB1]  }
0x2c: {  	s7 =	sld [smem:$0x3FB2]  }
0x2d: {  	s3 =	simm.s32 $0x108;
	s8 =	sld [smem:$0x3FB3]  }
0x2e: {  	s3 =	simm.s32 @!p0 $0x1082;
	s9 =	sld [smem:$0x3FB4]  }
0x2f: {  	lr =	sadd.s32 s0, s3;
	s0 =	sld [smem:$0x3FAB]  }
0x30: {  	s3 =	sld [smem:$0x3FAE]  }
0x31: {  	[smem:$0x3FB7] =	sst s10  }
0x32: {  	s10 =	sld [smem:$0x3FB5];
	_ =	sdelay $0x3  }
0x33: {  	p0 =	seq.s32 s10, $0x1;
	s10 =	sld [smem:$0x3FB7];
	_ =	sdelay $0x3  }
0x34: {  	[smem:$0x3FB7] =	sst s10  }
0x35: {  	s10 =	sld [smem:$0x3FB6];
	_ =	sdelay $0x3  }
0x36: {  	p1 =	seq.s32 s10, $0x1;
	s10 =	sld [smem:$0x3FB7];
	_ =	sdelay $0x3  }
0x37: {  	[smem:$0x3FB7] =	sst s10  }
0x38: {  	s10 =	sld [smem:$0x3FB8]  }
0x39: {  	_ = 	snop;
	(pc) =	sbr.ind lr, $3  }
0x3a: {  	_ = 	snop  }
0x3b: {  	_ = 	snop  }
0x3c: {  	p2 =	seq.s32 s10, $0x1;
	s10 =	sld [smem:$0x3FB7]  }
0x3d: {  	_ =	shalt  }
0x3e: {  	_ =	shalt  }
0x3f: {  	_ =	shalt  }
0x40: {  	_ =	shalt  }
0x41: {  	_ =	shalt  }
0x42: {  	_ =	shalt  }
0x43: {  	_ =	shalt  }
0x44: {  	_ =	shalt  }
0x45: {  	_ =	shalt  }
0x46: {  	_ =	shalt  }
0x47: {  	_ =	shalt  }
0x48: {  	_ =	shalt  }
0x49: {  	_ =	shalt  }
0x4a: {  	_ =	shalt  }
0x4b: {  	_ =	shalt  }
0x4c: {  	_ =	shalt  }
0x4d: {  	_ =	shalt  }
0x4e: {  	_ =	shalt  }
0x4f: {  	_ =	shalt  }
0x50: {  	_ =	shalt  }
0x51: {  	_ =	shalt  }
0x52: {  	_ =	shalt  }
0x53: {  	_ =	shalt  }
0x54: {  	_ =	shalt  }
0x55: {  	_ =	shalt  }
0x56: {  	_ =	shalt  }
0x57: {  	_ =	shalt  }
0x58: {  	_ =	shalt  }
0x59: {  	_ =	shalt  }
0x5a: {  	_ =	shalt  }
0x5b: {  	_ =	shalt  }
0x5c: {  	_ =	shalt  }
0x5d: {  	_ =	shalt  }
0x5e: {  	_ =	shalt  }
0x5f: {  	_ =	shalt  }
0x60: {  	_ =	shalt  }
0x61: {  	_ =	shalt  }
0x62: {  	_ =	shalt  }
0x63: {  	_ =	shalt  }
0x64: {  	_ =	shalt  }
0x65: {  	_ =	shalt  }
0x66: {  	_ =	shalt  }
0x67: {  	_ =	shalt  }
0x68: {  	_ =	shalt  }
0x69: {  	_ =	shalt  }
0x6a: {  	_ =	shalt  }
0x6b: {  	_ =	shalt  }
0x6c: {  	_ =	shalt  }
0x6d: {  	_ =	shalt  }
0x6e: {  	_ =	shalt  }
0x6f: {  	_ =	shalt  }
0x70: {  	_ =	shalt  }
0x71: {  	_ =	shalt  }
0x72: {  	_ =	shalt  }
0x73: {  	_ =	shalt  }
0x74: {  	_ =	shalt  }
0x75: {  	_ =	shalt  }
0x76: {  	_ =	shalt  }
0x77: {  	_ =	shalt  }
0x78: {  	_ =	shalt  }
0x79: {  	_ =	shalt  }
0x7a: {  	_ =	shalt  }
0x7b: {  	_ =	shalt  }
0x7c: {  	_ =	shalt  }
0x7d: {  	_ =	shalt  }
0x7e: {  	_ =	shalt  }
0x7f: {  	_ =	shalt  }
0x80: {  	_ =	shalt  }
0x81: {  	_ =	shalt  }
0x82: {  	_ =	shalt  }
0x83: {  	_ =	shalt  }
0x84: {  	_ =	shalt  }
0x85: {  	_ =	shalt  }
0x86: {  	_ =	shalt  }
0x87: {  	_ =	shalt  }
.Lfunc_end0:
.L_simem_size_0:
called_computation_lowered:
.L_overlay_start_0:
0x88: {  	s2 =	sld [smem:$0x3FD9]  }
0x89: {  	s3 =	sld [smem:$0x3FFE];
	_ =	sdelay $0x1  }
0x8a: {  	s1 =	srdreg.scid  }
0x8b: {  	s0 =	sand.u32 $0x1, s1  }
0x8c: {  	s17 =	sshll.u32 s0, $0xA;
	s2 =	sadd.s32 s3, s2  }
0x8d: {  	s2 =	sadd.s32 s2, s17  }
0x8e: {  	[smem:$0x3FC3] =	sst s2  }
0x8f: {  	_ = 	snop  }
0x90: {  	s2 =	sld [smem:$0x3FC9]  }
0x91: {  	s18 =	sld [smem:$0x3FC8]  }
0x92: {  	s4 =	sld [smem:$0x3FC7]  }
0x93: {  	s5 =	sld [smem:$0x3FC6]  }
0x94: {  	s6 =	sld [smem:$0x3FC5]  }
0x95: {  	s7 =	sld [smem:$0x3FD0];
	(tm) =	ssettm $0x1  }
0x96: {  	s8 =	sld [smem:$0x3FFB];
	_ =	sdelay $0x3  }
0x97: {  	_ =	strace s8  }
0x98: {  	s8 =	sld [smem:$0x3FFC];
	_ =	sdelay $0x3  }
0x99: {  	_ =	strace s8  }
0x9a: {  	s8 =	sld [smem:$0x3FFD];
	_ =	sdelay $0x3  }
0x9b: {  	_ =	strace s8  }
0x9c: {  	_ =	strace $0x8FFFFFFF  }
0x9d: {  	s19 =	sld [smem:$0x3FDB];
	_ =	sdelay $0x1  }
0x9e: {  	s9 =	simm.s32 $_scs_section_size  }
0x9f: {  	s10 =	simm.s32 $_size__tile_overlayer_lowered;
	s11 =	simm.s32 $_tile_overlayer_lowered  }
0xa0: {  	s22 =	simm.s32 $0x1BFF;
	s21 =	sshll.u32 s11, $0x1;
	s8 =	sadd.s32 s9, s19  }
0xa1: {  	s12 =	simm.s32 $0x0;
	s20 =	sshll.u32 s10, $0x1;
	s10 =	sadd.s32 s21, s8  }
0xa2: {  	[timem:s12], [sflag:s22] =	dma.local [hbm:s10], s20  }
0xa3: {  	_ =	swait.ge [sflag:s22], s20  }
0xa4: {  	s9 =	ssub.s32 $0x0, s20;
	[sflag:s22] =	ssyncset.done $0x0  }
0xa5: {  	[sflag:s22] =	ssyncadd.s32 s9;
	_ =	sdelay $0x1  }
0xa6: {  	s23 =	simm.s32 $0x1B8B  }
0xa7: {  	_ =	swait.ge [sflag:s23], $0x1  }
0xa8: {  	[sflag:s23] =	ssyncset.done $0x0  }
0xa9: {  	s25 =	simm.s32 $0x1B8E;
	s24 =	sld [smem:$0x3FFE];
	[sflag:s23] =	ssyncadd.s32 $0xFFFFFFFF  }
0xaa: {  	s26 =	simm.s32 $execute0_lowered;
	[smem:$0x3FD2] =	sst s25  }
0xab: {  	s10 =	sshll.u32 s26, $0x1;
	_ =	strace $0x80000046;
	[dreg:$0x1] =	wrdreg $0xFFFFFFFF  }
0xac: {  	s28 =	simm.s32 $_size_execute0_lowered;
	s8 =	sadd.s32 s8, s10;
	[dreg:$0x0] =	wrdreg $0x0  }
0xad: {  	s10 =	sshll.u32 s28, $0x1;
	[dreg:$0x2] =	wrdreg s8  }
0xae: {  	[dreg:$0x3] =	wrdreg s10  }
0xaf: {  	[dreg:$0x4] =	wrdreg $0xC0  }
0xb0: {  	_ =	task [dreg:s12], $0x5FFFF  }
0xb1: {  	[dreg:$0x1] =	wrdreg $0xFFFFFFFF  }
0xb2: {  	[dreg:$0x0] =	wrdreg $0x60  }
0xb3: {  	[dreg:$0x2] =	wrdreg s2  }
0xb4: {  	[dreg:$0x3] =	wrdreg s18  }
0xb5: {  	[dreg:$0x4] =	wrdreg s4  }
0xb6: {  	[dreg:$0x5] =	wrdreg s5  }
0xb7: {  	[dreg:$0x6] =	wrdreg s6  }
0xb8: {  	[dreg:$0x7] =	wrdreg s24  }
0xb9: {  	[dreg:$0x8] =	wrdreg s7  }
0xba: {  	[dreg:$0x9] =	wrdreg $0x9  }
0xbb: {  	_ =	task.clear_ibuf [dreg:s12], $0xAFFFF;
	_ =	strace $0x90000046  }
0xbc: {  	s29 =	simm.s32 $0x9;
	_ =	strace $0x80000048  }
0xbd: {  	_ =	swait.ge [sflag:s29], $0x1  }
0xbe: {  	[sflag:s29] =	ssyncadd.s32 $0xFFFFFFFF  }
0xbf: {  	_ =	strace $0x90000048  }
0xc0: {  	_ =	sfence  }
0xc1: {  	s30 =	sld [smem:$0x0];
	_ =	sdelay $0x2  }
0xc2: {  	s31 =	sshll.u32 s1, $0xD;
	s1 =	sshrl.u32 s1, $0x2  }
0xc3: {  	s3 =	sand.u32 $0x4000, s31;
	s1 =	sadd.s32 s1, s30  }
0xc4: {  	s0 =	sor.u32 s3, s0;
	s1 =	sshll.u32 s1, $0x11  }
0xc5: {  	s0 =	sor.u32 s1, s0  }
0xc6: {  	s0 =	sadd.s32 $0x8F2B, s0  }
0xc7: {  	[sflag:s0] =	ssyncadd.remote.s32 $0x1  }
0xc8: {  	_ =	sfence.sel $0xFFFF  }
0xc9: {  	[dreg:$0x0] =	wrdreg $0xFFFFFFFF;
	(pc) =	sbr.abs _section_cstart, $3  }
0xca: {  	[dreg:$0x1] =	wrdreg $0xFFFFFFFF  }
0xcb: {  	_ =	task.clear_ibuf [dreg:s12], $0x2FFFF;
	_ =	strace $0x9FFFFFFF  }
0xcc: {  	(tm) =	ssettm $0x7FFFFFFF  }
0xcd: {  	_ =	shalt  }
tec
execute0_lowered:
.L_overlay_start_1:
0x0: {  	(tag) =	ssettag $0x1  }
0x1: {  	s0 =	rddreg [dreg:$0x0]  }
0x2: {  	s11 =	rddreg [dreg:$0x1]  }
0x3: {  	s12 =	rddreg [dreg:$0x3]  }
0x4: {  	s1 =	rddreg [dreg:$0x5]  }
0x5: {  	s2 =	rddreg [dreg:$0x6];
	s24 =	simm.s32 $0x0  }
0x6: {  	[smem:$0x7FF] =	sst s24;
	s22 =	sadd.s32 $0x10, s11  }
0x7: {  	s23 =	sadd.s32 $0x10, s12;
	_ =	strace $0x80000047;
	[dreg:$0xa] =	wrdreg s22  }
0x8: {  	s25 =	sadd.s32 $0x20, s11;
	[dreg:$0xb] =	wrdreg s23  }
0x9: {  	s26 =	sadd.s32 $0x20, s12;
	[dreg:$0xc] =	wrdreg s25  }
0xa: {  	s7 =	sadd.s32 $0x40, s11;
	[dreg:$0xd] =	wrdreg s26  }
0xb: {  	s8 =	sadd.s32 $0x40, s12;
	[dreg:$0x10] =	wrdreg s7  }
0xc: {  	s9 =	sadd.s32 $0x50, s11;
	[dreg:$0x11] =	wrdreg s8  }
0xd: {  	s10 =	sadd.s32 $0x50, s12;
	[dreg:$0x12] =	wrdreg s9  }
0xe: {  	s13 =	sadd.s32 $0x60, s11;
	[dreg:$0x13] =	wrdreg s10  }
0xf: {  	s14 =	sadd.s32 $0x60, s12;
	[dreg:$0x14] =	wrdreg s13  }
0x10: {  	s16 =	sadd.s32 $0x70, s11;
	[dreg:$0x15] =	wrdreg s14  }
0x11: {  	s17 =	sadd.s32 $0x70, s12;
	[dreg:$0x16] =	wrdreg s16  }
0x12: {  	s18 =	sadd.s32 $0xF4280, s11;
	[dreg:$0x18] =	wrdreg s17  }
0x13: {  	[dreg:$0x1b] =	wrdreg s18;
	s22 =	sadd.s32 $0xF42A0, s11  }
0x14: {  	s23 =	sadd.s32 $0xF42A0, s12;
	[dreg:$0x1f] =	wrdreg s22  }
0x15: {  	s3 =	srdreg.scid;
	s25 =	sadd.s32 $0xF42B0, s11;
	[smem:$0x7E4] =	sst s23  }
0x16: {  	s29 =	sadd.s32 $0x2DC780, s11;
	s26 =	sadd.s32 $0xF42B0, s12;
	[smem:$0x7E5] =	sst s25  }
0x17: {  	s30 =	sadd.s32 $0x2DC780, s12;
	s7 =	sadd.s32 $0xF42F0, s11;
	[smem:$0x7E6] =	sst s26  }
0x18: {  	s31 =	sadd.s32 $0x2DC790, s11;
	s8 =	sadd.s32 $0xF42F0, s12;
	[smem:$0x7ED] =	sst s7  }
0x19: {  	s4 =	stileid.u32;
	s9 =	sadd.s32 $0x1E8500, s11;
	[smem:$0x7EE] =	sst s8  }
0x1a: {  	s3 =	sand.u32 $0x1, s3;
	s10 =	sadd.s32 $0x1E8500, s12;
	[smem:$0x7EF] =	sst s9  }
0x1b: {  	s13 =	sadd.s32 $0x1E8510, s11;
	s14 =	sadd.s32 $0x1E8510, s12;
	[smem:$0x7F0] =	sst s10  }
0x1c: {  	s4 =	sshll.u32 s4, $0x1;
	s16 =	sadd.s32 $0x1E8520, s12;
	[smem:$0x7F1] =	sst s13  }
0x1d: {  	s4 =	sor.u32 s3, s4;
	s17 =	sadd.s32 $0x1E8530, s11;
	[smem:$0x7F2] =	sst s14  }
0x1e: {  	s18 =	sadd.s32 $0x1E8530, s12;
	s5 =	sshll.u32 s4, $0x1;
	[smem:$0x7F4] =	sst s16  }
0x1f: {  	s6 =	sshll.u32 s4, $0x7;
	s15 =	sshll.u32 s4, $0x6;
	[smem:$0x7F5] =	sst s17  }
0x20: {  	s4 =	sadd.s32 $0xF42D0, s12;
	[smem:$0x7F6] =	sst s18;
	s22 =	sadd.s32 $0x1E8550, s12  }
0x21: {  	s23 =	sadd.s32 $0x1E8560, s11;
	s25 =	sadd.s32 $0x1E8560, s12;
	[smem:$0x7EA] =	sst s4  }
0x22: {  	s28 =	sadd.s32 $0x1E8570, s12;
	s26 =	sadd.s32 $0x1E8570, s11;
	[smem:$0x7FA] =	sst s22  }
0x23: {  	s3 =	ssub.s32 $0x2, s3;
	s7 =	sadd.s32 $0x2DC7B0, s11;
	[smem:$0x7FB] =	sst s23  }
0x24: {  	s19 =	sshrl.u32 s3, $0x1;
	s8 =	sadd.s32 $0x2DC7D0, s12;
	[smem:$0x7FC] =	sst s25  }
0x25: {  	s9 =	sadd.s32 $0x2DC7E0, s11;
	s6 =	sadd.s32 s0, s6;
	[smem:$0x7FD] =	sst s26  }
0x26: {  	s1 =	sadd.s32 s5, s1;
	s5 =	sadd.s32 $0x30, s11;
	[dreg:$0x8] =	wrdreg s6  }
0x27: {  	s10 =	sadd.s32 $0x2DC7E0, s12;
	s2 =	sadd.s32 s2, s15;
	[dreg:$0xe] =	wrdreg s5  }
0x28: {  	s20 =	ssub.s32 s3, s19;
	s19 =	sadd.s32 $0xF4280, s12;
	[dreg:$0x17] =	wrdreg s2  }
0x29: {  	s13 =	simm.s32 $0x80;
	s3 =	sadd.s32 $0xF42D0, s11;
	[dreg:$0x1c] =	wrdreg s19  }
0x2a: {  	s14 =	simm.s32 $0x100;
	s15 =	sadd.s32 $0x1E8520, s11;
	[smem:$0x7E9] =	sst s3  }
0x2b: {  	s16 =	simm.s32 $0x3;
	s21 =	sadd.s32 $0x10, s6;
	[smem:$0x7F3] =	sst s15  }
0x2c: {  	s17 =	simm.s32 $0x4;
	s6 =	sadd.s32 $0x30, s12;
	[dreg:$0x9] =	wrdreg s21  }
0x2d: {  	s18 =	simm.s32 $0x400;
	s1 =	sadd.s32 $0xC00, s1;
	[dreg:$0xf] =	wrdreg s6  }
0x2e: {  	s4 =	sadd.s32 $0x2DC7B0, s12;
	s0 =	smax.u32 s20, $0x1;
	[dreg:$0x19] =	wrdreg s1  }
0x2f: {  	s22 =	simm.s32 $0x2;
	s20 =	sadd.s32 $0xF4290, s11;
	[dreg:$0x1a] =	wrdreg s0  }
0x30: {  	s23 =	simm.s32 $0x0;
	s2 =	sadd.s32 $0xF42C0, s12;
	[dreg:$0x1d] =	wrdreg s20  }
0x31: {  	s5 =	sadd.s32 $0xF42E0, s11;
	s19 =	sadd.s32 $0x1E8540, s11;
	[smem:$0x7E8] =	sst s2  }
0x32: {  	s3 =	sadd.s32 $0x2DC7C0, s12;
	s15 =	simm.s32 $0x200;
	[smem:$0x7EB] =	sst s5  }
0x33: {  	s1 =	sadd.s32 $0xF42C0, s11;
	[smem:$0x7F7] =	sst s19;
	s20 =	sadd.s32 $0x1E8540, s12  }
0x34: {  	s6 =	sadd.s32 $0xF42E0, s12;
	s0 =	sadd.s32 $0x2DC790, s12;
	[smem:$0x7E7] =	sst s1  }
0x35: {  	s21 =	sadd.s32 $0xF4290, s12;
	s5 =	sadd.s32 $0x2DC7A0, s11;
	[smem:$0x7EC] =	sst s6  }
0x36: {  	s2 =	sadd.s32 $0x2DC7A0, s12;
	s19 =	simm.s32 $0x600;
	[smem:$0x7F8] =	sst s20  }
0x37: {  	[dreg:$0x1e] =	wrdreg s21;
	s21 =	sadd.s32 $0x1E8550, s11;
	s1 =	sadd.s32 $0x2DC7C0, s11  }
0x38: {  	s12 =	sadd.s32 $0x2DC7F0, s12;
	s6 =	sadd.s32 $0x2DC7D0, s11;
	s11 =	sadd.s32 $0x2DC7F0, s11  }
0x39: {  	s20 =	simm.s32 $0x5;
	[smem:$0x7F9] =	sst s21;
	s21 =	simm.s32 $0x1  }
.LBB2_1:
0x3a: {  	s25 =	rddreg [dreg:$0x8]  }
0x3b: {  	[tilespmem:s24], [sflag:$0x3] =	stream.strided.gather [hbm4b:s25+s13], $0x200, s14, s13, $0x38;
	[tilespmem:$0x8E80] =	vst v63  }
0x3c: {  	s26 =	rddreg [dreg:$0x9]  }
0x3d: {  	[tilespmem:s15], [sflag:$0x4] =	stream.strided.gather [hbm4b:s26+s13], $0x200, s14, s13, $0x38;
	[tilespmem:$0x8E80] =	vst v63  }
0x3e: {  	_ =	swait.ge [sflag:s16], $0x200  }
0x3f: {  	[sflag:s16] =	ssyncset.done $0x0  }
0x40: {  	[sflag:s16] =	ssyncadd.s32 $0xFFFFFE00  }
0x41: {  	_ =	swait.ge [sflag:s17], $0x200  }
0x42: {  	[sflag:s17] =	ssyncset.done $0x0  }
0x43: {  	s24 =	simm.s32 $0x0;
	[sflag:s17] =	ssyncadd.s32 $0xFFFFFE00  }
0x44: {  	v0 =	vld [tilespmem:s24+$0x200]  }
0x45: {  	v1 =	vld [tilespmem:s24+$0x0];
	_ =	sdelay $0x1  }
0x46: {  	s25 =	simm.s32 $0x40  }
.LBB2_2:
0x47: {  	p0 =	sne.s32 s25, $0x7C0  }
.Ltmp0:
0x48: {  	s26 =	sshra.s32 s25, $0x2;
	s25 =	sadd.s32 $0x40, s25;
	v2 =	vshll.u32 v0, $0x3;
	(pc) =	sbr.rel @p0 .LBB2_2-.Ltmp0, $4  }
0x49: {  	v4 =	vand.u32 $0x7F, v0;
	v3 =	vshll.u32 v1, $0x3;
	v2 =	vand.u32 $0xFFFFFC00, v2;
	v0 =	vld [tilespmem:s26+$0x200]  }
0x4a: {  	v5 =	vand.u32 $0x7F, v1;
	v3 =	vand.u32 $0xFFFFFC00, v3;
	v1 =	vld [tilespmem:s26+$0x0];
	v2 =	vor.u32 v4, v2  }
0x4b: {  	v3 =	vor.u32 v5, v3;
	[tilespmem:s24+$0x600] =	vst v2  }
0x4c: {  	[tilespmem:s24+$0x400] =	vst v3;
	s24 =	smov.u32 s26  }
0x4d: {  	_ = 	snop  }
0x4e: {  	v2 =	vshll.u32 v0, $0x3  }
0x4f: {  	v0 =	vand.u32 $0x7F, v0;
	v3 =	vshll.u32 v1, $0x3;
	v2 =	vand.u32 $0xFFFFFC00, v2  }
0x50: {  	v1 =	vand.u32 $0x7F, v1;
	v3 =	vand.u32 $0xFFFFFC00, v3;
	v0 =	vor.u32 v0, v2  }
0x51: {  	v1 =	vor.u32 v1, v3;
	[tilespmem:s24+$0x600] =	vst v0  }
0x52: {  	s26 =	rddreg [dreg:$0x1];
	s25 =	simm.s32 $0x800;
	[tilespmem:s24+$0x400] =	vst v1  }
0x53: {  	[tilespmem:s25], [sflag:$0x1] =	stream.indirect.gather [hbm4b:s26+s15], $0x1, s18, s15, $0xb8;
	[tilespmem:$0x8E80] =	vst v63  }
0x54: {  	s25 =	rddreg [dreg:$0x3];
	s26 =	simm.s32 $0x4800  }
0x55: {  	[tilespmem:s26], [sflag:$0x2] =	stream.indirect.gather [hbm4b:s25+s15], $0x1, s19, s15, $0xb8;
	[tilespmem:$0x8E80] =	vst v63  }
0x56: {  	s25 =	rddreg [dreg:$0xa];
	s26 =	simm.s32 $0xA00  }
0x57: {  	[tilespmem:s26], [sflag:$0x1] =	stream.indirect.gather [hbm4b:s25+s15], $0x1, s18, s15, $0xb8;
	[tilespmem:$0x8E80] =	vst v63  }
0x58: {  	s25 =	rddreg [dreg:$0xb];
	s26 =	simm.s32 $0x4A00  }
0x59: {  	[tilespmem:s26], [sflag:$0x2] =	stream.indirect.gather [hbm4b:s25+s15], $0x1, s19, s15, $0xb8;
	[tilespmem:$0x8E80] =	vst v63  }
0x5a: {  	s25 =	rddreg [dreg:$0xc];
	s26 =	simm.s32 $0xC00  }
0x5b: {  	[tilespmem:s26], [sflag:$0x1] =	stream.indirect.gather [hbm4b:s25+s15], $0x1, s18, s15, $0xb8;
	[tilespmem:$0x8E80] =	vst v63  }
0x5c: {  	s25 =	rddreg [dreg:$0xd];
	s26 =	simm.s32 $0x4C00  }
0x5d: {  	[tilespmem:s26], [sflag:$0x2] =	stream.indirect.gather [hbm4b:s25+s15], $0x1, s19, s15, $0xb8;
	[tilespmem:$0x8E80] =	vst v63  }
0x5e: {  	s25 =	rddreg [dreg:$0xe];
	s26 =	simm.s32 $0xE00  }
0x5f: {  	[tilespmem:s26], [sflag:$0x1] =	stream.indirect.gather [hbm4b:s25+s15], $0x1, s18, s15, $0xb8;
	[tilespmem:$0x8E80] =	vst v63  }
0x60: {  	s25 =	rddreg [dreg:$0xf];
	s26 =	simm.s32 $0x4E00  }
0x61: {  	[tilespmem:s26], [sflag:$0x2] =	stream.indirect.gather [hbm4b:s25+s15], $0x1, s19, s15, $0xb8;
	[tilespmem:$0x8E80] =	vst v63  }
0x62: {  	s25 =	rddreg [dreg:$0x10];
	s26 =	simm.s32 $0x1000  }
0x63: {  	[tilespmem:s26], [sflag:$0x1] =	stream.indirect.gather [hbm4b:s25+s15], $0x1, s18, s15, $0xb8;
	[tilespmem:$0x8E80] =	vst v63  }
0x64: {  	s25 =	rddreg [dreg:$0x11];
	s26 =	simm.s32 $0x5000  }
0x65: {  	[tilespmem:s26], [sflag:$0x2] =	stream.indirect.gather [hbm4b:s25+s15], $0x1, s19, s15, $0xb8;
	[tilespmem:$0x8E80] =	vst v63  }
0x66: {  	s25 =	rddreg [dreg:$0x12];
	s26 =	simm.s32 $0x1200  }
0x67: {  	[tilespmem:s26], [sflag:$0x1] =	stream.indirect.gather [hbm4b:s25+s15], $0x1, s18, s15, $0xb8;
	[tilespmem:$0x8E80] =	vst v63  }
0x68: {  	s25 =	rddreg [dreg:$0x13];
	s26 =	simm.s32 $0x5200  }
0x69: {  	[tilespmem:s26], [sflag:$0x2] =	stream.indirect.gather [hbm4b:s25+s15], $0x1, s19, s15, $0xb8;
	[tilespmem:$0x8E80] =	vst v63  }
0x6a: {  	s25 =	rddreg [dreg:$0x14];
	s26 =	simm.s32 $0x1400  }
0x6b: {  	[tilespmem:s26], [sflag:$0x1] =	stream.indirect.gather [hbm4b:s25+s15], $0x1, s18, s15, $0xb8;
	[tilespmem:$0x8E80] =	vst v63  }
0x6c: {  	s25 =	rddreg [dreg:$0x15];
	s26 =	simm.s32 $0x5400  }
0x6d: {  	[tilespmem:s26], [sflag:$0x2] =	stream.indirect.gather [hbm4b:s25+s15], $0x1, s19, s15, $0xb8;
	[tilespmem:$0x8E80] =	vst v63  }
0x6e: {  	s25 =	rddreg [dreg:$0x16];
	s26 =	simm.s32 $0x1600  }
0x6f: {  	[tilespmem:s26], [sflag:$0x1] =	stream.indirect.gather [hbm4b:s25+s15], $0x1, s18, s15, $0xb8;
	[tilespmem:$0x8E80] =	vst v63  }
0x70: {  	s25 =	rddreg [dreg:$0x18];
	s26 =	simm.s32 $0x5600  }
0x71: {  	[tilespmem:s26], [sflag:$0x2] =	stream.indirect.gather [hbm4b:s25+s15], $0x1, s19, s15, $0xb8;
	[tilespmem:$0x8E80] =	vst v63  }
0x72: {  	s25 =	rddreg [dreg:$0x1b];
	s26 =	simm.s32 $0x1800  }
0x73: {  	[tilespmem:s26], [sflag:$0x1] =	stream.indirect.gather [hbm4b:s25+s15], $0x1, s18, s15, $0xb8;
	[tilespmem:$0x8E80] =	vst v63  }
0x74: {  	s25 =	rddreg [dreg:$0x1c];
	s26 =	simm.s32 $0x5800  }
0x75: {  	[tilespmem:s26], [sflag:$0x2] =	stream.indirect.gather [hbm4b:s25+s15], $0x1, s19, s15, $0xb8;
	[tilespmem:$0x8E80] =	vst v63  }
0x76: {  	s25 =	rddreg [dreg:$0x1d];
	s26 =	simm.s32 $0x1A00  }
0x77: {  	[tilespmem:s26], [sflag:$0x1] =	stream.indirect.gather [hbm4b:s25+s15], $0x1, s18, s15, $0xb8;
	[tilespmem:$0x8E80] =	vst v63  }
0x78: {  	s25 =	rddreg [dreg:$0x1e];
	s26 =	simm.s32 $0x5A00  }
0x79: {  	[tilespmem:s26], [sflag:$0x2] =	stream.indirect.gather [hbm4b:s25+s15], $0x1, s19, s15, $0xb8;
	[tilespmem:$0x8E80] =	vst v63  }
0x7a: {  	s25 =	rddreg [dreg:$0x1f];
	s26 =	simm.s32 $0x1C00  }
0x7b: {  	[tilespmem:s26], [sflag:$0x1] =	stream.indirect.gather [hbm4b:s25+s15], $0x1, s18, s15, $0xb8;
	[tilespmem:$0x8E80] =	vst v63  }
0x7c: {  	s25 =	sld [smem:$0x7E4];
	_ =	sdelay $0x1  }
0x7d: {  	s26 =	simm.s32 $0x5C00  }
0x7e: {  	[tilespmem:s26], [sflag:$0x2] =	stream.indirect.gather [hbm4b:s25+s15], $0x1, s19, s15, $0xb8;
	[tilespmem:$0x8E80] =	vst v63  }
0x7f: {  	s25 =	sld [smem:$0x7E5];
	_ =	sdelay $0x1  }
0x80: {  	s26 =	simm.s32 $0x1E00  }
0x81: {  	[tilespmem:s26], [sflag:$0x1] =	stream.indirect.gather [hbm4b:s25+s15], $0x1, s18, s15, $0xb8;
	[tilespmem:$0x8E80] =	vst v63  }
0x82: {  	s25 =	sld [smem:$0x7E6];
	_ =	sdelay $0x1  }
0x83: {  	s26 =	simm.s32 $0x5E00  }
0x84: {  	[tilespmem:s26], [sflag:$0x2] =	stream.indirect.gather [hbm4b:s25+s15], $0x1, s19, s15, $0xb8;
	[tilespmem:$0x8E80] =	vst v63  }
0x85: {  	s25 =	sld [smem:$0x7E7];
	_ =	sdelay $0x1  }
0x86: {  	s26 =	simm.s32 $0x2000  }
0x87: {  	[tilespmem:s26], [sflag:$0x1] =	stream.indirect.gather [hbm4b:s25+s15], $0x1, s18, s15, $0xb8;
	[tilespmem:$0x8E80] =	vst v63  }
0x88: {  	s25 =	sld [smem:$0x7E8];
	_ =	sdelay $0x1  }
0x89: {  	s26 =	simm.s32 $0x6000  }
0x8a: {  	[tilespmem:s26], [sflag:$0x2] =	stream.indirect.gather [hbm4b:s25+s15], $0x1, s19, s15, $0xb8;
	[tilespmem:$0x8E80] =	vst v63  }
0x8b: {  	s25 =	sld [smem:$0x7E9];
	_ =	sdelay $0x1  }
0x8c: {  	s26 =	simm.s32 $0x2200  }
0x8d: {  	[tilespmem:s26], [sflag:$0x1] =	stream.indirect.gather [hbm4b:s25+s15], $0x1, s18, s15, $0xb8;
	[tilespmem:$0x8E80] =	vst v63  }
0x8e: {  	s25 =	sld [smem:$0x7EA];
	_ =	sdelay $0x1  }
0x8f: {  	s26 =	simm.s32 $0x6200  }
0x90: {  	[tilespmem:s26], [sflag:$0x2] =	stream.indirect.gather [hbm4b:s25+s15], $0x1, s19, s15, $0xb8;
	[tilespmem:$0x8E80] =	vst v63  }
0x91: {  	s25 =	sld [smem:$0x7EB];
	_ =	sdelay $0x1  }
0x92: {  	s26 =	simm.s32 $0x2400  }
0x93: {  	[tilespmem:s26], [sflag:$0x1] =	stream.indirect.gather [hbm4b:s25+s15], $0x1, s18, s15, $0xb8;
	[tilespmem:$0x8E80] =	vst v63  }
0x94: {  	s25 =	sld [smem:$0x7EC];
	_ =	sdelay $0x1  }
0x95: {  	s26 =	simm.s32 $0x6400  }
0x96: {  	[tilespmem:s26], [sflag:$0x2] =	stream.indirect.gather [hbm4b:s25+s15], $0x1, s19, s15, $0xb8;
	[tilespmem:$0x8E80] =	vst v63  }
0x97: {  	s25 =	sld [smem:$0x7ED];
	_ =	sdelay $0x1  }
0x98: {  	s26 =	simm.s32 $0x2600  }
0x99: {  	[tilespmem:s26], [sflag:$0x1] =	stream.indirect.gather [hbm4b:s25+s15], $0x1, s18, s15, $0xb8;
	[tilespmem:$0x8E80] =	vst v63  }
0x9a: {  	s25 =	sld [smem:$0x7EE];
	_ =	sdelay $0x1  }
0x9b: {  	s26 =	simm.s32 $0x6600  }
0x9c: {  	[tilespmem:s26], [sflag:$0x2] =	stream.indirect.gather [hbm4b:s25+s15], $0x1, s19, s15, $0xb8;
	[tilespmem:$0x8E80] =	vst v63  }
0x9d: {  	s25 =	sld [smem:$0x7EF];
	_ =	sdelay $0x1  }
0x9e: {  	s26 =	simm.s32 $0x2800  }
0x9f: {  	[tilespmem:s26], [sflag:$0x1] =	stream.indirect.gather [hbm4b:s25+s15], $0x1, s18, s15, $0xb8;
	[tilespmem:$0x8E80] =	vst v63  }
0xa0: {  	s25 =	sld [smem:$0x7F0];
	_ =	sdelay $0x1  }
0xa1: {  	s26 =	simm.s32 $0x6800  }
0xa2: {  	[tilespmem:s26], [sflag:$0x2] =	stream.indirect.gather [hbm4b:s25+s15], $0x1, s19, s15, $0xb8;
	[tilespmem:$0x8E80] =	vst v63  }
0xa3: {  	s25 =	sld [smem:$0x7F1];
	_ =	sdelay $0x1  }
0xa4: {  	s26 =	simm.s32 $0x2A00  }
0xa5: {  	[tilespmem:s26], [sflag:$0x1] =	stream.indirect.gather [hbm4b:s25+s15], $0x1, s18, s15, $0xb8;
	[tilespmem:$0x8E80] =	vst v63  }
0xa6: {  	s25 =	sld [smem:$0x7F2];
	_ =	sdelay $0x1  }
0xa7: {  	s26 =	simm.s32 $0x6A00  }
0xa8: {  	[tilespmem:s26], [sflag:$0x2] =	stream.indirect.gather [hbm4b:s25+s15], $0x1, s19, s15, $0xb8;
	[tilespmem:$0x8E80] =	vst v63  }
0xa9: {  	s25 =	sld [smem:$0x7F3];
	_ =	sdelay $0x1  }
0xaa: {  	s26 =	simm.s32 $0x2C00  }
0xab: {  	[tilespmem:s26], [sflag:$0x1] =	stream.indirect.gather [hbm4b:s25+s15], $0x1, s18, s15, $0xb8;
	[tilespmem:$0x8E80] =	vst v63  }
0xac: {  	s25 =	sld [smem:$0x7F4];
	_ =	sdelay $0x1  }
0xad: {  	s26 =	simm.s32 $0x6C00  }
0xae: {  	[tilespmem:s26], [sflag:$0x2] =	stream.indirect.gather [hbm4b:s25+s15], $0x1, s19, s15, $0xb8;
	[tilespmem:$0x8E80] =	vst v63  }
0xaf: {  	s25 =	sld [smem:$0x7F5];
	_ =	sdelay $0x1  }
0xb0: {  	s26 =	simm.s32 $0x2E00  }
0xb1: {  	[tilespmem:s26], [sflag:$0x1] =	stream.indirect.gather [hbm4b:s25+s15], $0x1, s18, s15, $0xb8;
	[tilespmem:$0x8E80] =	vst v63  }
0xb2: {  	s25 =	sld [smem:$0x7F6];
	_ =	sdelay $0x1  }
0xb3: {  	s26 =	simm.s32 $0x6E00  }
0xb4: {  	[tilespmem:s26], [sflag:$0x2] =	stream.indirect.gather [hbm4b:s25+s15], $0x1, s19, s15, $0xb8;
	[tilespmem:$0x8E80] =	vst v63  }
0xb5: {  	s25 =	sld [smem:$0x7F7];
	_ =	sdelay $0x1  }
0xb6: {  	s26 =	simm.s32 $0x3000  }
0xb7: {  	[tilespmem:s26], [sflag:$0x1] =	stream.indirect.gather [hbm4b:s25+s15], $0x1, s18, s15, $0xb8;
	[tilespmem:$0x8E80] =	vst v63  }
0xb8: {  	s25 =	sld [smem:$0x7F8];
	_ =	sdelay $0x1  }
0xb9: {  	s26 =	simm.s32 $0x7000  }
0xba: {  	[tilespmem:s26], [sflag:$0x2] =	stream.indirect.gather [hbm4b:s25+s15], $0x1, s19, s15, $0xb8;
	[tilespmem:$0x8E80] =	vst v63  }
0xbb: {  	s25 =	sld [smem:$0x7F9];
	_ =	sdelay $0x1  }
0xbc: {  	s26 =	simm.s32 $0x3200  }
0xbd: {  	[tilespmem:s26], [sflag:$0x1] =	stream.indirect.gather [hbm4b:s25+s15], $0x1, s18, s15, $0xb8;
	[tilespmem:$0x8E80] =	vst v63  }
0xbe: {  	s25 =	sld [smem:$0x7FA];
	_ =	sdelay $0x1  }
0xbf: {  	s26 =	simm.s32 $0x7200  }
0xc0: {  	[tilespmem:s26], [sflag:$0x2] =	stream.indirect.gather [hbm4b:s25+s15], $0x1, s19, s15, $0xb8;
	[tilespmem:$0x8E80] =	vst v63  }
0xc1: {  	s25 =	sld [smem:$0x7FB];
	_ =	sdelay $0x1  }
0xc2: {  	s26 =	simm.s32 $0x3400  }
0xc3: {  	[tilespmem:s26], [sflag:$0x1] =	stream.indirect.gather [hbm4b:s25+s15], $0x1, s18, s15, $0xb8;
	[tilespmem:$0x8E80] =	vst v63  }
0xc4: {  	s25 =	sld [smem:$0x7FC];
	_ =	sdelay $0x1  }
0xc5: {  	s26 =	simm.s32 $0x7400  }
0xc6: {  	[tilespmem:s26], [sflag:$0x2] =	stream.indirect.gather [hbm4b:s25+s15], $0x1, s19, s15, $0xb8;
	[tilespmem:$0x8E80] =	vst v63  }
0xc7: {  	s25 =	sld [smem:$0x7FD];
	_ =	sdelay $0x1  }
0xc8: {  	s26 =	simm.s32 $0x3600  }
0xc9: {  	[tilespmem:s26], [sflag:$0x1] =	stream.indirect.gather [hbm4b:s25+s15], $0x1, s18, s15, $0xb8;
	[tilespmem:$0x8E80] =	vst v63  }
0xca: {  	s26 =	simm.s32 $0x7600  }
0xcb: {  	[tilespmem:s26], [sflag:$0x2] =	stream.indirect.gather [hbm4b:s28+s15], $0x1, s19, s15, $0xb8;
	[tilespmem:$0x8E80] =	vst v63  }
0xcc: {  	s25 =	simm.s32 $0x3800  }
0xcd: {  	[tilespmem:s25], [sflag:$0x1] =	stream.indirect.gather [hbm4b:s29+s15], $0x1, s18, s15, $0xb8;
	[tilespmem:$0x8E80] =	vst v63  }
0xce: {  	s26 =	simm.s32 $0x7800  }
0xcf: {  	[tilespmem:s26], [sflag:$0x2] =	stream.indirect.gather [hbm4b:s30+s15], $0x1, s19, s15, $0xb8;
	[tilespmem:$0x8E80] =	vst v63  }
0xd0: {  	s25 =	simm.s32 $0x3A00  }
0xd1: {  	[tilespmem:s25], [sflag:$0x1] =	stream.indirect.gather [hbm4b:s31+s15], $0x1, s18, s15, $0xb8;
	[tilespmem:$0x8E80] =	vst v63  }
0xd2: {  	s26 =	simm.s32 $0x7A00  }
0xd3: {  	[tilespmem:s26], [sflag:$0x2] =	stream.indirect.gather [hbm4b:s0+s15], $0x1, s19, s15, $0xb8;
	[tilespmem:$0x8E80] =	vst v63  }
0xd4: {  	s25 =	simm.s32 $0x3C00  }
0xd5: {  	[tilespmem:s25], [sflag:$0x1] =	stream.indirect.gather [hbm4b:s5+s15], $0x1, s18, s15, $0xb8;
	[tilespmem:$0x8E80] =	vst v63  }
0xd6: {  	s26 =	simm.s32 $0x7C00  }
0xd7: {  	[tilespmem:s26], [sflag:$0x2] =	stream.indirect.gather [hbm4b:s2+s15], $0x1, s19, s15, $0xb8;
	[tilespmem:$0x8E80] =	vst v63  }
0xd8: {  	s25 =	simm.s32 $0x3E00  }
0xd9: {  	[tilespmem:s25], [sflag:$0x1] =	stream.indirect.gather [hbm4b:s7+s15], $0x1, s18, s15, $0xb8;
	[tilespmem:$0x8E80] =	vst v63  }
0xda: {  	s26 =	simm.s32 $0x7E00  }
0xdb: {  	[tilespmem:s26], [sflag:$0x2] =	stream.indirect.gather [hbm4b:s4+s15], $0x1, s19, s15, $0xb8;
	[tilespmem:$0x8E80] =	vst v63  }
0xdc: {  	s25 =	simm.s32 $0x4000  }
0xdd: {  	[tilespmem:s25], [sflag:$0x1] =	stream.indirect.gather [hbm4b:s1+s15], $0x1, s18, s15, $0xb8;
	[tilespmem:$0x8E80] =	vst v63  }
0xde: {  	s26 =	simm.s32 $0x8000  }
0xdf: {  	[tilespmem:s26], [sflag:$0x2] =	stream.indirect.gather [hbm4b:s3+s15], $0x1, s19, s15, $0xb8;
	[tilespmem:$0x8E80] =	vst v63  }
0xe0: {  	s25 =	simm.s32 $0x4200  }
0xe1: {  	[tilespmem:s25], [sflag:$0x1] =	stream.indirect.gather [hbm4b:s6+s15], $0x1, s18, s15, $0xb8;
	[tilespmem:$0x8E80] =	vst v63  }
0xe2: {  	s26 =	simm.s32 $0x8200  }
0xe3: {  	[tilespmem:s26], [sflag:$0x2] =	stream.indirect.gather [hbm4b:s8+s15], $0x1, s19, s15, $0xb8;
	[tilespmem:$0x8E80] =	vst v63  }
0xe4: {  	s25 =	simm.s32 $0x4400  }
0xe5: {  	[tilespmem:s25], [sflag:$0x1] =	stream.indirect.gather [hbm4b:s9+s15], $0x1, s18, s15, $0xb8;
	[tilespmem:$0x8E80] =	vst v63  }
0xe6: {  	s26 =	simm.s32 $0x8400  }
0xe7: {  	[tilespmem:s26], [sflag:$0x2] =	stream.indirect.gather [hbm4b:s10+s15], $0x1, s19, s15, $0xb8;
	[tilespmem:$0x8E80] =	vst v63  }
0xe8: {  	s25 =	simm.s32 $0x4600  }
0xe9: {  	[tilespmem:s25], [sflag:$0x1] =	stream.indirect.gather [hbm4b:s11+s15], $0x1, s18, s15, $0xb8;
	[tilespmem:$0x8E80] =	vst v63  }
0xea: {  	s26 =	simm.s32 $0x8600  }
0xeb: {  	[tilespmem:s26], [sflag:$0x2] =	stream.indirect.gather [hbm4b:s12+s15], $0x1, s19, s15, $0xb8;
	[tilespmem:$0x8E80] =	vst v63  }
0xec: {  	s24 =	simm.s32 $0x0;
	s25 =	rddreg [dreg:$0x2];
	s26 =	simm.s32 $0x8800  }
0xed: {  	[tilespmem:s26], [sflag:$0x3] =	stream.indirect.gather [hbm4b:s25+s15], $0x1, s24, s15, $0xb8;
	[tilespmem:$0x8E80] =	vst v63  }
0xee: {  	s25 =	rddreg [dreg:$0x4];
	s26 =	simm.s32 $0x8A00  }
0xef: {  	[tilespmem:s26], [sflag:$0x4] =	stream.indirect.gather [hbm4b:s25+s15], $0x1, s15, s15, $0xb8;
	[tilespmem:$0x8E80] =	vst v63  }
0xf0: {  	_ =	swait.ge [sflag:s16], $0x200  }
0xf1: {  	[sflag:s16] =	ssyncset.done $0x0  }
0xf2: {  	[sflag:s16] =	ssyncadd.s32 $0xFFFFFE00  }
0xf3: {  	_ =	swait.ge [sflag:s17], $0x200  }
0xf4: {  	[sflag:s17] =	ssyncset.done $0x0  }
0xf5: {  	s24 =	simm.s32 $0x0;
	[sflag:s17] =	ssyncadd.s32 $0xFFFFFE00  }
0xf6: {  	v0 =	vld [tilespmem:s24+$0x8800]  }
0xf7: {  	s25 =	simm.s32 $0x40;
	v1 =	vld [tilespmem:s24+$0x8A00]  }
.LBB2_4:
0xf8: {  	_ = 	snop  }
0xf9: {  	p0 =	sne.s32 s25, $0x7C0  }
.Ltmp1:
0xfa: {  	_ = 	snop;
	(pc) =	sbr.rel @p0 .LBB2_4-.Ltmp1, $4  }
0xfb: {  	_ = 	snop  }
0xfc: {  	s26 =	sshra.s32 s25, $0x2;
	v2 =	vadd.f32 v1, v0  }
0xfd: {  	v0 =	vld [tilespmem:s26+$0x8800]  }
0xfe: {  	s25 =	sadd.s32 $0x40, s25;
	v1 =	vld [tilespmem:s26+$0x8A00];
	[tilespmem:s24+$0x8C00] =	vst v2;
	s24 =	smov.u32 s26  }
0xff: {  	_ =	sdelay $0x3  }
0x100: {  	v0 =	vadd.f32 v1, v0;
	_ =	sdelay $0x1  }
0x101: {  	s25 =	rddreg [dreg:$0x17];
	s26 =	simm.s32 $0x8C00;
	[tilespmem:s24+$0x8C00] =	vst v0;
	s24 =	simm.s32 $0x0  }
0x102: {  	[hbm4b:s25+s24] =	stream.linear.scatter [tilespmem:s26], [sflag:$0x5], $0x200, $0x38;
	[tilespmem:$0x8E80] =	vst v63  }
0x103: {  	_ =	swait.ge [sflag:s20], $0x200  }
0x104: {  	[sflag:s20] =	ssyncset.done $0x0  }
0x105: {  	[sflag:s20] =	ssyncadd.s32 $0xFFFFFE00  }
0x106: {  	_ =	swait.ge [sflag:s21], $0x200  }
0x107: {  	[sflag:s21] =	ssyncset.done $0x0  }
0x108: {  	[sflag:s21] =	ssyncadd.s32 $0xFFFFFE00  }
0x109: {  	_ =	swait.ge [sflag:s21], $0x200  }
0x10a: {  	[sflag:s21] =	ssyncset.done $0x0  }
0x10b: {  	[sflag:s21] =	ssyncadd.s32 $0xFFFFFE00  }
0x10c: {  	_ =	swait.ge [sflag:s21], $0x200  }
0x10d: {  	[sflag:s21] =	ssyncset.done $0x0  }
0x10e: {  	[sflag:s21] =	ssyncadd.s32 $0xFFFFFE00  }
0x10f: {  	_ =	swait.ge [sflag:s21], $0x200  }
0x110: {  	[sflag:s21] =	ssyncset.done $0x0  }
0x111: {  	[sflag:s21] =	ssyncadd.s32 $0xFFFFFE00  }
0x112: {  	_ =	swait.ge [sflag:s21], $0x200  }
0x113: {  	[sflag:s21] =	ssyncset.done $0x0  }
0x114: {  	[sflag:s21] =	ssyncadd.s32 $0xFFFFFE00  }
0x115: {  	_ =	swait.ge [sflag:s21], $0x200  }
0x116: {  	[sflag:s21] =	ssyncset.done $0x0  }
0x117: {  	[sflag:s21] =	ssyncadd.s32 $0xFFFFFE00  }
0x118: {  	_ =	swait.ge [sflag:s21], $0x200  }
0x119: {  	[sflag:s21] =	ssyncset.done $0x0  }
0x11a: {  	[sflag:s21] =	ssyncadd.s32 $0xFFFFFE00  }
0x11b: {  	_ =	swait.ge [sflag:s21], $0x200  }
0x11c: {  	[sflag:s21] =	ssyncset.done $0x0  }
0x11d: {  	[sflag:s21] =	ssyncadd.s32 $0xFFFFFE00  }
0x11e: {  	_ =	swait.ge [sflag:s21], $0x200  }
0x11f: {  	[sflag:s21] =	ssyncset.done $0x0  }
0x120: {  	[sflag:s21] =	ssyncadd.s32 $0xFFFFFE00  }
0x121: {  	_ =	swait.ge [sflag:s21], $0x200  }
0x122: {  	[sflag:s21] =	ssyncset.done $0x0  }
0x123: {  	[sflag:s21] =	ssyncadd.s32 $0xFFFFFE00  }
0x124: {  	_ =	swait.ge [sflag:s21], $0x200  }
0x125: {  	[sflag:s21] =	ssyncset.done $0x0  }
0x126: {  	[sflag:s21] =	ssyncadd.s32 $0xFFFFFE00  }
0x127: {  	_ =	swait.ge [sflag:s21], $0x200  }
0x128: {  	[sflag:s21] =	ssyncset.done $0x0  }
0x129: {  	[sflag:s21] =	ssyncadd.s32 $0xFFFFFE00  }
0x12a: {  	_ =	swait.ge [sflag:s21], $0x200  }
0x12b: {  	[sflag:s21] =	ssyncset.done $0x0  }
0x12c: {  	[sflag:s21] =	ssyncadd.s32 $0xFFFFFE00  }
0x12d: {  	_ =	swait.ge [sflag:s21], $0x200  }
0x12e: {  	[sflag:s21] =	ssyncset.done $0x0  }
0x12f: {  	[sflag:s21] =	ssyncadd.s32 $0xFFFFFE00  }
0x130: {  	_ =	swait.ge [sflag:s21], $0x200  }
0x131: {  	[sflag:s21] =	ssyncset.done $0x0  }
0x132: {  	[sflag:s21] =	ssyncadd.s32 $0xFFFFFE00  }
0x133: {  	_ =	swait.ge [sflag:s21], $0x200  }
0x134: {  	[sflag:s21] =	ssyncset.done $0x0  }
0x135: {  	[sflag:s21] =	ssyncadd.s32 $0xFFFFFE00  }
0x136: {  	_ =	swait.ge [sflag:s21], $0x200  }
0x137: {  	[sflag:s21] =	ssyncset.done $0x0  }
0x138: {  	[sflag:s21] =	ssyncadd.s32 $0xFFFFFE00  }
0x139: {  	_ =	swait.ge [sflag:s21], $0x200  }
0x13a: {  	[sflag:s21] =	ssyncset.done $0x0  }
0x13b: {  	[sflag:s21] =	ssyncadd.s32 $0xFFFFFE00  }
0x13c: {  	_ =	swait.ge [sflag:s21], $0x200  }
0x13d: {  	[sflag:s21] =	ssyncset.done $0x0  }
0x13e: {  	[sflag:s21] =	ssyncadd.s32 $0xFFFFFE00  }
0x13f: {  	_ =	swait.ge [sflag:s21], $0x200  }
0x140: {  	[sflag:s21] =	ssyncset.done $0x0  }
0x141: {  	[sflag:s21] =	ssyncadd.s32 $0xFFFFFE00  }
0x142: {  	_ =	swait.ge [sflag:s21], $0x200  }
0x143: {  	[sflag:s21] =	ssyncset.done $0x0  }
0x144: {  	[sflag:s21] =	ssyncadd.s32 $0xFFFFFE00  }
0x145: {  	_ =	swait.ge [sflag:s21], $0x200  }
0x146: {  	[sflag:s21] =	ssyncset.done $0x0  }
0x147: {  	[sflag:s21] =	ssyncadd.s32 $0xFFFFFE00  }
0x148: {  	_ =	swait.ge [sflag:s21], $0x200  }
0x149: {  	[sflag:s21] =	ssyncset.done $0x0  }
0x14a: {  	[sflag:s21] =	ssyncadd.s32 $0xFFFFFE00  }
0x14b: {  	_ =	swait.ge [sflag:s21], $0x200  }
0x14c: {  	[sflag:s21] =	ssyncset.done $0x0  }
0x14d: {  	[sflag:s21] =	ssyncadd.s32 $0xFFFFFE00  }
0x14e: {  	_ =	swait.ge [sflag:s21], $0x200  }
0x14f: {  	[sflag:s21] =	ssyncset.done $0x0  }
0x150: {  	[sflag:s21] =	ssyncadd.s32 $0xFFFFFE00  }
0x151: {  	_ =	swait.ge [sflag:s21], $0x200  }
0x152: {  	[sflag:s21] =	ssyncset.done $0x0  }
0x153: {  	[sflag:s21] =	ssyncadd.s32 $0xFFFFFE00  }
0x154: {  	_ =	swait.ge [sflag:s21], $0x200  }
0x155: {  	[sflag:s21] =	ssyncset.done $0x0  }
0x156: {  	[sflag:s21] =	ssyncadd.s32 $0xFFFFFE00  }
0x157: {  	_ =	swait.ge [sflag:s21], $0x200  }
0x158: {  	[sflag:s21] =	ssyncset.done $0x0  }
0x159: {  	[sflag:s21] =	ssyncadd.s32 $0xFFFFFE00  }
0x15a: {  	_ =	swait.ge [sflag:s21], $0x200  }
0x15b: {  	[sflag:s21] =	ssyncset.done $0x0  }
0x15c: {  	[sflag:s21] =	ssyncadd.s32 $0xFFFFFE00  }
0x15d: {  	_ =	swait.ge [sflag:s21], $0x200  }
0x15e: {  	[sflag:s21] =	ssyncset.done $0x0  }
0x15f: {  	[sflag:s21] =	ssyncadd.s32 $0xFFFFFE00  }
0x160: {  	_ =	swait.ge [sflag:s21], $0x200  }
0x161: {  	[sflag:s21] =	ssyncset.done $0x0  }
0x162: {  	[sflag:s21] =	ssyncadd.s32 $0xFFFFFE00  }
0x163: {  	_ =	swait.ge [sflag:s21], $0x200  }
0x164: {  	[sflag:s21] =	ssyncset.done $0x0  }
0x165: {  	[sflag:s21] =	ssyncadd.s32 $0xFFFFFE00  }
0x166: {  	_ =	swait.ge [sflag:s22], $0x200  }
0x167: {  	[sflag:s22] =	ssyncset.done $0x0  }
0x168: {  	[sflag:s22] =	ssyncadd.s32 $0xFFFFFE00  }
0x169: {  	_ =	swait.ge [sflag:s22], $0x200  }
0x16a: {  	[sflag:s22] =	ssyncset.done $0x0  }
0x16b: {  	[sflag:s22] =	ssyncadd.s32 $0xFFFFFE00  }
0x16c: {  	_ =	swait.ge [sflag:s22], $0x200  }
0x16d: {  	[sflag:s22] =	ssyncset.done $0x0  }
0x16e: {  	[sflag:s22] =	ssyncadd.s32 $0xFFFFFE00  }
0x16f: {  	_ =	swait.ge [sflag:s22], $0x200  }
0x170: {  	[sflag:s22] =	ssyncset.done $0x0  }
0x171: {  	[sflag:s22] =	ssyncadd.s32 $0xFFFFFE00  }
0x172: {  	_ =	swait.ge [sflag:s22], $0x200  }
0x173: {  	[sflag:s22] =	ssyncset.done $0x0  }
0x174: {  	[sflag:s22] =	ssyncadd.s32 $0xFFFFFE00  }
0x175: {  	_ =	swait.ge [sflag:s22], $0x200  }
0x176: {  	[sflag:s22] =	ssyncset.done $0x0  }
0x177: {  	[sflag:s22] =	ssyncadd.s32 $0xFFFFFE00  }
0x178: {  	_ =	swait.ge [sflag:s22], $0x200  }
0x179: {  	[sflag:s22] =	ssyncset.done $0x0  }
0x17a: {  	[sflag:s22] =	ssyncadd.s32 $0xFFFFFE00  }
0x17b: {  	_ =	swait.ge [sflag:s22], $0x200  }
0x17c: {  	[sflag:s22] =	ssyncset.done $0x0  }
0x17d: {  	[sflag:s22] =	ssyncadd.s32 $0xFFFFFE00  }
0x17e: {  	_ =	swait.ge [sflag:s22], $0x200  }
0x17f: {  	[sflag:s22] =	ssyncset.done $0x0  }
0x180: {  	[sflag:s22] =	ssyncadd.s32 $0xFFFFFE00  }
0x181: {  	_ =	swait.ge [sflag:s22], $0x200  }
0x182: {  	[sflag:s22] =	ssyncset.done $0x0  }
0x183: {  	[sflag:s22] =	ssyncadd.s32 $0xFFFFFE00  }
0x184: {  	_ =	swait.ge [sflag:s22], $0x200  }
0x185: {  	[sflag:s22] =	ssyncset.done $0x0  }
0x186: {  	[sflag:s22] =	ssyncadd.s32 $0xFFFFFE00  }
0x187: {  	_ =	swait.ge [sflag:s22], $0x200  }
0x188: {  	[sflag:s22] =	ssyncset.done $0x0  }
0x189: {  	[sflag:s22] =	ssyncadd.s32 $0xFFFFFE00  }
0x18a: {  	_ =	swait.ge [sflag:s22], $0x200  }
0x18b: {  	[sflag:s22] =	ssyncset.done $0x0  }
0x18c: {  	[sflag:s22] =	ssyncadd.s32 $0xFFFFFE00  }
0x18d: {  	_ =	swait.ge [sflag:s22], $0x200  }
0x18e: {  	[sflag:s22] =	ssyncset.done $0x0  }
0x18f: {  	[sflag:s22] =	ssyncadd.s32 $0xFFFFFE00  }
0x190: {  	_ =	swait.ge [sflag:s22], $0x200  }
0x191: {  	[sflag:s22] =	ssyncset.done $0x0  }
0x192: {  	[sflag:s22] =	ssyncadd.s32 $0xFFFFFE00  }
0x193: {  	_ =	swait.ge [sflag:s22], $0x200  }
0x194: {  	[sflag:s22] =	ssyncset.done $0x0  }
0x195: {  	[sflag:s22] =	ssyncadd.s32 $0xFFFFFE00  }
0x196: {  	_ =	swait.ge [sflag:s22], $0x200  }
0x197: {  	[sflag:s22] =	ssyncset.done $0x0  }
0x198: {  	[sflag:s22] =	ssyncadd.s32 $0xFFFFFE00  }
0x199: {  	_ =	swait.ge [sflag:s22], $0x200  }
0x19a: {  	[sflag:s22] =	ssyncset.done $0x0  }
0x19b: {  	[sflag:s22] =	ssyncadd.s32 $0xFFFFFE00  }
0x19c: {  	_ =	swait.ge [sflag:s22], $0x200  }
0x19d: {  	[sflag:s22] =	ssyncset.done $0x0  }
0x19e: {  	[sflag:s22] =	ssyncadd.s32 $0xFFFFFE00  }
0x19f: {  	_ =	swait.ge [sflag:s22], $0x200  }
0x1a0: {  	[sflag:s22] =	ssyncset.done $0x0  }
0x1a1: {  	[sflag:s22] =	ssyncadd.s32 $0xFFFFFE00  }
0x1a2: {  	_ =	swait.ge [sflag:s22], $0x200  }
0x1a3: {  	[sflag:s22] =	ssyncset.done $0x0  }
0x1a4: {  	[sflag:s22] =	ssyncadd.s32 $0xFFFFFE00  }
0x1a5: {  	_ =	swait.ge [sflag:s22], $0x200  }
0x1a6: {  	[sflag:s22] =	ssyncset.done $0x0  }
0x1a7: {  	[sflag:s22] =	ssyncadd.s32 $0xFFFFFE00  }
0x1a8: {  	_ =	swait.ge [sflag:s22], $0x200  }
0x1a9: {  	[sflag:s22] =	ssyncset.done $0x0  }
0x1aa: {  	[sflag:s22] =	ssyncadd.s32 $0xFFFFFE00  }
0x1ab: {  	_ =	swait.ge [sflag:s22], $0x200  }
0x1ac: {  	[sflag:s22] =	ssyncset.done $0x0  }
0x1ad: {  	[sflag:s22] =	ssyncadd.s32 $0xFFFFFE00  }
0x1ae: {  	_ =	swait.ge [sflag:s22], $0x200  }
0x1af: {  	[sflag:s22] =	ssyncset.done $0x0  }
0x1b0: {  	[sflag:s22] =	ssyncadd.s32 $0xFFFFFE00  }
0x1b1: {  	_ =	swait.ge [sflag:s22], $0x200  }
0x1b2: {  	[sflag:s22] =	ssyncset.done $0x0  }
0x1b3: {  	[sflag:s22] =	ssyncadd.s32 $0xFFFFFE00  }
0x1b4: {  	_ =	swait.ge [sflag:s22], $0x200  }
0x1b5: {  	[sflag:s22] =	ssyncset.done $0x0  }
0x1b6: {  	[sflag:s22] =	ssyncadd.s32 $0xFFFFFE00  }
0x1b7: {  	_ =	swait.ge [sflag:s22], $0x200  }
0x1b8: {  	[sflag:s22] =	ssyncset.done $0x0  }
0x1b9: {  	[sflag:s22] =	ssyncadd.s32 $0xFFFFFE00  }
0x1ba: {  	_ =	swait.ge [sflag:s22], $0x200  }
0x1bb: {  	[sflag:s22] =	ssyncset.done $0x0  }
0x1bc: {  	[sflag:s22] =	ssyncadd.s32 $0xFFFFFE00  }
0x1bd: {  	_ =	swait.ge [sflag:s22], $0x200  }
0x1be: {  	[sflag:s22] =	ssyncset.done $0x0  }
0x1bf: {  	[sflag:s22] =	ssyncadd.s32 $0xFFFFFE00  }
0x1c0: {  	_ =	swait.ge [sflag:s22], $0x200  }
0x1c1: {  	[sflag:s22] =	ssyncset.done $0x0  }
0x1c2: {  	[sflag:s22] =	ssyncadd.s32 $0xFFFFFE00  }
0x1c3: {  	_ =	swait.ge [sflag:s22], $0x200  }
0x1c4: {  	[sflag:s22] =	ssyncset.done $0x0  }
0x1c5: {  	s26 =	simm.s32 $0x0;
	[sflag:s22] =	ssyncadd.s32 $0xFFFFFE00  }
0x1c6: {  	v0 =	vld [tilespmem:s26+$0x800]  }
0x1c7: {  	v1 =	vld [tilespmem:s26+$0x4800]  }
0x1c8: {  	v2 =	vld [tilespmem:s26+$0xA00]  }
0x1c9: {  	v3 =	vld [tilespmem:s26+$0x4A00]  }
0x1ca: {  	v4 =	vld [tilespmem:s26+$0xC00]  }
0x1cb: {  	v5 =	vld [tilespmem:s26+$0x4C00]  }
0x1cc: {  	v7 =	vld [tilespmem:s26+$0x4E00];
	v0 =	vmul.f32 v1, v0  }
0x1cd: {  	v6 =	vimm.f32 $0.0e+00;
	v1 =	vld [tilespmem:s26+$0xE00]  }
0x1ce: {  	v2 =	vmul.f32 v3, v2;
	v3 =	vld [tilespmem:s26+$0x1000];
	v0 =	vadd.f32 v0, v6  }
0x1cf: {  	v6 =	vld [tilespmem:s26+$0x5000]  }
0x1d0: {  	v0 =	vadd.f32 v2, v0;
	v2 =	vmul.f32 v5, v4;
	v4 =	vld [tilespmem:s26+$0x1200]  }
0x1d1: {  	v5 =	vld [tilespmem:s26+$0x5200]  }
0x1d2: {  	v1 =	vmul.f32 v7, v1;
	v7 =	vld [tilespmem:s26+$0x5400];
	v0 =	vadd.f32 v2, v0  }
0x1d3: {  	v2 =	vld [tilespmem:s26+$0x1400]  }
0x1d4: {  	v0 =	vadd.f32 v1, v0;
	v1 =	vmul.f32 v6, v3;
	v3 =	vld [tilespmem:s26+$0x1600]  }
0x1d5: {  	v6 =	vld [tilespmem:s26+$0x5600]  }
0x1d6: {  	v0 =	vadd.f32 v1, v0;
	v1 =	vmul.f32 v5, v4;
	v4 =	vld [tilespmem:s26+$0x1800]  }
0x1d7: {  	v5 =	vld [tilespmem:s26+$0x5800]  }
0x1d8: {  	v0 =	vadd.f32 v1, v0;
	v1 =	vmul.f32 v7, v2;
	v2 =	vld [tilespmem:s26+$0x1A00]  }
0x1d9: {  	v7 =	vld [tilespmem:s26+$0x5A00]  }
0x1da: {  	v0 =	vadd.f32 v1, v0;
	v1 =	vmul.f32 v6, v3;
	v3 =	vld [tilespmem:s26+$0x1C00]  }
0x1db: {  	v6 =	vld [tilespmem:s26+$0x5C00]  }
0x1dc: {  	v0 =	vadd.f32 v1, v0;
	v1 =	vmul.f32 v5, v4;
	v4 =	vld [tilespmem:s26+$0x1E00]  }
0x1dd: {  	v5 =	vld [tilespmem:s26+$0x5E00]  }
0x1de: {  	v0 =	vadd.f32 v1, v0;
	v1 =	vmul.f32 v7, v2;
	v2 =	vld [tilespmem:s26+$0x2000]  }
0x1df: {  	v7 =	vld [tilespmem:s26+$0x6000]  }
0x1e0: {  	v0 =	vadd.f32 v1, v0;
	v1 =	vmul.f32 v6, v3;
	v3 =	vld [tilespmem:s26+$0x2200]  }
0x1e1: {  	v6 =	vld [tilespmem:s26+$0x6200]  }
0x1e2: {  	v0 =	vadd.f32 v1, v0;
	v1 =	vmul.f32 v5, v4;
	v4 =	vld [tilespmem:s26+$0x2400]  }
0x1e3: {  	v5 =	vld [tilespmem:s26+$0x6400]  }
0x1e4: {  	v0 =	vadd.f32 v1, v0;
	v1 =	vmul.f32 v7, v2;
	v2 =	vld [tilespmem:s26+$0x2600]  }
0x1e5: {  	v7 =	vld [tilespmem:s26+$0x6600]  }
0x1e6: {  	v0 =	vadd.f32 v1, v0;
	v1 =	vmul.f32 v6, v3;
	v3 =	vld [tilespmem:s26+$0x2800]  }
0x1e7: {  	v6 =	vld [tilespmem:s26+$0x6800]  }
0x1e8: {  	v0 =	vadd.f32 v1, v0;
	v1 =	vmul.f32 v5, v4;
	v4 =	vld [tilespmem:s26+$0x2A00]  }
0x1e9: {  	v5 =	vld [tilespmem:s26+$0x6A00]  }
0x1ea: {  	v0 =	vadd.f32 v1, v0;
	v1 =	vmul.f32 v7, v2;
	v2 =	vld [tilespmem:s26+$0x2C00]  }
0x1eb: {  	v7 =	vld [tilespmem:s26+$0x6C00]  }
0x1ec: {  	v0 =	vadd.f32 v1, v0;
	v1 =	vmul.f32 v6, v3;
	v3 =	vld [tilespmem:s26+$0x2E00]  }
0x1ed: {  	v6 =	vld [tilespmem:s26+$0x6E00]  }
0x1ee: {  	v0 =	vadd.f32 v1, v0;
	v1 =	vmul.f32 v5, v4;
	v4 =	vld [tilespmem:s26+$0x3000]  }
0x1ef: {  	v5 =	vld [tilespmem:s26+$0x7000]  }
0x1f0: {  	v0 =	vadd.f32 v1, v0;
	v1 =	vmul.f32 v7, v2;
	v2 =	vld [tilespmem:s26+$0x3200]  }
0x1f1: {  	v7 =	vld [tilespmem:s26+$0x7200]  }
0x1f2: {  	v0 =	vadd.f32 v1, v0;
	v1 =	vmul.f32 v6, v3;
	v3 =	vld [tilespmem:s26+$0x3400]  }
0x1f3: {  	v6 =	vld [tilespmem:s26+$0x7400]  }
0x1f4: {  	v0 =	vadd.f32 v1, v0;
	v1 =	vmul.f32 v5, v4;
	v4 =	vld [tilespmem:s26+$0x3600]  }
0x1f5: {  	v5 =	vld [tilespmem:s26+$0x7600]  }
0x1f6: {  	v0 =	vadd.f32 v1, v0;
	v1 =	vmul.f32 v7, v2;
	v2 =	vld [tilespmem:s26+$0x3800]  }
0x1f7: {  	v7 =	vld [tilespmem:s26+$0x7800]  }
0x1f8: {  	v0 =	vadd.f32 v1, v0;
	v1 =	vmul.f32 v6, v3;
	v3 =	vld [tilespmem:s26+$0x3A00]  }
0x1f9: {  	v6 =	vld [tilespmem:s26+$0x7A00]  }
0x1fa: {  	v0 =	vadd.f32 v1, v0;
	v1 =	vmul.f32 v5, v4;
	v4 =	vld [tilespmem:s26+$0x3C00]  }
0x1fb: {  	v5 =	vld [tilespmem:s26+$0x7C00]  }
0x1fc: {  	v0 =	vadd.f32 v1, v0;
	v1 =	vmul.f32 v7, v2;
	v2 =	vld [tilespmem:s26+$0x3E00]  }
0x1fd: {  	v7 =	vld [tilespmem:s26+$0x7E00]  }
0x1fe: {  	v8 =	vld [tilespmem:s26+$0x8000];
	v0 =	vadd.f32 v1, v0;
	v1 =	vmul.f32 v6, v3  }
0x1ff: {  	v6 =	vld [tilespmem:s26+$0x4000]  }
0x200: {  	v9 =	vld [tilespmem:s26+$0x4200];
	v0 =	vadd.f32 v1, v0;
	v1 =	vmul.f32 v5, v4  }
0x201: {  	v10 =	vld [tilespmem:s26+$0x8200]  }
0x202: {  	v3 =	vld [tilespmem:s26+$0x8400];
	v2 =	vmul.f32 v7, v2;
	v1 =	vadd.f32 v1, v0  }
0x203: {  	v0 =	vld [tilespmem:s26+$0x4400]  }
0x204: {  	v4 =	vld [tilespmem:s26+$0x8600];
	v6 =	vmul.f32 v8, v6;
	v5 =	vadd.f32 v2, v1  }
0x205: {  	s24 =	simm.s32 $0x10;
	v1 =	vld [tilespmem:s26+$0x4600]  }
0x206: {  	s25 =	simm.s32 $0x80;
	v2 =	vld [tilespmem:s24+$0x800];
	v5 =	vadd.f32 v6, v5;
	v6 =	vmul.f32 v10, v9  }
.LBB2_6:
0x207: {  	p0 =	sne.s32 s25, $0x7C0;
	v7 =	vld [tilespmem:s24+$0x4800]  }
0x208: {  	v8 =	vld [tilespmem:s24+$0xA00];
	v5 =	vadd.f32 v6, v5;
	v0 =	vmul.f32 v3, v0  }
0x209: {  	v3 =	vld [tilespmem:s24+$0x4A00]  }
0x20a: {  	v6 =	vld [tilespmem:s24+$0xC00];
	v0 =	vadd.f32 v0, v5;
	v1 =	vmul.f32 v4, v1  }
0x20b: {  	v4 =	vld [tilespmem:s24+$0x4C00]  }
0x20c: {  	v2 =	vmul.f32 v7, v2;
	v5 =	vld [tilespmem:s24+$0xE00];
	v0 =	vadd.f32 v1, v0  }
0x20d: {  	v1 =	vld [tilespmem:s24+$0x4E00]  }
0x20e: {  	v0 =	vadd.f32 v2, v0;
	v2 =	vmul.f32 v3, v8;
	v3 =	vld [tilespmem:s24+$0x1000]  }
0x20f: {  	v7 =	vld [tilespmem:s24+$0x5000]  }
0x210: {  	v0 =	vadd.f32 v2, v0;
	v2 =	vmul.f32 v4, v6;
	v4 =	vld [tilespmem:s24+$0x1200]  }
0x211: {  	v6 =	vld [tilespmem:s24+$0x5200]  }
0x212: {  	v0 =	vadd.f32 v2, v0;
	v1 =	vmul.f32 v1, v5;
	v2 =	vld [tilespmem:s24+$0x1400]  }
0x213: {  	v5 =	vld [tilespmem:s24+$0x5400]  }
0x214: {  	v0 =	vadd.f32 v1, v0;
	v1 =	vmul.f32 v7, v3;
	v3 =	vld [tilespmem:s24+$0x1600]  }
0x215: {  	v7 =	vld [tilespmem:s24+$0x5600]  }
0x216: {  	v0 =	vadd.f32 v1, v0;
	v1 =	vmul.f32 v6, v4;
	v4 =	vld [tilespmem:s24+$0x1800]  }
0x217: {  	v6 =	vld [tilespmem:s24+$0x5800]  }
0x218: {  	v0 =	vadd.f32 v1, v0;
	v1 =	vmul.f32 v5, v2;
	v2 =	vld [tilespmem:s24+$0x1A00]  }
0x219: {  	v5 =	vld [tilespmem:s24+$0x5A00]  }
0x21a: {  	v0 =	vadd.f32 v1, v0;
	v1 =	vmul.f32 v7, v3;
	v3 =	vld [tilespmem:s24+$0x1C00]  }
0x21b: {  	v7 =	vld [tilespmem:s24+$0x5C00]  }
0x21c: {  	v0 =	vadd.f32 v1, v0;
	v1 =	vmul.f32 v6, v4;
	v4 =	vld [tilespmem:s24+$0x1E00]  }
0x21d: {  	v6 =	vld [tilespmem:s24+$0x5E00]  }
0x21e: {  	v0 =	vadd.f32 v1, v0;
	v1 =	vmul.f32 v5, v2;
	v2 =	vld [tilespmem:s24+$0x2000]  }
0x21f: {  	v5 =	vld [tilespmem:s24+$0x6000]  }
0x220: {  	v0 =	vadd.f32 v1, v0;
	v1 =	vmul.f32 v7, v3;
	v3 =	vld [tilespmem:s24+$0x2200]  }
0x221: {  	v7 =	vld [tilespmem:s24+$0x6200]  }
0x222: {  	v0 =	vadd.f32 v1, v0;
	v1 =	vmul.f32 v6, v4;
	v4 =	vld [tilespmem:s24+$0x2400]  }
0x223: {  	v6 =	vld [tilespmem:s24+$0x6400]  }
0x224: {  	v0 =	vadd.f32 v1, v0;
	v1 =	vmul.f32 v5, v2;
	v2 =	vld [tilespmem:s24+$0x2600]  }
0x225: {  	v5 =	vld [tilespmem:s24+$0x6600]  }
0x226: {  	v0 =	vadd.f32 v1, v0;
	v1 =	vmul.f32 v7, v3;
	v3 =	vld [tilespmem:s24+$0x2800]  }
0x227: {  	v7 =	vld [tilespmem:s24+$0x6800]  }
0x228: {  	v0 =	vadd.f32 v1, v0;
	v1 =	vmul.f32 v6, v4;
	v4 =	vld [tilespmem:s24+$0x2A00]  }
0x229: {  	v6 =	vld [tilespmem:s24+$0x6A00]  }
0x22a: {  	v0 =	vadd.f32 v1, v0;
	v1 =	vmul.f32 v5, v2;
	v2 =	vld [tilespmem:s24+$0x2C00]  }
0x22b: {  	v5 =	vld [tilespmem:s24+$0x6C00]  }
0x22c: {  	v0 =	vadd.f32 v1, v0;
	v1 =	vmul.f32 v7, v3;
	v3 =	vld [tilespmem:s24+$0x2E00]  }
0x22d: {  	v7 =	vld [tilespmem:s24+$0x6E00]  }
0x22e: {  	v0 =	vadd.f32 v1, v0;
	v1 =	vmul.f32 v6, v4;
	v4 =	vld [tilespmem:s24+$0x3000]  }
0x22f: {  	v6 =	vld [tilespmem:s24+$0x7000]  }
0x230: {  	v0 =	vadd.f32 v1, v0;
	v1 =	vmul.f32 v5, v2;
	v2 =	vld [tilespmem:s24+$0x3200]  }
0x231: {  	v5 =	vld [tilespmem:s24+$0x7200]  }
0x232: {  	v0 =	vadd.f32 v1, v0;
	v1 =	vmul.f32 v7, v3;
	v3 =	vld [tilespmem:s24+$0x3400]  }
0x233: {  	v7 =	vld [tilespmem:s24+$0x7400]  }
0x234: {  	v0 =	vadd.f32 v1, v0;
	v1 =	vmul.f32 v6, v4;
	v4 =	vld [tilespmem:s24+$0x3600]  }
0x235: {  	v6 =	vld [tilespmem:s24+$0x7600]  }
0x236: {  	v0 =	vadd.f32 v1, v0;
	v1 =	vmul.f32 v5, v2;
	v2 =	vld [tilespmem:s24+$0x3800]  }
0x237: {  	v5 =	vld [tilespmem:s24+$0x7800]  }
0x238: {  	v0 =	vadd.f32 v1, v0;
	v1 =	vmul.f32 v7, v3;
	v3 =	vld [tilespmem:s24+$0x3A00]  }
0x239: {  	v7 =	vld [tilespmem:s24+$0x7A00]  }
0x23a: {  	v0 =	vadd.f32 v1, v0;
	v1 =	vmul.f32 v6, v4;
	v4 =	vld [tilespmem:s24+$0x3C00]  }
0x23b: {  	v6 =	vld [tilespmem:s24+$0x7C00]  }
0x23c: {  	v0 =	vadd.f32 v1, v0;
	v1 =	vmul.f32 v5, v2;
	v2 =	vld [tilespmem:s24+$0x3E00]  }
0x23d: {  	v5 =	vld [tilespmem:s24+$0x7E00]  }
0x23e: {  	v0 =	vadd.f32 v1, v0;
	v1 =	vmul.f32 v7, v3;
	v7 =	vld [tilespmem:s24+$0x4000]  }
0x23f: {  	v8 =	vld [tilespmem:s24+$0x8000]  }
0x240: {  	v0 =	vadd.f32 v1, v0;
	v1 =	vmul.f32 v6, v4;
	v6 =	vld [tilespmem:s24+$0x4200]  }
0x241: {  	v9 =	vld [tilespmem:s24+$0x8200]  }
.Ltmp2:
0x242: {  	v1 =	vadd.f32 v1, v0;
	v2 =	vmul.f32 v5, v2;
	v0 =	vld [tilespmem:s24+$0x4400];
	(pc) =	sbr.rel @p0 .LBB2_6-.Ltmp2, $4  }
0x243: {  	v3 =	vld [tilespmem:s24+$0x8400]  }
0x244: {  	v5 =	vadd.f32 v2, v1;
	v7 =	vmul.f32 v8, v7;
	v1 =	vld [tilespmem:s24+$0x4600]  }
0x245: {  	v4 =	vld [tilespmem:s24+$0x8600];
	s24 =	sshra.s32 s25, $0x2  }
0x246: {  	s25 =	sadd.s32 $0x40, s25;
	v2 =	vld [tilespmem:s24+$0x800];
	v5 =	vadd.f32 v7, v5;
	v6 =	vmul.f32 v9, v6  }
0x247: {  	v7 =	vld [tilespmem:s24+$0x4800]  }
0x248: {  	v8 =	vld [tilespmem:s24+$0xA00];
	v5 =	vadd.f32 v6, v5;
	v0 =	vmul.f32 v3, v0  }
0x249: {  	v28 =	vld [tilespmem:s24+$0x4A00]  }
0x24a: {  	v29 =	vld [tilespmem:s24+$0xC00];
	v0 =	vadd.f32 v0, v5;
	v1 =	vmul.f32 v4, v1  }
0x24b: {  	v30 =	vld [tilespmem:s24+$0x4C00]  }
0x24c: {  	v31 =	vld [tilespmem:s24+$0xE00];
	v2 =	vmul.f32 v7, v2;
	v0 =	vadd.f32 v1, v0  }
0x24d: {  	v32 =	vld [tilespmem:s24+$0x4E00]  }
0x24e: {  	v34 =	vld [tilespmem:s24+$0x1000];
	v33 =	vmul.f32 v28, v8;
	v0 =	vadd.f32 v2, v0  }
0x24f: {  	v35 =	vld [tilespmem:s24+$0x5000]  }
0x250: {  	v37 =	vld [tilespmem:s24+$0x1200];
	v36 =	vmul.f32 v30, v29;
	v0 =	vadd.f32 v33, v0  }
0x251: {  	v38 =	vld [tilespmem:s24+$0x5200]  }
0x252: {  	v39 =	vld [tilespmem:s24+$0x1400];
	v1 =	vmul.f32 v32, v31;
	v0 =	vadd.f32 v36, v0  }
0x253: {  	v40 =	vld [tilespmem:s24+$0x5400]  }
0x254: {  	v42 =	vld [tilespmem:s24+$0x1600];
	v41 =	vmul.f32 v35, v34;
	v0 =	vadd.f32 v1, v0  }
0x255: {  	v43 =	vld [tilespmem:s24+$0x5600]  }
0x256: {  	v45 =	vld [tilespmem:s24+$0x1800];
	v44 =	vmul.f32 v38, v37;
	v0 =	vadd.f32 v41, v0  }
0x257: {  	v46 =	vld [tilespmem:s24+$0x5800]  }
0x258: {  	v48 =	vld [tilespmem:s24+$0x1A00];
	v47 =	vmul.f32 v40, v39;
	v0 =	vadd.f32 v44, v0  }
0x259: {  	v49 =	vld [tilespmem:s24+$0x5A00]  }
0x25a: {  	v51 =	vld [tilespmem:s24+$0x1C00];
	v50 =	vmul.f32 v43, v42;
	v0 =	vadd.f32 v47, v0  }
0x25b: {  	v52 =	vld [tilespmem:s24+$0x5C00]  }
0x25c: {  	v54 =	vld [tilespmem:s24+$0x1E00];
	v53 =	vmul.f32 v46, v45;
	v0 =	vadd.f32 v50, v0  }
0x25d: {  	v55 =	vld [tilespmem:s24+$0x5E00]  }
0x25e: {  	v57 =	vld [tilespmem:s24+$0x2000];
	v56 =	vmul.f32 v49, v48;
	v0 =	vadd.f32 v53, v0  }
0x25f: {  	v58 =	vld [tilespmem:s24+$0x6000]  }
0x260: {  	v60 =	vld [tilespmem:s24+$0x2200];
	v59 =	vmul.f32 v52, v51;
	v0 =	vadd.f32 v56, v0  }
0x261: {  	v61 =	vld [tilespmem:s24+$0x6200]  }
0x262: {  	v63 =	vld [tilespmem:s24+$0x2400];
	v62 =	vmul.f32 v55, v54;
	v0 =	vadd.f32 v59, v0  }
0x263: {  	v9 =	vld [tilespmem:s24+$0x6400]  }
0x264: {  	v11 =	vld [tilespmem:s24+$0x2600];
	v10 =	vmul.f32 v58, v57;
	v0 =	vadd.f32 v62, v0  }
0x265: {  	v12 =	vld [tilespmem:s24+$0x6600]  }
0x266: {  	v14 =	vld [tilespmem:s24+$0x2800];
	v13 =	vmul.f32 v61, v60;
	v0 =	vadd.f32 v10, v0  }
0x267: {  	v15 =	vld [tilespmem:s24+$0x6800]  }
0x268: {  	v17 =	vld [tilespmem:s24+$0x2A00];
	v16 =	vmul.f32 v9, v63;
	v0 =	vadd.f32 v13, v0  }
0x269: {  	v18 =	vld [tilespmem:s24+$0x6A00]  }
0x26a: {  	v20 =	vld [tilespmem:s24+$0x2C00];
	v19 =	vmul.f32 v12, v11;
	v0 =	vadd.f32 v16, v0  }
0x26b: {  	v21 =	vld [tilespmem:s24+$0x6C00]  }
0x26c: {  	v23 =	vld [tilespmem:s24+$0x2E00];
	v22 =	vmul.f32 v15, v14;
	v0 =	vadd.f32 v19, v0  }
0x26d: {  	v24 =	vld [tilespmem:s24+$0x6E00]  }
0x26e: {  	v26 =	vld [tilespmem:s24+$0x3000];
	v25 =	vmul.f32 v18, v17;
	v0 =	vadd.f32 v22, v0  }
0x26f: {  	v27 =	vld [tilespmem:s24+$0x7000]  }
0x270: {  	v28 =	vmul.f32 v21, v20;
	v29 =	vld [tilespmem:s24+$0x3200];
	v0 =	vadd.f32 v25, v0  }
0x271: {  	v30 =	vld [tilespmem:s24+$0x7200]  }
0x272: {  	v31 =	vmul.f32 v24, v23;
	v32 =	vld [tilespmem:s24+$0x3400];
	v0 =	vadd.f32 v28, v0  }
0x273: {  	v33 =	vld [tilespmem:s24+$0x7400]  }
0x274: {  	v34 =	vmul.f32 v27, v26;
	v35 =	vld [tilespmem:s24+$0x3600];
	v0 =	vadd.f32 v31, v0  }
0x275: {  	v36 =	vld [tilespmem:s24+$0x7600]  }
0x276: {  	v38 =	vld [tilespmem:s24+$0x3800];
	v37 =	vmul.f32 v30, v29;
	v0 =	vadd.f32 v34, v0  }
0x277: {  	v39 =	vld [tilespmem:s24+$0x7800]  }
0x278: {  	v42 =	vld [tilespmem:s24+$0x7A00];
	v40 =	vmul.f32 v33, v32;
	v0 =	vadd.f32 v37, v0  }
0x279: {  	v41 =	vld [tilespmem:s24+$0x3A00]  }
0x27a: {  	v45 =	vld [tilespmem:s24+$0x7C00];
	v43 =	vmul.f32 v36, v35;
	v0 =	vadd.f32 v40, v0  }
0x27b: {  	v44 =	vld [tilespmem:s24+$0x3C00]  }
0x27c: {  	v48 =	vld [tilespmem:s24+$0x7E00];
	v46 =	vmul.f32 v39, v38;
	v0 =	vadd.f32 v43, v0  }
0x27d: {  	v47 =	vld [tilespmem:s24+$0x3E00]  }
0x27e: {  	v51 =	vld [tilespmem:s24+$0x8000];
	v49 =	vmul.f32 v42, v41;
	v0 =	vadd.f32 v46, v0  }
0x27f: {  	v50 =	vld [tilespmem:s24+$0x4000]  }
0x280: {  	v54 =	vld [tilespmem:s24+$0x8200];
	v52 =	vmul.f32 v45, v44;
	v0 =	vadd.f32 v49, v0  }
0x281: {  	v53 =	vld [tilespmem:s24+$0x4200]  }
0x282: {  	v57 =	vld [tilespmem:s24+$0x8400];
	v55 =	vmul.f32 v48, v47;
	v0 =	vadd.f32 v52, v0  }
0x283: {  	v56 =	vld [tilespmem:s24+$0x4400]  }
0x284: {  	v60 =	vld [tilespmem:s24+$0x8600];
	v58 =	vmul.f32 v51, v50;
	v0 =	vadd.f32 v55, v0  }
0x285: {  	v59 =	vld [tilespmem:s24+$0x4600]  }
0x286: {  	v61 =	vmul.f32 v54, v53;
	v0 =	vadd.f32 v58, v0;
	_ =	sdelay $0x1  }
0x287: {  	v62 =	vmul.f32 v57, v56;
	v0 =	vadd.f32 v61, v0;
	_ =	sdelay $0x1  }
0x288: {  	v63 =	vmul.f32 v60, v59;
	v0 =	vadd.f32 v62, v0;
	_ =	sdelay $0x1  }
0x289: {  	v0 =	vadd.f32 v63, v0;
	_ =	sdelay $0x1  }
0x28a: {  	s25 =	rddreg [dreg:$0x19];
	s26 =	simm.s32 $0x8E00;
	s24 =	simm.s32 $0x0;
	[tilespmem:$0x8E00] =	vst v0  }
0x28b: {  	[hbm4b:s25+s24] =	stream.linear.scatter [tilespmem:s26], [sflag:$0x5], $0x10, $0x38;
	[tilespmem:$0x8E80] =	vst v63  }
0x28c: {  	_ =	swait.ge [sflag:s20], $0x10  }
0x28d: {  	s23 =	sadd.s32 $0x1, s23;
	s26 =	rddreg [dreg:$0x1a]  }
0x28e: {  	p0 =	sne.s32 s23, s26  }
.Ltmp3:
0x28f: {  	_ = 	snop;
	(pc) =	sbr.rel @p0 .LBB2_1-.Ltmp3, $3  }
0x290: {  	_ =	sdelay $0x1  }
0x291: {  	[sflag:s20] =	ssyncset.done $0x0  }
0x292: {  	[sflag:s20] =	ssyncadd.s32 $0xFFFFFFF0  }
0x293: {  	_ =	sfence.sel $0x180000  }
0x294: {  	[bflag:$0x0] =	sbarrier.arrive $0xFFFF  }
0x295: {  	_ =	strace $0x90000047  }
0x296: {  	s0 =	stileid.u32;
	[bflag:$0x2] =	sbarrier.arrive $0xFFFF  }
0x297: {  	p0 =	sne.s32 s0, $0x0;
	s0 =	rddreg [dreg:$0x7]  }
0x298: {  	s0 =	sadd.s32 @!p0 $0x100000, s0  }
0x299: {  	[sflag:s0] =	ssyncadd.tile.s32 @!p0 $0x1;
	_ =	shalt  }
.Lfunc_end2:
_tile_overlayer_lowered:
.L_overlay_start_2:
0x29a: {  	(tag) =	ssettag $0x2  }
0x29b: {  	s0 =	rddreg [dreg:$0x0];
	s2 =	stileid.u32  }
0x29c: {  	s1 =	rddreg [dreg:$0x1];
	p0 =	sne.s32 s2, $0x0  }
0x29d: {  	s3 =	rddreg [dreg:$0x2];
	[bflag:$0x3] =	sbarrier.arrive $0xFFFF;
	s2 =	simm.s32 @!p0 $0x1C05  }
0x29e: {  	[timem:s3], [sflag:s2] =	dma.local @!p0 [hbm:s0], s1  }
0x29f: {  	s0 =	simm.s32 @!p0 $0x5  }
0x2a0: {  	_ =	swait.ge @!p0 [sflag:s0], s1  }
0x2a1: {  	s1 =	ssub.s32 @!p0 $0x0, s1;
	[sflag:s0] =	ssyncset.done @!p0 $0x0  }
0x2a2: {  	[sflag:s0] =	ssyncadd.s32 @!p0 s1  }
0x2a3: {  	[bflag:$0x3] =	sbarrier.arrive $0xFFFF  }
0x2a4: {  	_ =	shalt  }

</sc_bundles>
